<compile_context>
chip_gen: v7x
topology: tpu7x:2x2x1
jax: 0.10.2.dev20260603
libtpu: 0.0.44.dev20260713+nightly
codegen_flags: <defaults>
</compile_context>

<pallas_src>
import jax
import jax.numpy as jnp
from jax import lax
from jax.experimental import pallas as pl
from jax.experimental.pallas import tpu as pltpu
from jax.experimental.pallas import tpu_sc as plsc

N_NODES = 10000
D = 128
N_EDGES = 160000

N_TILES = 16
CHUNK = 128
SB = 16
N_SB = 5
CHUNKS_PER_TILE = SB * N_SB
EDGES_PAD = N_TILES * CHUNKS_PER_TILE * CHUNK
NPAD = 10240
STRIPE = NPAD // N_TILES
JUNK_ROW = N_NODES

DEG_HI = NPAD // 128
E_SUB = 1024
E_COLS = 32
E_STEP = E_SUB * E_COLS


def _sc_scatter(x_hbm, src_hbm, dst_hbm, zrows_hbm,
                agg_out,
                src_v, dst_v, rows0_v, rows1_v, acc_sh, sem0, sem1):
    c = lax.axis_index("c")
    s = lax.axis_index("s")
    r0 = s * STRIPE

    pltpu.sync_copy(zrows_hbm, rows0_v)
    for k in range(STRIPE // CHUNK):
        pltpu.sync_copy(rows0_v, acc_sh.at[pl.ds(r0 + k * CHUNK, CHUNK), :])
    plsc.subcore_barrier()

    bufs = (rows0_v, rows1_v)
    sems = (sem0, sem1)

    def body(g, carry):
        pltpu.sync_copy(src_hbm.at[c, s, pl.ds(g * SB, SB)], src_v)
        pltpu.sync_copy(dst_hbm.at[c, s, pl.ds(g * SB, SB)], dst_v)
        pend = pltpu.async_copy(x_hbm.at[src_v.at[0]], bufs[0], sems[0])
        for j in range(SB):
            pend.wait()
            if j + 1 < SB:
                pend = pltpu.async_copy(
                    x_hbm.at[src_v.at[j + 1]], bufs[(j + 1) % 2], sems[(j + 1) % 2])
            pltpu.sync_copy(bufs[j % 2], acc_sh.at[dst_v.at[j]], add=True)
        return carry

    lax.fori_loop(0, N_SB, body, 0)
    plsc.subcore_barrier()

    for k in range(STRIPE // CHUNK):
        rk = r0 + k * CHUNK
        pltpu.sync_copy(acc_sh.at[pl.ds(rk, CHUNK), :], rows0_v)
        pltpu.sync_copy(rows0_v, agg_out.at[c, pl.ds(rk, CHUNK), :])


def _deg_body(dst_ref, deg_ref):
    @pl.when(pl.program_id(1) == 0)
    def _():
        deg_ref[...] = jnp.zeros_like(deg_ref)

    dd = dst_ref[...].reshape(E_SUB, E_COLS)
    acc = jnp.zeros((DEG_HI, 128), jnp.float32)
    for t in range(E_COLS):
        d = dd[:, t:t + 1]
        hi = lax.shift_right_logical(d, 7)
        lo = lax.bitwise_and(d, 127)
        oh_hi = (hi == lax.broadcasted_iota(jnp.int32, (1, DEG_HI), 1)).astype(jnp.float32)
        oh_lo = (lo == lax.broadcasted_iota(jnp.int32, (1, 128), 1)).astype(jnp.float32)
        acc = acc + lax.dot_general(oh_hi, oh_lo, (((0,), (0,)), ((), ())),
                                    preferred_element_type=jnp.float32)
    deg_ref[...] = deg_ref[...] + acc[None]


BR = 5120


def _tc_body(agg_ref, deg_ref, wc_ref, wr_ref, bc_ref, br_ref, out_ref):
    a = agg_ref[...]
    dg = deg_ref[...]

    def norm(ai, di):
        ai3 = ai.reshape(BR // 128, 128, D)
        di3 = jnp.maximum(di, 1.0)[:, :, None]
        return (ai3 / di3).reshape(BR, D)

    hc = norm(a[0], dg[0])
    hr = norm(a[1], dg[1])
    out_ref[...] = (
        jnp.dot(hc, wc_ref[...], preferred_element_type=jnp.float32)
        + jnp.dot(hr, wr_ref[...], preferred_element_type=jnp.float32)
        + bc_ref[...] + br_ref[...]
    )


def kernel(feat, edge_index_cites, edge_index_refs, W_cites, b_cites, W_refs, b_refs):
    pad = EDGES_PAD - N_EDGES
    src_pad = jnp.zeros((pad,), jnp.int32)
    dst_pad = jnp.full((pad,), JUNK_ROW, jnp.int32)
    src_all = jnp.stack([
        jnp.concatenate([edge_index_cites[0], src_pad]),
        jnp.concatenate([edge_index_refs[0], src_pad]),
    ]).reshape(2, N_TILES, CHUNKS_PER_TILE, CHUNK)
    dst_flat = jnp.stack([
        jnp.concatenate([edge_index_cites[1], dst_pad]),
        jnp.concatenate([edge_index_refs[1], dst_pad]),
    ])
    dst_all = dst_flat.reshape(2, N_TILES, CHUNKS_PER_TILE, CHUNK)

    zrows = jnp.zeros((CHUNK, D), jnp.float32)

    mesh = plsc.VectorSubcoreMesh(core_axis_name="c", subcore_axis_name="s")
    agg = pl.kernel(
        _sc_scatter,
        out_type=[jax.ShapeDtypeStruct((2, NPAD, D), jnp.float32)],
        scratch_types=[
            pltpu.VMEM((SB, CHUNK), jnp.int32),
            pltpu.VMEM((SB, CHUNK), jnp.int32),
            pltpu.VMEM((CHUNK, D), jnp.float32),
            pltpu.VMEM((CHUNK, D), jnp.float32),
            pltpu.VMEM_SHARED((NPAD, D), jnp.float32),
            pltpu.SemaphoreType.DMA,
            pltpu.SemaphoreType.DMA,
        ],
        mesh=mesh,
    )(feat, src_all, dst_all, zrows)[0]

    dst_steps = dst_flat.reshape(2, EDGES_PAD // E_STEP, E_SUB, E_COLS)
    deg = pl.pallas_call(
        _deg_body,
        grid=(2, EDGES_PAD // E_STEP),
        in_specs=[pl.BlockSpec((1, 1, E_SUB, E_COLS), lambda e, i: (e, i, 0, 0))],
        out_specs=pl.BlockSpec((1, DEG_HI, 128), lambda e, i: (e, 0, 0)),
        out_shape=jax.ShapeDtypeStruct((2, DEG_HI, 128), jnp.float32),
    )(dst_steps)

    out = pl.pallas_call(
        _tc_body,
        grid=(NPAD // BR,),
        in_specs=[
            pl.BlockSpec((2, BR, D), lambda i: (0, i, 0)),
            pl.BlockSpec((2, BR // 128, 128), lambda i: (0, i, 0)),
            pl.BlockSpec((D, D), lambda i: (0, 0)),
            pl.BlockSpec((D, D), lambda i: (0, 0)),
            pl.BlockSpec((1, D), lambda i: (0, 0)),
            pl.BlockSpec((1, D), lambda i: (0, 0)),
        ],
        out_specs=pl.BlockSpec((BR, D), lambda i: (i, 0)),
        out_shape=jax.ShapeDtypeStruct((N_NODES, D), jnp.float32),
    )(agg, deg, W_cites, W_refs,
      b_cites.reshape(1, D), b_refs.reshape(1, D))
    return out

# --- scband reference (transcript-rebuilt; emitter-appended) ---
"""Pipeline reference for scband-basic-hetero-gcn-24180665876668 (READ-ONLY COPY).

The authoritative reference and input builder live on the scoring server;
editing this copy changes nothing except your own understanding.
"""

import jax, jax.numpy as jnp
import numpy as np

N_NODES = 10000
D_IN = 128
D_OUT = 128
N_EDGES = 160000


def setup_inputs(seed: int = 0) -> dict:
    key = jax.random.key(seed)
    k_x, k_e1, k_e2, k_w1, k_b1, k_w2, k_b2 = jax.random.split(key, 7)
    feat = jax.random.normal(k_x, (N_NODES, D_IN), dtype=jnp.float32)
    edge_index_cites = jax.random.randint(k_e1, (2, N_EDGES), 0, N_NODES, dtype=jnp.int64 if jax.config.jax_enable_x64 else jnp.int32).astype(jnp.int32)
    edge_index_refs = jax.random.randint(k_e2, (2, N_EDGES), 0, N_NODES, dtype=jnp.int64 if jax.config.jax_enable_x64 else jnp.int32).astype(jnp.int32)
    # learned params: one dglnn.GraphConv(128, 128, norm='right') per etype
    W_cites = jax.random.normal(k_w1, (D_IN, D_OUT), dtype=jnp.float32) * 0.05
    b_cites = jnp.zeros((D_OUT,), dtype=jnp.float32)
    W_refs = jax.random.normal(k_w2, (D_IN, D_OUT), dtype=jnp.float32) * 0.05
    b_refs = jnp.zeros((D_OUT,), dtype=jnp.float32)
    return {
        "feat": feat,
        "edge_index_cites": edge_index_cites,
        "edge_index_refs": edge_index_refs,
        "W_cites": W_cites,
        "b_cites": b_cites,
        "W_refs": W_refs,
        "b_refs": b_refs,
    }


def _graph_conv_right(x, edge_index, W, b):
    """dglnn.GraphConv(in, out, norm='right', allow_zero_in_degree=True).
    in_feats == out_feats so DGL aggregates first, then applies the weight.
    norm='right' divides the aggregated message sum by the (clamped) in-degree.
    """
    src = edge_index[0]
    dst = edge_index[1]
    msg = jnp.take(x, src, axis=0)                       # gather src features [E, d]
    agg = jnp.zeros((x.shape[0], x.shape[1]), dtype=x.dtype).at[dst].add(msg)  # scatter-add
    deg = jnp.zeros((x.shape[0],), dtype=x.dtype).at[dst].add(1.0)
    deg = jnp.maximum(deg, 1.0)                          # clamp for zero in-degree
    rst = agg / deg[:, None]
    return rst @ W + b


def reference(feat, edge_index_cites, edge_index_refs, W_cites, b_cites, W_refs, b_refs):
    # BasicHeteroGCN with encoder_type='GCN':
    #   HeteroGraphConv({etype: GraphConv(...) for etype in etypes}) with default
    #   'sum' cross-etype aggregation onto the single dst ntype 'paper'.
    # fc_out is None for GCN, so the conv output is returned directly.
    h_cites = _graph_conv_right(feat, edge_index_cites, W_cites, b_cites)
    h_refs = _graph_conv_right(feat, edge_index_refs, W_refs, b_refs)
    out = h_cites + h_refs                               # {'paper': [N, out_feat]}
    return out

if __name__ == "__main__":
    import jax
    _d = setup_inputs()
    print(jax.jit(kernel)(*tuple(_d.values())))

</pallas_src>

<mosaic_0001>
#map = affine_map<(d0, d1) -> (0, 0)>
#map1 = affine_map<(d0, d1) -> (0, 0, 0, 0)>
#map2 = affine_map<(d0, d1) -> (0, 0, 0)>
module attributes {stable_mosaic.version = 14 : i64} {
  func.func @_sc_scatter(%arg0: i32, %arg1: i32, %arg2: memref<10000x128xf32, #tpu.memory_space<hbm>>, %arg3: memref<2x16x80x128xi32, #tpu.memory_space<hbm>>, %arg4: memref<2x16x80x128xi32, #tpu.memory_space<hbm>>, %arg5: memref<128x128xf32, #tpu.memory_space<hbm>>, %arg6: memref<2x10240x128xf32, #tpu.memory_space<hbm>>, %arg7: memref<16x128xi32, #tpu.memory_space<vmem>>, %arg8: memref<16x128xi32, #tpu.memory_space<vmem>>, %arg9: memref<128x128xf32, #tpu.memory_space<vmem>>, %arg10: memref<128x128xf32, #tpu.memory_space<vmem>>, %arg11: memref<10240x128xf32, #tpu.memory_space<vmem_shared>>, %arg12: memref<!tpu.dma_semaphore, #tpu.memory_space<semaphore_mem>>, %arg13: memref<!tpu.dma_semaphore, #tpu.memory_space<semaphore_mem>>) attributes {dimension_semantics = [#tpu.dimension_semantics<core_parallel>, #tpu.dimension_semantics<subcore_parallel>], iteration_bounds = array<i64: 2, 16>, scalar_prefetch = 0 : i64, scratch_operands = 7 : i64, tpu.core_type = #tpu.core_type<sc_vector_subcore>, window_params = [{transform_indices = #map}, {transform_indices = #map1}, {transform_indices = #map1}, {transform_indices = #map}, {transform_indices = #map2}]} {
    %mul3A = arith.constant 640 : i32
    %mul3A_0 = arith.muli %arg1, %mul3A : i32
    "tpu.region"() ({
      %run_scoped3A = tpu.sem_alloc : memref<!tpu.dma_semaphore, #tpu.memory_space<semaphore_mem>>
      tpu.enqueue_dma source(%arg5 : memref<128x128xf32, #tpu.memory_space<hbm>>) target(%arg9 : memref<128x128xf32, #tpu.memory_space<vmem>>) target_semaphore(%run_scoped3A : memref<!tpu.dma_semaphore, #tpu.memory_space<semaphore_mem>>)
      tpu.wait_dma2 semaphore(%run_scoped3A : memref<!tpu.dma_semaphore, #tpu.memory_space<semaphore_mem>>) src(%arg5 : memref<128x128xf32, #tpu.memory_space<hbm>>) dst(%arg9 : memref<128x128xf32, #tpu.memory_space<vmem>>)
      tpu.yield
    }) : () -> ()
    %add3A = arith.constant 0 : i32
    %add3A_1 = arith.addi %mul3A_0, %add3A : i32
    "tpu.region"() ({
      %run_scoped3A = tpu.sem_alloc : memref<!tpu.dma_semaphore, #tpu.memory_space<semaphore_mem>>
      %dma_start3A = arith.constant 0 : i32
      %dma_start3A_26 = tpu.memref_slice %arg11[%add3A_1, %dma_start3A] : memref<10240x128xf32, #tpu.memory_space<vmem_shared>> -> memref<128x128xf32, #tpu.memory_space<vmem_shared>>
      %dma_start3A_27 = arith.constant 0 : i32
      %dma_start3A_28 = tpu.memref_slice %arg11[%add3A_1, %dma_start3A_27] : memref<10240x128xf32, #tpu.memory_space<vmem_shared>> -> memref<128x128xf32, #tpu.memory_space<vmem_shared>>
      tpu.enqueue_dma source(%arg9 : memref<128x128xf32, #tpu.memory_space<vmem>>) target(%dma_start3A_28 : memref<128x128xf32, #tpu.memory_space<vmem_shared>>) target_semaphore(%run_scoped3A : memref<!tpu.dma_semaphore, #tpu.memory_space<semaphore_mem>>)
      %dma_wait3A = arith.constant 0 : i32
      %dma_wait3A_29 = tpu.memref_slice %arg11[%add3A_1, %dma_wait3A] : memref<10240x128xf32, #tpu.memory_space<vmem_shared>> -> memref<128x128xf32, #tpu.memory_space<vmem_shared>>
      %dma_wait3A_30 = arith.constant 0 : i32
      %dma_wait3A_31 = tpu.memref_slice %arg11[%add3A_1, %dma_wait3A_30] : memref<10240x128xf32, #tpu.memory_space<vmem_shared>> -> memref<128x128xf32, #tpu.memory_space<vmem_shared>>
      tpu.wait_dma2 semaphore(%run_scoped3A : memref<!tpu.dma_semaphore, #tpu.memory_space<semaphore_mem>>) src(%arg9 : memref<128x128xf32, #tpu.memory_space<vmem>>) dst(%dma_wait3A_31 : memref<128x128xf32, #tpu.memory_space<vmem_shared>>)
      tpu.yield
    }) : () -> ()
    %add3A_2 = arith.constant 128 : i32
    %add3A_3 = arith.addi %mul3A_0, %add3A_2 : i32
    "tpu.region"() ({
      %run_scoped3A = tpu.sem_alloc : memref<!tpu.dma_semaphore, #tpu.memory_space<semaphore_mem>>
      %dma_start3A = arith.constant 0 : i32
      %dma_start3A_26 = tpu.memref_slice %arg11[%add3A_3, %dma_start3A] : memref<10240x128xf32, #tpu.memory_space<vmem_shared>> -> memref<128x128xf32, #tpu.memory_space<vmem_shared>>
      %dma_start3A_27 = arith.constant 0 : i32
      %dma_start3A_28 = tpu.memref_slice %arg11[%add3A_3, %dma_start3A_27] : memref<10240x128xf32, #tpu.memory_space<vmem_shared>> -> memref<128x128xf32, #tpu.memory_space<vmem_shared>>
      tpu.enqueue_dma source(%arg9 : memref<128x128xf32, #tpu.memory_space<vmem>>) target(%dma_start3A_28 : memref<128x128xf32, #tpu.memory_space<vmem_shared>>) target_semaphore(%run_scoped3A : memref<!tpu.dma_semaphore, #tpu.memory_space<semaphore_mem>>)
      %dma_wait3A = arith.constant 0 : i32
      %dma_wait3A_29 = tpu.memref_slice %arg11[%add3A_3, %dma_wait3A] : memref<10240x128xf32, #tpu.memory_space<vmem_shared>> -> memref<128x128xf32, #tpu.memory_space<vmem_shared>>
      %dma_wait3A_30 = arith.constant 0 : i32
      %dma_wait3A_31 = tpu.memref_slice %arg11[%add3A_3, %dma_wait3A_30] : memref<10240x128xf32, #tpu.memory_space<vmem_shared>> -> memref<128x128xf32, #tpu.memory_space<vmem_shared>>
      tpu.wait_dma2 semaphore(%run_scoped3A : memref<!tpu.dma_semaphore, #tpu.memory_space<semaphore_mem>>) src(%arg9 : memref<128x128xf32, #tpu.memory_space<vmem>>) dst(%dma_wait3A_31 : memref<128x128xf32, #tpu.memory_space<vmem_shared>>)
      tpu.yield
    }) : () -> ()
    %add3A_4 = arith.constant 256 : i32
    %add3A_5 = arith.addi %mul3A_0, %add3A_4 : i32
    "tpu.region"() ({
      %run_scoped3A = tpu.sem_alloc : memref<!tpu.dma_semaphore, #tpu.memory_space<semaphore_mem>>
      %dma_start3A = arith.constant 0 : i32
      %dma_start3A_26 = tpu.memref_slice %arg11[%add3A_5, %dma_start3A] : memref<10240x128xf32, #tpu.memory_space<vmem_shared>> -> memref<128x128xf32, #tpu.memory_space<vmem_shared>>
      %dma_start3A_27 = arith.constant 0 : i32
      %dma_start3A_28 = tpu.memref_slice %arg11[%add3A_5, %dma_start3A_27] : memref<10240x128xf32, #tpu.memory_space<vmem_shared>> -> memref<128x128xf32, #tpu.memory_space<vmem_shared>>
      tpu.enqueue_dma source(%arg9 : memref<128x128xf32, #tpu.memory_space<vmem>>) target(%dma_start3A_28 : memref<128x128xf32, #tpu.memory_space<vmem_shared>>) target_semaphore(%run_scoped3A : memref<!tpu.dma_semaphore, #tpu.memory_space<semaphore_mem>>)
      %dma_wait3A = arith.constant 0 : i32
      %dma_wait3A_29 = tpu.memref_slice %arg11[%add3A_5, %dma_wait3A] : memref<10240x128xf32, #tpu.memory_space<vmem_shared>> -> memref<128x128xf32, #tpu.memory_space<vmem_shared>>
      %dma_wait3A_30 = arith.constant 0 : i32
      %dma_wait3A_31 = tpu.memref_slice %arg11[%add3A_5, %dma_wait3A_30] : memref<10240x128xf32, #tpu.memory_space<vmem_shared>> -> memref<128x128xf32, #tpu.memory_space<vmem_shared>>
      tpu.wait_dma2 semaphore(%run_scoped3A : memref<!tpu.dma_semaphore, #tpu.memory_space<semaphore_mem>>) src(%arg9 : memref<128x128xf32, #tpu.memory_space<vmem>>) dst(%dma_wait3A_31 : memref<128x128xf32, #tpu.memory_space<vmem_shared>>)
      tpu.yield
    }) : () -> ()
    %add3A_6 = arith.constant 384 : i32
    %add3A_7 = arith.addi %mul3A_0, %add3A_6 : i32
    "tpu.region"() ({
      %run_scoped3A = tpu.sem_alloc : memref<!tpu.dma_semaphore, #tpu.memory_space<semaphore_mem>>
      %dma_start3A = arith.constant 0 : i32
      %dma_start3A_26 = tpu.memref_slice %arg11[%add3A_7, %dma_start3A] : memref<10240x128xf32, #tpu.memory_space<vmem_shared>> -> memref<128x128xf32, #tpu.memory_space<vmem_shared>>
      %dma_start3A_27 = arith.constant 0 : i32
      %dma_start3A_28 = tpu.memref_slice %arg11[%add3A_7, %dma_start3A_27] : memref<10240x128xf32, #tpu.memory_space<vmem_shared>> -> memref<128x128xf32, #tpu.memory_space<vmem_shared>>
      tpu.enqueue_dma source(%arg9 : memref<128x128xf32, #tpu.memory_space<vmem>>) target(%dma_start3A_28 : memref<128x128xf32, #tpu.memory_space<vmem_shared>>) target_semaphore(%run_scoped3A : memref<!tpu.dma_semaphore, #tpu.memory_space<semaphore_mem>>)
      %dma_wait3A = arith.constant 0 : i32
      %dma_wait3A_29 = tpu.memref_slice %arg11[%add3A_7, %dma_wait3A] : memref<10240x128xf32, #tpu.memory_space<vmem_shared>> -> memref<128x128xf32, #tpu.memory_space<vmem_shared>>
      %dma_wait3A_30 = arith.constant 0 : i32
      %dma_wait3A_31 = tpu.memref_slice %arg11[%add3A_7, %dma_wait3A_30] : memref<10240x128xf32, #tpu.memory_space<vmem_shared>> -> memref<128x128xf32, #tpu.memory_space<vmem_shared>>
      tpu.wait_dma2 semaphore(%run_scoped3A : memref<!tpu.dma_semaphore, #tpu.memory_space<semaphore_mem>>) src(%arg9 : memref<128x128xf32, #tpu.memory_space<vmem>>) dst(%dma_wait3A_31 : memref<128x128xf32, #tpu.memory_space<vmem_shared>>)
      tpu.yield
    }) : () -> ()
    %add3A_8 = arith.constant 512 : i32
    %add3A_9 = arith.addi %mul3A_0, %add3A_8 : i32
    "tpu.region"() ({
      %run_scoped3A = tpu.sem_alloc : memref<!tpu.dma_semaphore, #tpu.memory_space<semaphore_mem>>
      %dma_start3A = arith.constant 0 : i32
      %dma_start3A_26 = tpu.memref_slice %arg11[%add3A_9, %dma_start3A] : memref<10240x128xf32, #tpu.memory_space<vmem_shared>> -> memref<128x128xf32, #tpu.memory_space<vmem_shared>>
      %dma_start3A_27 = arith.constant 0 : i32
      %dma_start3A_28 = tpu.memref_slice %arg11[%add3A_9, %dma_start3A_27] : memref<10240x128xf32, #tpu.memory_space<vmem_shared>> -> memref<128x128xf32, #tpu.memory_space<vmem_shared>>
      tpu.enqueue_dma source(%arg9 : memref<128x128xf32, #tpu.memory_space<vmem>>) target(%dma_start3A_28 : memref<128x128xf32, #tpu.memory_space<vmem_shared>>) target_semaphore(%run_scoped3A : memref<!tpu.dma_semaphore, #tpu.memory_space<semaphore_mem>>)
      %dma_wait3A = arith.constant 0 : i32
      %dma_wait3A_29 = tpu.memref_slice %arg11[%add3A_9, %dma_wait3A] : memref<10240x128xf32, #tpu.memory_space<vmem_shared>> -> memref<128x128xf32, #tpu.memory_space<vmem_shared>>
      %dma_wait3A_30 = arith.constant 0 : i32
      %dma_wait3A_31 = tpu.memref_slice %arg11[%add3A_9, %dma_wait3A_30] : memref<10240x128xf32, #tpu.memory_space<vmem_shared>> -> memref<128x128xf32, #tpu.memory_space<vmem_shared>>
      tpu.wait_dma2 semaphore(%run_scoped3A : memref<!tpu.dma_semaphore, #tpu.memory_space<semaphore_mem>>) src(%arg9 : memref<128x128xf32, #tpu.memory_space<vmem>>) dst(%dma_wait3A_31 : memref<128x128xf32, #tpu.memory_space<vmem_shared>>)
      tpu.yield
    }) : () -> ()
    %barrier3A = arith.constant 0 : index
    tpu.barrier barrier_id(%barrier3A)
    %scan3A = arith.constant 0 : i32
    %scan3A_10 = arith.constant 0 : i32
    %scan3A_11 = arith.constant 5 : i32
    %scan3A_12 = arith.addi %scan3A_10, %scan3A_11 : i32
    %scan3A_13 = arith.constant 1 : i32
    scf.for %scan3A_26 = %scan3A_10 to %scan3A_12 step %scan3A_13  : i32 {
      %mul3A_27 = arith.constant 16 : i32
      %mul3A_28 = arith.muli %scan3A_26, %mul3A_27 : i32
      "tpu.region"() ({
        %run_scoped3A_268 = tpu.sem_alloc : memref<!tpu.dma_semaphore, #tpu.memory_space<semaphore_mem>>
        %dma_start3A_269 = arith.constant 0 : i32
        %dma_start3A_270 = tpu.memref_slice %arg3[%arg0, %arg1, %mul3A_28, %dma_start3A_269] : memref<2x16x80x128xi32, #tpu.memory_space<hbm>> -> memref<1x1x16x128xi32, #tpu.memory_space<hbm>>
        %dma_start3A_271 = tpu.memref_squeeze %dma_start3A_270 : memref<1x1x16x128xi32, #tpu.memory_space<hbm>> -> memref<16x128xi32, #tpu.memory_space<hbm>>
        %dma_start3A_272 = arith.constant 0 : i32
        %dma_start3A_273 = tpu.memref_slice %arg3[%arg0, %arg1, %mul3A_28, %dma_start3A_272] : memref<2x16x80x128xi32, #tpu.memory_space<hbm>> -> memref<1x1x16x128xi32, #tpu.memory_space<hbm>>
        %dma_start3A_274 = tpu.memref_squeeze %dma_start3A_273 : memref<1x1x16x128xi32, #tpu.memory_space<hbm>> -> memref<16x128xi32, #tpu.memory_space<hbm>>
        tpu.enqueue_dma source(%dma_start3A_274 : memref<16x128xi32, #tpu.memory_space<hbm>>) target(%arg7 : memref<16x128xi32, #tpu.memory_space<vmem>>) target_semaphore(%run_scoped3A_268 : memref<!tpu.dma_semaphore, #tpu.memory_space<semaphore_mem>>)
        %dma_wait3A_275 = arith.constant 0 : i32
        %dma_wait3A_276 = tpu.memref_slice %arg3[%arg0, %arg1, %mul3A_28, %dma_wait3A_275] : memref<2x16x80x128xi32, #tpu.memory_space<hbm>> -> memref<1x1x16x128xi32, #tpu.memory_space<hbm>>
        %dma_wait3A_277 = tpu.memref_squeeze %dma_wait3A_276 : memref<1x1x16x128xi32, #tpu.memory_space<hbm>> -> memref<16x128xi32, #tpu.memory_space<hbm>>
        %dma_wait3A_278 = arith.constant 0 : i32
        %dma_wait3A_279 = tpu.memref_slice %arg3[%arg0, %arg1, %mul3A_28, %dma_wait3A_278] : memref<2x16x80x128xi32, #tpu.memory_space<hbm>> -> memref<1x1x16x128xi32, #tpu.memory_space<hbm>>
        %dma_wait3A_280 = tpu.memref_squeeze %dma_wait3A_279 : memref<1x1x16x128xi32, #tpu.memory_space<hbm>> -> memref<16x128xi32, #tpu.memory_space<hbm>>
        tpu.wait_dma2 semaphore(%run_scoped3A_268 : memref<!tpu.dma_semaphore, #tpu.memory_space<semaphore_mem>>) src(%dma_wait3A_280 : memref<16x128xi32, #tpu.memory_space<hbm>>) dst(%arg7 : memref<16x128xi32, #tpu.memory_space<vmem>>)
        tpu.yield
      }) : () -> ()
      %mul3A_29 = arith.constant 16 : i32
      %mul3A_30 = arith.muli %scan3A_26, %mul3A_29 : i32
      "tpu.region"() ({
        %run_scoped3A_268 = tpu.sem_alloc : memref<!tpu.dma_semaphore, #tpu.memory_space<semaphore_mem>>
        %dma_start3A_269 = arith.constant 0 : i32
        %dma_start3A_270 = tpu.memref_slice %arg4[%arg0, %arg1, %mul3A_30, %dma_start3A_269] : memref<2x16x80x128xi32, #tpu.memory_space<hbm>> -> memref<1x1x16x128xi32, #tpu.memory_space<hbm>>
        %dma_start3A_271 = tpu.memref_squeeze %dma_start3A_270 : memref<1x1x16x128xi32, #tpu.memory_space<hbm>> -> memref<16x128xi32, #tpu.memory_space<hbm>>
        %dma_start3A_272 = arith.constant 0 : i32
        %dma_start3A_273 = tpu.memref_slice %arg4[%arg0, %arg1, %mul3A_30, %dma_start3A_272] : memref<2x16x80x128xi32, #tpu.memory_space<hbm>> -> memref<1x1x16x128xi32, #tpu.memory_space<hbm>>
        %dma_start3A_274 = tpu.memref_squeeze %dma_start3A_273 : memref<1x1x16x128xi32, #tpu.memory_space<hbm>> -> memref<16x128xi32, #tpu.memory_space<hbm>>
        tpu.enqueue_dma source(%dma_start3A_274 : memref<16x128xi32, #tpu.memory_space<hbm>>) target(%arg8 : memref<16x128xi32, #tpu.memory_space<vmem>>) target_semaphore(%run_scoped3A_268 : memref<!tpu.dma_semaphore, #tpu.memory_space<semaphore_mem>>)
        %dma_wait3A_275 = arith.constant 0 : i32
        %dma_wait3A_276 = tpu.memref_slice %arg4[%arg0, %arg1, %mul3A_30, %dma_wait3A_275] : memref<2x16x80x128xi32, #tpu.memory_space<hbm>> -> memref<1x1x16x128xi32, #tpu.memory_space<hbm>>
        %dma_wait3A_277 = tpu.memref_squeeze %dma_wait3A_276 : memref<1x1x16x128xi32, #tpu.memory_space<hbm>> -> memref<16x128xi32, #tpu.memory_space<hbm>>
        %dma_wait3A_278 = arith.constant 0 : i32
        %dma_wait3A_279 = tpu.memref_slice %arg4[%arg0, %arg1, %mul3A_30, %dma_wait3A_278] : memref<2x16x80x128xi32, #tpu.memory_space<hbm>> -> memref<1x1x16x128xi32, #tpu.memory_space<hbm>>
        %dma_wait3A_280 = tpu.memref_squeeze %dma_wait3A_279 : memref<1x1x16x128xi32, #tpu.memory_space<hbm>> -> memref<16x128xi32, #tpu.memory_space<hbm>>
        tpu.wait_dma2 semaphore(%run_scoped3A_268 : memref<!tpu.dma_semaphore, #tpu.memory_space<semaphore_mem>>) src(%dma_wait3A_280 : memref<16x128xi32, #tpu.memory_space<hbm>>) dst(%arg8 : memref<16x128xi32, #tpu.memory_space<vmem>>)
        tpu.yield
      }) : () -> ()
      %dma_start3A = arith.constant 0 : i32
      %dma_start3A_31 = arith.constant 0 : i32
      %dma_start3A_32 = tpu.memref_slice %arg7[%dma_start3A, %dma_start3A_31] : memref<16x128xi32, #tpu.memory_space<vmem>> -> memref<1x128xi32, #tpu.memory_space<vmem>>
      %dma_start3A_33 = tpu.memref_squeeze %dma_start3A_32 : memref<1x128xi32, #tpu.memory_space<vmem>> -> memref<128xi32, #tpu.memory_space<vmem>>
      %dma_start3A_34 = arith.constant 0 : i32
      %dma_start3A_35 = arith.constant 0 : i32
      %dma_start3A_36 = tpu.memref_slice %arg2[%dma_start3A_34, %dma_start3A_35] : memref<10000x128xf32, #tpu.memory_space<hbm>> -> memref<10000x128xf32, #tpu.memory_space<hbm>>
      tpu.enqueue_indirect_dma source(%dma_start3A_36 : memref<10000x128xf32, #tpu.memory_space<hbm>>) target(%arg9 : memref<128x128xf32, #tpu.memory_space<vmem>>) offsets(%dma_start3A_33 : memref<128xi32, #tpu.memory_space<vmem>>) semaphore(%arg12 : memref<!tpu.dma_semaphore, #tpu.memory_space<semaphore_mem>>)
      %dma_wait3A = arith.constant 0 : i32
      %dma_wait3A_37 = arith.constant 0 : i32
      %dma_wait3A_38 = tpu.memref_slice %arg7[%dma_wait3A, %dma_wait3A_37] : memref<16x128xi32, #tpu.memory_space<vmem>> -> memref<1x128xi32, #tpu.memory_space<vmem>>
      %dma_wait3A_39 = tpu.memref_squeeze %dma_wait3A_38 : memref<1x128xi32, #tpu.memory_space<vmem>> -> memref<128xi32, #tpu.memory_space<vmem>>
      %dma_wait3A_40 = arith.constant 0 : i32
      %dma_wait3A_41 = arith.constant 0 : i32
      %dma_wait3A_42 = tpu.memref_slice %arg2[%dma_wait3A_40, %dma_wait3A_41] : memref<10000x128xf32, #tpu.memory_space<hbm>> -> memref<10000x128xf32, #tpu.memory_space<hbm>>
      tpu.wait_indirect_dma semaphore(%arg12 : memref<!tpu.dma_semaphore, #tpu.memory_space<semaphore_mem>>) src(%dma_wait3A_42 : memref<10000x128xf32, #tpu.memory_space<hbm>>) dst(%arg9 : memref<128x128xf32, #tpu.memory_space<vmem>>)
      %dma_start3A_43 = arith.constant 1 : i32
      %dma_start3A_44 = arith.constant 0 : i32
      %dma_start3A_45 = tpu.memref_slice %arg7[%dma_start3A_43, %dma_start3A_44] : memref<16x128xi32, #tpu.memory_space<vmem>> -> memref<1x128xi32, #tpu.memory_space<vmem>>
      %dma_start3A_46 = tpu.memref_squeeze %dma_start3A_45 : memref<1x128xi32, #tpu.memory_space<vmem>> -> memref<128xi32, #tpu.memory_space<vmem>>
      %dma_start3A_47 = arith.constant 0 : i32
      %dma_start3A_48 = arith.constant 0 : i32
      %dma_start3A_49 = tpu.memref_slice %arg2[%dma_start3A_47, %dma_start3A_48] : memref<10000x128xf32, #tpu.memory_space<hbm>> -> memref<10000x128xf32, #tpu.memory_space<hbm>>
      tpu.enqueue_indirect_dma source(%dma_start3A_49 : memref<10000x128xf32, #tpu.memory_space<hbm>>) target(%arg10 : memref<128x128xf32, #tpu.memory_space<vmem>>) offsets(%dma_start3A_46 : memref<128xi32, #tpu.memory_space<vmem>>) semaphore(%arg13 : memref<!tpu.dma_semaphore, #tpu.memory_space<semaphore_mem>>)
      %run_scoped3A = arith.constant 0 : i32
      "tpu.region"() ({
        %run_scoped3A_268 = tpu.sem_alloc : memref<!tpu.dma_semaphore, #tpu.memory_space<semaphore_mem>>
        %dma_start3A_269 = arith.constant 0 : i32
        %dma_start3A_270 = tpu.memref_slice %arg8[%run_scoped3A, %dma_start3A_269] : memref<16x128xi32, #tpu.memory_space<vmem>> -> memref<1x128xi32, #tpu.memory_space<vmem>>
        %dma_start3A_271 = tpu.memref_squeeze %dma_start3A_270 : memref<1x128xi32, #tpu.memory_space<vmem>> -> memref<128xi32, #tpu.memory_space<vmem>>
        %dma_start3A_272 = arith.constant 0 : i32
        %dma_start3A_273 = arith.constant 0 : i32
        %dma_start3A_274 = tpu.memref_slice %arg11[%dma_start3A_272, %dma_start3A_273] : memref<10240x128xf32, #tpu.memory_space<vmem_shared>> -> memref<10240x128xf32, #tpu.memory_space<vmem_shared>>
        tpu.enqueue_indirect_dma source(%arg9 : memref<128x128xf32, #tpu.memory_space<vmem>>) target(%dma_start3A_274 : memref<10240x128xf32, #tpu.memory_space<vmem_shared>>) offsets(%dma_start3A_271 : memref<128xi32, #tpu.memory_space<vmem>>) semaphore(%run_scoped3A_268 : memref<!tpu.dma_semaphore, #tpu.memory_space<semaphore_mem>>) {add = true}
        %dma_wait3A_275 = arith.constant 0 : i32
        %dma_wait3A_276 = tpu.memref_slice %arg8[%run_scoped3A, %dma_wait3A_275] : memref<16x128xi32, #tpu.memory_space<vmem>> -> memref<1x128xi32, #tpu.memory_space<vmem>>
        %dma_wait3A_277 = tpu.memref_squeeze %dma_wait3A_276 : memref<1x128xi32, #tpu.memory_space<vmem>> -> memref<128xi32, #tpu.memory_space<vmem>>
        %dma_wait3A_278 = arith.constant 0 : i32
        %dma_wait3A_279 = arith.constant 0 : i32
        %dma_wait3A_280 = tpu.memref_slice %arg11[%dma_wait3A_278, %dma_wait3A_279] : memref<10240x128xf32, #tpu.memory_space<vmem_shared>> -> memref<10240x128xf32, #tpu.memory_space<vmem_shared>>
        tpu.wait_indirect_dma semaphore(%run_scoped3A_268 : memref<!tpu.dma_semaphore, #tpu.memory_space<semaphore_mem>>) src(%arg9 : memref<128x128xf32, #tpu.memory_space<vmem>>) dst(%dma_wait3A_280 : memref<10240x128xf32, #tpu.memory_space<vmem_shared>>)
        tpu.yield
      }) : () -> ()
      %dma_wait3A_50 = arith.constant 1 : i32
      %dma_wait3A_51 = arith.constant 0 : i32
      %dma_wait3A_52 = tpu.memref_slice %arg7[%dma_wait3A_50, %dma_wait3A_51] : memref<16x128xi32, #tpu.memory_space<vmem>> -> memref<1x128xi32, #tpu.memory_space<vmem>>
      %dma_wait3A_53 = tpu.memref_squeeze %dma_wait3A_52 : memref<1x128xi32, #tpu.memory_space<vmem>> -> memref<128xi32, #tpu.memory_space<vmem>>
      %dma_wait3A_54 = arith.constant 0 : i32
      %dma_wait3A_55 = arith.constant 0 : i32
      %dma_wait3A_56 = tpu.memref_slice %arg2[%dma_wait3A_54, %dma_wait3A_55] : memref<10000x128xf32, #tpu.memory_space<hbm>> -> memref<10000x128xf32, #tpu.memory_space<hbm>>
      tpu.wait_indirect_dma semaphore(%arg13 : memref<!tpu.dma_semaphore, #tpu.memory_space<semaphore_mem>>) src(%dma_wait3A_56 : memref<10000x128xf32, #tpu.memory_space<hbm>>) dst(%arg10 : memref<128x128xf32, #tpu.memory_space<vmem>>)
      %dma_start3A_57 = arith.constant 2 : i32
      %dma_start3A_58 = arith.constant 0 : i32
      %dma_start3A_59 = tpu.memref_slice %arg7[%dma_start3A_57, %dma_start3A_58] : memref<16x128xi32, #tpu.memory_space<vmem>> -> memref<1x128xi32, #tpu.memory_space<vmem>>
      %dma_start3A_60 = tpu.memref_squeeze %dma_start3A_59 : memref<1x128xi32, #tpu.memory_space<vmem>> -> memref<128xi32, #tpu.memory_space<vmem>>
      %dma_start3A_61 = arith.constant 0 : i32
      %dma_start3A_62 = arith.constant 0 : i32
      %dma_start3A_63 = tpu.memref_slice %arg2[%dma_start3A_61, %dma_start3A_62] : memref<10000x128xf32, #tpu.memory_space<hbm>> -> memref<10000x128xf32, #tpu.memory_space<hbm>>
      tpu.enqueue_indirect_dma source(%dma_start3A_63 : memref<10000x128xf32, #tpu.memory_space<hbm>>) target(%arg9 : memref<128x128xf32, #tpu.memory_space<vmem>>) offsets(%dma_start3A_60 : memref<128xi32, #tpu.memory_space<vmem>>) semaphore(%arg12 : memref<!tpu.dma_semaphore, #tpu.memory_space<semaphore_mem>>)
      %run_scoped3A_64 = arith.constant 1 : i32
      "tpu.region"() ({
        %run_scoped3A_268 = tpu.sem_alloc : memref<!tpu.dma_semaphore, #tpu.memory_space<semaphore_mem>>
        %dma_start3A_269 = arith.constant 0 : i32
        %dma_start3A_270 = tpu.memref_slice %arg8[%run_scoped3A_64, %dma_start3A_269] : memref<16x128xi32, #tpu.memory_space<vmem>> -> memref<1x128xi32, #tpu.memory_space<vmem>>
        %dma_start3A_271 = tpu.memref_squeeze %dma_start3A_270 : memref<1x128xi32, #tpu.memory_space<vmem>> -> memref<128xi32, #tpu.memory_space<vmem>>
        %dma_start3A_272 = arith.constant 0 : i32
        %dma_start3A_273 = arith.constant 0 : i32
        %dma_start3A_274 = tpu.memref_slice %arg11[%dma_start3A_272, %dma_start3A_273] : memref<10240x128xf32, #tpu.memory_space<vmem_shared>> -> memref<10240x128xf32, #tpu.memory_space<vmem_shared>>
        tpu.enqueue_indirect_dma source(%arg10 : memref<128x128xf32, #tpu.memory_space<vmem>>) target(%dma_start3A_274 : memref<10240x128xf32, #tpu.memory_space<vmem_shared>>) offsets(%dma_start3A_271 : memref<128xi32, #tpu.memory_space<vmem>>) semaphore(%run_scoped3A_268 : memref<!tpu.dma_semaphore, #tpu.memory_space<semaphore_mem>>) {add = true}
        %dma_wait3A_275 = arith.constant 0 : i32
        %dma_wait3A_276 = tpu.memref_slice %arg8[%run_scoped3A_64, %dma_wait3A_275] : memref<16x128xi32, #tpu.memory_space<vmem>> -> memref<1x128xi32, #tpu.memory_space<vmem>>
        %dma_wait3A_277 = tpu.memref_squeeze %dma_wait3A_276 : memref<1x128xi32, #tpu.memory_space<vmem>> -> memref<128xi32, #tpu.memory_space<vmem>>
        %dma_wait3A_278 = arith.constant 0 : i32
        %dma_wait3A_279 = arith.constant 0 : i32
        %dma_wait3A_280 = tpu.memref_slice %arg11[%dma_wait3A_278, %dma_wait3A_279] : memref<10240x128xf32, #tpu.memory_space<vmem_shared>> -> memref<10240x128xf32, #tpu.memory_space<vmem_shared>>
        tpu.wait_indirect_dma semaphore(%run_scoped3A_268 : memref<!tpu.dma_semaphore, #tpu.memory_space<semaphore_mem>>) src(%arg10 : memref<128x128xf32, #tpu.memory_space<vmem>>) dst(%dma_wait3A_280 : memref<10240x128xf32, #tpu.memory_space<vmem_shared>>)
        tpu.yield
      }) : () -> ()
      %dma_wait3A_65 = arith.constant 2 : i32
      %dma_wait3A_66 = arith.constant 0 : i32
      %dma_wait3A_67 = tpu.memref_slice %arg7[%dma_wait3A_65, %dma_wait3A_66] : memref<16x128xi32, #tpu.memory_space<vmem>> -> memref<1x128xi32, #tpu.memory_space<vmem>>
      %dma_wait3A_68 = tpu.memref_squeeze %dma_wait3A_67 : memref<1x128xi32, #tpu.memory_space<vmem>> -> memref<128xi32, #tpu.memory_space<vmem>>
      %dma_wait3A_69 = arith.constant 0 : i32
      %dma_wait3A_70 = arith.constant 0 : i32
      %dma_wait3A_71 = tpu.memref_slice %arg2[%dma_wait3A_69, %dma_wait3A_70] : memref<10000x128xf32, #tpu.memory_space<hbm>> -> memref<10000x128xf32, #tpu.memory_space<hbm>>
      tpu.wait_indirect_dma semaphore(%arg12 : memref<!tpu.dma_semaphore, #tpu.memory_space<semaphore_mem>>) src(%dma_wait3A_71 : memref<10000x128xf32, #tpu.memory_space<hbm>>) dst(%arg9 : memref<128x128xf32, #tpu.memory_space<vmem>>)
      %dma_start3A_72 = arith.constant 3 : i32
      %dma_start3A_73 = arith.constant 0 : i32
      %dma_start3A_74 = tpu.memref_slice %arg7[%dma_start3A_72, %dma_start3A_73] : memref<16x128xi32, #tpu.memory_space<vmem>> -> memref<1x128xi32, #tpu.memory_space<vmem>>
      %dma_start3A_75 = tpu.memref_squeeze %dma_start3A_74 : memref<1x128xi32, #tpu.memory_space<vmem>> -> memref<128xi32, #tpu.memory_space<vmem>>
      %dma_start3A_76 = arith.constant 0 : i32
      %dma_start3A_77 = arith.constant 0 : i32
      %dma_start3A_78 = tpu.memref_slice %arg2[%dma_start3A_76, %dma_start3A_77] : memref<10000x128xf32, #tpu.memory_space<hbm>> -> memref<10000x128xf32, #tpu.memory_space<hbm>>
      tpu.enqueue_indirect_dma source(%dma_start3A_78 : memref<10000x128xf32, #tpu.memory_space<hbm>>) target(%arg10 : memref<128x128xf32, #tpu.memory_space<vmem>>) offsets(%dma_start3A_75 : memref<128xi32, #tpu.memory_space<vmem>>) semaphore(%arg13 : memref<!tpu.dma_semaphore, #tpu.memory_space<semaphore_mem>>)
      %run_scoped3A_79 = arith.constant 2 : i32
      "tpu.region"() ({
        %run_scoped3A_268 = tpu.sem_alloc : memref<!tpu.dma_semaphore, #tpu.memory_space<semaphore_mem>>
        %dma_start3A_269 = arith.constant 0 : i32
        %dma_start3A_270 = tpu.memref_slice %arg8[%run_scoped3A_79, %dma_start3A_269] : memref<16x128xi32, #tpu.memory_space<vmem>> -> memref<1x128xi32, #tpu.memory_space<vmem>>
        %dma_start3A_271 = tpu.memref_squeeze %dma_start3A_270 : memref<1x128xi32, #tpu.memory_space<vmem>> -> memref<128xi32, #tpu.memory_space<vmem>>
        %dma_start3A_272 = arith.constant 0 : i32
        %dma_start3A_273 = arith.constant 0 : i32
        %dma_start3A_274 = tpu.memref_slice %arg11[%dma_start3A_272, %dma_start3A_273] : memref<10240x128xf32, #tpu.memory_space<vmem_shared>> -> memref<10240x128xf32, #tpu.memory_space<vmem_shared>>
        tpu.enqueue_indirect_dma source(%arg9 : memref<128x128xf32, #tpu.memory_space<vmem>>) target(%dma_start3A_274 : memref<10240x128xf32, #tpu.memory_space<vmem_shared>>) offsets(%dma_start3A_271 : memref<128xi32, #tpu.memory_space<vmem>>) semaphore(%run_scoped3A_268 : memref<!tpu.dma_semaphore, #tpu.memory_space<semaphore_mem>>) {add = true}
        %dma_wait3A_275 = arith.constant 0 : i32
        %dma_wait3A_276 = tpu.memref_slice %arg8[%run_scoped3A_79, %dma_wait3A_275] : memref<16x128xi32, #tpu.memory_space<vmem>> -> memref<1x128xi32, #tpu.memory_space<vmem>>
        %dma_wait3A_277 = tpu.memref_squeeze %dma_wait3A_276 : memref<1x128xi32, #tpu.memory_space<vmem>> -> memref<128xi32, #tpu.memory_space<vmem>>
        %dma_wait3A_278 = arith.constant 0 : i32
        %dma_wait3A_279 = arith.constant 0 : i32
        %dma_wait3A_280 = tpu.memref_slice %arg11[%dma_wait3A_278, %dma_wait3A_279] : memref<10240x128xf32, #tpu.memory_space<vmem_shared>> -> memref<10240x128xf32, #tpu.memory_space<vmem_shared>>
        tpu.wait_indirect_dma semaphore(%run_scoped3A_268 : memref<!tpu.dma_semaphore, #tpu.memory_space<semaphore_mem>>) src(%arg9 : memref<128x128xf32, #tpu.memory_space<vmem>>) dst(%dma_wait3A_280 : memref<10240x128xf32, #tpu.memory_space<vmem_shared>>)
        tpu.yield
      }) : () -> ()
      %dma_wait3A_80 = arith.constant 3 : i32
      %dma_wait3A_81 = arith.constant 0 : i32
      %dma_wait3A_82 = tpu.memref_slice %arg7[%dma_wait3A_80, %dma_wait3A_81] : memref<16x128xi32, #tpu.memory_space<vmem>> -> memref<1x128xi32, #tpu.memory_space<vmem>>
      %dma_wait3A_83 = tpu.memref_squeeze %dma_wait3A_82 : memref<1x128xi32, #tpu.memory_space<vmem>> -> memref<128xi32, #tpu.memory_space<vmem>>
      %dma_wait3A_84 = arith.constant 0 : i32
      %dma_wait3A_85 = arith.constant 0 : i32
      %dma_wait3A_86 = tpu.memref_slice %arg2[%dma_wait3A_84, %dma_wait3A_85] : memref<10000x128xf32, #tpu.memory_space<hbm>> -> memref<10000x128xf32, #tpu.memory_space<hbm>>
      tpu.wait_indirect_dma semaphore(%arg13 : memref<!tpu.dma_semaphore, #tpu.memory_space<semaphore_mem>>) src(%dma_wait3A_86 : memref<10000x128xf32, #tpu.memory_space<hbm>>) dst(%arg10 : memref<128x128xf32, #tpu.memory_space<vmem>>)
      %dma_start3A_87 = arith.constant 4 : i32
      %dma_start3A_88 = arith.constant 0 : i32
      %dma_start3A_89 = tpu.memref_slice %arg7[%dma_start3A_87, %dma_start3A_88] : memref<16x128xi32, #tpu.memory_space<vmem>> -> memref<1x128xi32, #tpu.memory_space<vmem>>
      %dma_start3A_90 = tpu.memref_squeeze %dma_start3A_89 : memref<1x128xi32, #tpu.memory_space<vmem>> -> memref<128xi32, #tpu.memory_space<vmem>>
      %dma_start3A_91 = arith.constant 0 : i32
      %dma_start3A_92 = arith.constant 0 : i32
      %dma_start3A_93 = tpu.memref_slice %arg2[%dma_start3A_91, %dma_start3A_92] : memref<10000x128xf32, #tpu.memory_space<hbm>> -> memref<10000x128xf32, #tpu.memory_space<hbm>>
      tpu.enqueue_indirect_dma source(%dma_start3A_93 : memref<10000x128xf32, #tpu.memory_space<hbm>>) target(%arg9 : memref<128x128xf32, #tpu.memory_space<vmem>>) offsets(%dma_start3A_90 : memref<128xi32, #tpu.memory_space<vmem>>) semaphore(%arg12 : memref<!tpu.dma_semaphore, #tpu.memory_space<semaphore_mem>>)
      %run_scoped3A_94 = arith.constant 3 : i32
      "tpu.region"() ({
        %run_scoped3A_268 = tpu.sem_alloc : memref<!tpu.dma_semaphore, #tpu.memory_space<semaphore_mem>>
        %dma_start3A_269 = arith.constant 0 : i32
        %dma_start3A_270 = tpu.memref_slice %arg8[%run_scoped3A_94, %dma_start3A_269] : memref<16x128xi32, #tpu.memory_space<vmem>> -> memref<1x128xi32, #tpu.memory_space<vmem>>
        %dma_start3A_271 = tpu.memref_squeeze %dma_start3A_270 : memref<1x128xi32, #tpu.memory_space<vmem>> -> memref<128xi32, #tpu.memory_space<vmem>>
        %dma_start3A_272 = arith.constant 0 : i32
        %dma_start3A_273 = arith.constant 0 : i32
        %dma_start3A_274 = tpu.memref_slice %arg11[%dma_start3A_272, %dma_start3A_273] : memref<10240x128xf32, #tpu.memory_space<vmem_shared>> -> memref<10240x128xf32, #tpu.memory_space<vmem_shared>>
        tpu.enqueue_indirect_dma source(%arg10 : memref<128x128xf32, #tpu.memory_space<vmem>>) target(%dma_start3A_274 : memref<10240x128xf32, #tpu.memory_space<vmem_shared>>) offsets(%dma_start3A_271 : memref<128xi32, #tpu.memory_space<vmem>>) semaphore(%run_scoped3A_268 : memref<!tpu.dma_semaphore, #tpu.memory_space<semaphore_mem>>) {add = true}
        %dma_wait3A_275 = arith.constant 0 : i32
        %dma_wait3A_276 = tpu.memref_slice %arg8[%run_scoped3A_94, %dma_wait3A_275] : memref<16x128xi32, #tpu.memory_space<vmem>> -> memref<1x128xi32, #tpu.memory_space<vmem>>
        %dma_wait3A_277 = tpu.memref_squeeze %dma_wait3A_276 : memref<1x128xi32, #tpu.memory_space<vmem>> -> memref<128xi32, #tpu.memory_space<vmem>>
        %dma_wait3A_278 = arith.constant 0 : i32
        %dma_wait3A_279 = arith.constant 0 : i32
        %dma_wait3A_280 = tpu.memref_slice %arg11[%dma_wait3A_278, %dma_wait3A_279] : memref<10240x128xf32, #tpu.memory_space<vmem_shared>> -> memref<10240x128xf32, #tpu.memory_space<vmem_shared>>
        tpu.wait_indirect_dma semaphore(%run_scoped3A_268 : memref<!tpu.dma_semaphore, #tpu.memory_space<semaphore_mem>>) src(%arg10 : memref<128x128xf32, #tpu.memory_space<vmem>>) dst(%dma_wait3A_280 : memref<10240x128xf32, #tpu.memory_space<vmem_shared>>)
        tpu.yield
      }) : () -> ()
      %dma_wait3A_95 = arith.constant 4 : i32
      %dma_wait3A_96 = arith.constant 0 : i32
      %dma_wait3A_97 = tpu.memref_slice %arg7[%dma_wait3A_95, %dma_wait3A_96] : memref<16x128xi32, #tpu.memory_space<vmem>> -> memref<1x128xi32, #tpu.memory_space<vmem>>
      %dma_wait3A_98 = tpu.memref_squeeze %dma_wait3A_97 : memref<1x128xi32, #tpu.memory_space<vmem>> -> memref<128xi32, #tpu.memory_space<vmem>>
      %dma_wait3A_99 = arith.constant 0 : i32
      %dma_wait3A_100 = arith.constant 0 : i32
      %dma_wait3A_101 = tpu.memref_slice %arg2[%dma_wait3A_99, %dma_wait3A_100] : memref<10000x128xf32, #tpu.memory_space<hbm>> -> memref<10000x128xf32, #tpu.memory_space<hbm>>
      tpu.wait_indirect_dma semaphore(%arg12 : memref<!tpu.dma_semaphore, #tpu.memory_space<semaphore_mem>>) src(%dma_wait3A_101 : memref<10000x128xf32, #tpu.memory_space<hbm>>) dst(%arg9 : memref<128x128xf32, #tpu.memory_space<vmem>>)
      %dma_start3A_102 = arith.constant 5 : i32
      %dma_start3A_103 = arith.constant 0 : i32
      %dma_start3A_104 = tpu.memref_slice %arg7[%dma_start3A_102, %dma_start3A_103] : memref<16x128xi32, #tpu.memory_space<vmem>> -> memref<1x128xi32, #tpu.memory_space<vmem>>
      %dma_start3A_105 = tpu.memref_squeeze %dma_start3A_104 : memref<1x128xi32, #tpu.memory_space<vmem>> -> memref<128xi32, #tpu.memory_space<vmem>>
      %dma_start3A_106 = arith.constant 0 : i32
      %dma_start3A_107 = arith.constant 0 : i32
      %dma_start3A_108 = tpu.memref_slice %arg2[%dma_start3A_106, %dma_start3A_107] : memref<10000x128xf32, #tpu.memory_space<hbm>> -> memref<10000x128xf32, #tpu.memory_space<hbm>>
      tpu.enqueue_indirect_dma source(%dma_start3A_108 : memref<10000x128xf32, #tpu.memory_space<hbm>>) target(%arg10 : memref<128x128xf32, #tpu.memory_space<vmem>>) offsets(%dma_start3A_105 : memref<128xi32, #tpu.memory_space<vmem>>) semaphore(%arg13 : memref<!tpu.dma_semaphore, #tpu.memory_space<semaphore_mem>>)
      %run_scoped3A_109 = arith.constant 4 : i32
      "tpu.region"() ({
        %run_scoped3A_268 = tpu.sem_alloc : memref<!tpu.dma_semaphore, #tpu.memory_space<semaphore_mem>>
        %dma_start3A_269 = arith.constant 0 : i32
        %dma_start3A_270 = tpu.memref_slice %arg8[%run_scoped3A_109, %dma_start3A_269] : memref<16x128xi32, #tpu.memory_space<vmem>> -> memref<1x128xi32, #tpu.memory_space<vmem>>
        %dma_start3A_271 = tpu.memref_squeeze %dma_start3A_270 : memref<1x128xi32, #tpu.memory_space<vmem>> -> memref<128xi32, #tpu.memory_space<vmem>>
        %dma_start3A_272 = arith.constant 0 : i32
        %dma_start3A_273 = arith.constant 0 : i32
        %dma_start3A_274 = tpu.memref_slice %arg11[%dma_start3A_272, %dma_start3A_273] : memref<10240x128xf32, #tpu.memory_space<vmem_shared>> -> memref<10240x128xf32, #tpu.memory_space<vmem_shared>>
        tpu.enqueue_indirect_dma source(%arg9 : memref<128x128xf32, #tpu.memory_space<vmem>>) target(%dma_start3A_274 : memref<10240x128xf32, #tpu.memory_space<vmem_shared>>) offsets(%dma_start3A_271 : memref<128xi32, #tpu.memory_space<vmem>>) semaphore(%run_scoped3A_268 : memref<!tpu.dma_semaphore, #tpu.memory_space<semaphore_mem>>) {add = true}
        %dma_wait3A_275 = arith.constant 0 : i32
        %dma_wait3A_276 = tpu.memref_slice %arg8[%run_scoped3A_109, %dma_wait3A_275] : memref<16x128xi32, #tpu.memory_space<vmem>> -> memref<1x128xi32, #tpu.memory_space<vmem>>
        %dma_wait3A_277 = tpu.memref_squeeze %dma_wait3A_276 : memref<1x128xi32, #tpu.memory_space<vmem>> -> memref<128xi32, #tpu.memory_space<vmem>>
        %dma_wait3A_278 = arith.constant 0 : i32
        %dma_wait3A_279 = arith.constant 0 : i32
        %dma_wait3A_280 = tpu.memref_slice %arg11[%dma_wait3A_278, %dma_wait3A_279] : memref<10240x128xf32, #tpu.memory_space<vmem_shared>> -> memref<10240x128xf32, #tpu.memory_space<vmem_shared>>
        tpu.wait_indirect_dma semaphore(%run_scoped3A_268 : memref<!tpu.dma_semaphore, #tpu.memory_space<semaphore_mem>>) src(%arg9 : memref<128x128xf32, #tpu.memory_space<vmem>>) dst(%dma_wait3A_280 : memref<10240x128xf32, #tpu.memory_space<vmem_shared>>)
        tpu.yield
      }) : () -> ()
      %dma_wait3A_110 = arith.constant 5 : i32
      %dma_wait3A_111 = arith.constant 0 : i32
      %dma_wait3A_112 = tpu.memref_slice %arg7[%dma_wait3A_110, %dma_wait3A_111] : memref<16x128xi32, #tpu.memory_space<vmem>> -> memref<1x128xi32, #tpu.memory_space<vmem>>
      %dma_wait3A_113 = tpu.memref_squeeze %dma_wait3A_112 : memref<1x128xi32, #tpu.memory_space<vmem>> -> memref<128xi32, #tpu.memory_space<vmem>>
      %dma_wait3A_114 = arith.constant 0 : i32
      %dma_wait3A_115 = arith.constant 0 : i32
      %dma_wait3A_116 = tpu.memref_slice %arg2[%dma_wait3A_114, %dma_wait3A_115] : memref<10000x128xf32, #tpu.memory_space<hbm>> -> memref<10000x128xf32, #tpu.memory_space<hbm>>
      tpu.wait_indirect_dma semaphore(%arg13 : memref<!tpu.dma_semaphore, #tpu.memory_space<semaphore_mem>>) src(%dma_wait3A_116 : memref<10000x128xf32, #tpu.memory_space<hbm>>) dst(%arg10 : memref<128x128xf32, #tpu.memory_space<vmem>>)
      %dma_start3A_117 = arith.constant 6 : i32
      %dma_start3A_118 = arith.constant 0 : i32
      %dma_start3A_119 = tpu.memref_slice %arg7[%dma_start3A_117, %dma_start3A_118] : memref<16x128xi32, #tpu.memory_space<vmem>> -> memref<1x128xi32, #tpu.memory_space<vmem>>
      %dma_start3A_120 = tpu.memref_squeeze %dma_start3A_119 : memref<1x128xi32, #tpu.memory_space<vmem>> -> memref<128xi32, #tpu.memory_space<vmem>>
      %dma_start3A_121 = arith.constant 0 : i32
      %dma_start3A_122 = arith.constant 0 : i32
      %dma_start3A_123 = tpu.memref_slice %arg2[%dma_start3A_121, %dma_start3A_122] : memref<10000x128xf32, #tpu.memory_space<hbm>> -> memref<10000x128xf32, #tpu.memory_space<hbm>>
      tpu.enqueue_indirect_dma source(%dma_start3A_123 : memref<10000x128xf32, #tpu.memory_space<hbm>>) target(%arg9 : memref<128x128xf32, #tpu.memory_space<vmem>>) offsets(%dma_start3A_120 : memref<128xi32, #tpu.memory_space<vmem>>) semaphore(%arg12 : memref<!tpu.dma_semaphore, #tpu.memory_space<semaphore_mem>>)
      %run_scoped3A_124 = arith.constant 5 : i32
      "tpu.region"() ({
        %run_scoped3A_268 = tpu.sem_alloc : memref<!tpu.dma_semaphore, #tpu.memory_space<semaphore_mem>>
        %dma_start3A_269 = arith.constant 0 : i32
        %dma_start3A_270 = tpu.memref_slice %arg8[%run_scoped3A_124, %dma_start3A_269] : memref<16x128xi32, #tpu.memory_space<vmem>> -> memref<1x128xi32, #tpu.memory_space<vmem>>
        %dma_start3A_271 = tpu.memref_squeeze %dma_start3A_270 : memref<1x128xi32, #tpu.memory_space<vmem>> -> memref<128xi32, #tpu.memory_space<vmem>>
        %dma_start3A_272 = arith.constant 0 : i32
        %dma_start3A_273 = arith.constant 0 : i32
        %dma_start3A_274 = tpu.memref_slice %arg11[%dma_start3A_272, %dma_start3A_273] : memref<10240x128xf32, #tpu.memory_space<vmem_shared>> -> memref<10240x128xf32, #tpu.memory_space<vmem_shared>>
        tpu.enqueue_indirect_dma source(%arg10 : memref<128x128xf32, #tpu.memory_space<vmem>>) target(%dma_start3A_274 : memref<10240x128xf32, #tpu.memory_space<vmem_shared>>) offsets(%dma_start3A_271 : memref<128xi32, #tpu.memory_space<vmem>>) semaphore(%run_scoped3A_268 : memref<!tpu.dma_semaphore, #tpu.memory_space<semaphore_mem>>) {add = true}
        %dma_wait3A_275 = arith.constant 0 : i32
        %dma_wait3A_276 = tpu.memref_slice %arg8[%run_scoped3A_124, %dma_wait3A_275] : memref<16x128xi32, #tpu.memory_space<vmem>> -> memref<1x128xi32, #tpu.memory_space<vmem>>
        %dma_wait3A_277 = tpu.memref_squeeze %dma_wait3A_276 : memref<1x128xi32, #tpu.memory_space<vmem>> -> memref<128xi32, #tpu.memory_space<vmem>>
        %dma_wait3A_278 = arith.constant 0 : i32
        %dma_wait3A_279 = arith.constant 0 : i32
        %dma_wait3A_280 = tpu.memref_slice %arg11[%dma_wait3A_278, %dma_wait3A_279] : memref<10240x128xf32, #tpu.memory_space<vmem_shared>> -> memref<10240x128xf32, #tpu.memory_space<vmem_shared>>
        tpu.wait_indirect_dma semaphore(%run_scoped3A_268 : memref<!tpu.dma_semaphore, #tpu.memory_space<semaphore_mem>>) src(%arg10 : memref<128x128xf32, #tpu.memory_space<vmem>>) dst(%dma_wait3A_280 : memref<10240x128xf32, #tpu.memory_space<vmem_shared>>)
        tpu.yield
      }) : () -> ()
      %dma_wait3A_125 = arith.constant 6 : i32
      %dma_wait3A_126 = arith.constant 0 : i32
      %dma_wait3A_127 = tpu.memref_slice %arg7[%dma_wait3A_125, %dma_wait3A_126] : memref<16x128xi32, #tpu.memory_space<vmem>> -> memref<1x128xi32, #tpu.memory_space<vmem>>
      %dma_wait3A_128 = tpu.memref_squeeze %dma_wait3A_127 : memref<1x128xi32, #tpu.memory_space<vmem>> -> memref<128xi32, #tpu.memory_space<vmem>>
      %dma_wait3A_129 = arith.constant 0 : i32
      %dma_wait3A_130 = arith.constant 0 : i32
      %dma_wait3A_131 = tpu.memref_slice %arg2[%dma_wait3A_129, %dma_wait3A_130] : memref<10000x128xf32, #tpu.memory_space<hbm>> -> memref<10000x128xf32, #tpu.memory_space<hbm>>
      tpu.wait_indirect_dma semaphore(%arg12 : memref<!tpu.dma_semaphore, #tpu.memory_space<semaphore_mem>>) src(%dma_wait3A_131 : memref<10000x128xf32, #tpu.memory_space<hbm>>) dst(%arg9 : memref<128x128xf32, #tpu.memory_space<vmem>>)
      %dma_start3A_132 = arith.constant 7 : i32
      %dma_start3A_133 = arith.constant 0 : i32
      %dma_start3A_134 = tpu.memref_slice %arg7[%dma_start3A_132, %dma_start3A_133] : memref<16x128xi32, #tpu.memory_space<vmem>> -> memref<1x128xi32, #tpu.memory_space<vmem>>
      %dma_start3A_135 = tpu.memref_squeeze %dma_start3A_134 : memref<1x128xi32, #tpu.memory_space<vmem>> -> memref<128xi32, #tpu.memory_space<vmem>>
      %dma_start3A_136 = arith.constant 0 : i32
      %dma_start3A_137 = arith.constant 0 : i32
      %dma_start3A_138 = tpu.memref_slice %arg2[%dma_start3A_136, %dma_start3A_137] : memref<10000x128xf32, #tpu.memory_space<hbm>> -> memref<10000x128xf32, #tpu.memory_space<hbm>>
      tpu.enqueue_indirect_dma source(%dma_start3A_138 : memref<10000x128xf32, #tpu.memory_space<hbm>>) target(%arg10 : memref<128x128xf32, #tpu.memory_space<vmem>>) offsets(%dma_start3A_135 : memref<128xi32, #tpu.memory_space<vmem>>) semaphore(%arg13 : memref<!tpu.dma_semaphore, #tpu.memory_space<semaphore_mem>>)
      %run_scoped3A_139 = arith.constant 6 : i32
      "tpu.region"() ({
        %run_scoped3A_268 = tpu.sem_alloc : memref<!tpu.dma_semaphore, #tpu.memory_space<semaphore_mem>>
        %dma_start3A_269 = arith.constant 0 : i32
        %dma_start3A_270 = tpu.memref_slice %arg8[%run_scoped3A_139, %dma_start3A_269] : memref<16x128xi32, #tpu.memory_space<vmem>> -> memref<1x128xi32, #tpu.memory_space<vmem>>
        %dma_start3A_271 = tpu.memref_squeeze %dma_start3A_270 : memref<1x128xi32, #tpu.memory_space<vmem>> -> memref<128xi32, #tpu.memory_space<vmem>>
        %dma_start3A_272 = arith.constant 0 : i32
        %dma_start3A_273 = arith.constant 0 : i32
        %dma_start3A_274 = tpu.memref_slice %arg11[%dma_start3A_272, %dma_start3A_273] : memref<10240x128xf32, #tpu.memory_space<vmem_shared>> -> memref<10240x128xf32, #tpu.memory_space<vmem_shared>>
        tpu.enqueue_indirect_dma source(%arg9 : memref<128x128xf32, #tpu.memory_space<vmem>>) target(%dma_start3A_274 : memref<10240x128xf32, #tpu.memory_space<vmem_shared>>) offsets(%dma_start3A_271 : memref<128xi32, #tpu.memory_space<vmem>>) semaphore(%run_scoped3A_268 : memref<!tpu.dma_semaphore, #tpu.memory_space<semaphore_mem>>) {add = true}
        %dma_wait3A_275 = arith.constant 0 : i32
        %dma_wait3A_276 = tpu.memref_slice %arg8[%run_scoped3A_139, %dma_wait3A_275] : memref<16x128xi32, #tpu.memory_space<vmem>> -> memref<1x128xi32, #tpu.memory_space<vmem>>
        %dma_wait3A_277 = tpu.memref_squeeze %dma_wait3A_276 : memref<1x128xi32, #tpu.memory_space<vmem>> -> memref<128xi32, #tpu.memory_space<vmem>>
        %dma_wait3A_278 = arith.constant 0 : i32
        %dma_wait3A_279 = arith.constant 0 : i32
        %dma_wait3A_280 = tpu.memref_slice %arg11[%dma_wait3A_278, %dma_wait3A_279] : memref<10240x128xf32, #tpu.memory_space<vmem_shared>> -> memref<10240x128xf32, #tpu.memory_space<vmem_shared>>
        tpu.wait_indirect_dma semaphore(%run_scoped3A_268 : memref<!tpu.dma_semaphore, #tpu.memory_space<semaphore_mem>>) src(%arg9 : memref<128x128xf32, #tpu.memory_space<vmem>>) dst(%dma_wait3A_280 : memref<10240x128xf32, #tpu.memory_space<vmem_shared>>)
        tpu.yield
      }) : () -> ()
      %dma_wait3A_140 = arith.constant 7 : i32
      %dma_wait3A_141 = arith.constant 0 : i32
      %dma_wait3A_142 = tpu.memref_slice %arg7[%dma_wait3A_140, %dma_wait3A_141] : memref<16x128xi32, #tpu.memory_space<vmem>> -> memref<1x128xi32, #tpu.memory_space<vmem>>
      %dma_wait3A_143 = tpu.memref_squeeze %dma_wait3A_142 : memref<1x128xi32, #tpu.memory_space<vmem>> -> memref<128xi32, #tpu.memory_space<vmem>>
      %dma_wait3A_144 = arith.constant 0 : i32
      %dma_wait3A_145 = arith.constant 0 : i32
      %dma_wait3A_146 = tpu.memref_slice %arg2[%dma_wait3A_144, %dma_wait3A_145] : memref<10000x128xf32, #tpu.memory_space<hbm>> -> memref<10000x128xf32, #tpu.memory_space<hbm>>
      tpu.wait_indirect_dma semaphore(%arg13 : memref<!tpu.dma_semaphore, #tpu.memory_space<semaphore_mem>>) src(%dma_wait3A_146 : memref<10000x128xf32, #tpu.memory_space<hbm>>) dst(%arg10 : memref<128x128xf32, #tpu.memory_space<vmem>>)
      %dma_start3A_147 = arith.constant 8 : i32
      %dma_start3A_148 = arith.constant 0 : i32
      %dma_start3A_149 = tpu.memref_slice %arg7[%dma_start3A_147, %dma_start3A_148] : memref<16x128xi32, #tpu.memory_space<vmem>> -> memref<1x128xi32, #tpu.memory_space<vmem>>
      %dma_start3A_150 = tpu.memref_squeeze %dma_start3A_149 : memref<1x128xi32, #tpu.memory_space<vmem>> -> memref<128xi32, #tpu.memory_space<vmem>>
      %dma_start3A_151 = arith.constant 0 : i32
      %dma_start3A_152 = arith.constant 0 : i32
      %dma_start3A_153 = tpu.memref_slice %arg2[%dma_start3A_151, %dma_start3A_152] : memref<10000x128xf32, #tpu.memory_space<hbm>> -> memref<10000x128xf32, #tpu.memory_space<hbm>>
      tpu.enqueue_indirect_dma source(%dma_start3A_153 : memref<10000x128xf32, #tpu.memory_space<hbm>>) target(%arg9 : memref<128x128xf32, #tpu.memory_space<vmem>>) offsets(%dma_start3A_150 : memref<128xi32, #tpu.memory_space<vmem>>) semaphore(%arg12 : memref<!tpu.dma_semaphore, #tpu.memory_space<semaphore_mem>>)
      %run_scoped3A_154 = arith.constant 7 : i32
      "tpu.region"() ({
        %run_scoped3A_268 = tpu.sem_alloc : memref<!tpu.dma_semaphore, #tpu.memory_space<semaphore_mem>>
        %dma_start3A_269 = arith.constant 0 : i32
        %dma_start3A_270 = tpu.memref_slice %arg8[%run_scoped3A_154, %dma_start3A_269] : memref<16x128xi32, #tpu.memory_space<vmem>> -> memref<1x128xi32, #tpu.memory_space<vmem>>
        %dma_start3A_271 = tpu.memref_squeeze %dma_start3A_270 : memref<1x128xi32, #tpu.memory_space<vmem>> -> memref<128xi32, #tpu.memory_space<vmem>>
        %dma_start3A_272 = arith.constant 0 : i32
        %dma_start3A_273 = arith.constant 0 : i32
        %dma_start3A_274 = tpu.memref_slice %arg11[%dma_start3A_272, %dma_start3A_273] : memref<10240x128xf32, #tpu.memory_space<vmem_shared>> -> memref<10240x128xf32, #tpu.memory_space<vmem_shared>>
        tpu.enqueue_indirect_dma source(%arg10 : memref<128x128xf32, #tpu.memory_space<vmem>>) target(%dma_start3A_274 : memref<10240x128xf32, #tpu.memory_space<vmem_shared>>) offsets(%dma_start3A_271 : memref<128xi32, #tpu.memory_space<vmem>>) semaphore(%run_scoped3A_268 : memref<!tpu.dma_semaphore, #tpu.memory_space<semaphore_mem>>) {add = true}
        %dma_wait3A_275 = arith.constant 0 : i32
        %dma_wait3A_276 = tpu.memref_slice %arg8[%run_scoped3A_154, %dma_wait3A_275] : memref<16x128xi32, #tpu.memory_space<vmem>> -> memref<1x128xi32, #tpu.memory_space<vmem>>
        %dma_wait3A_277 = tpu.memref_squeeze %dma_wait3A_276 : memref<1x128xi32, #tpu.memory_space<vmem>> -> memref<128xi32, #tpu.memory_space<vmem>>
        %dma_wait3A_278 = arith.constant 0 : i32
        %dma_wait3A_279 = arith.constant 0 : i32
        %dma_wait3A_280 = tpu.memref_slice %arg11[%dma_wait3A_278, %dma_wait3A_279] : memref<10240x128xf32, #tpu.memory_space<vmem_shared>> -> memref<10240x128xf32, #tpu.memory_space<vmem_shared>>
        tpu.wait_indirect_dma semaphore(%run_scoped3A_268 : memref<!tpu.dma_semaphore, #tpu.memory_space<semaphore_mem>>) src(%arg10 : memref<128x128xf32, #tpu.memory_space<vmem>>) dst(%dma_wait3A_280 : memref<10240x128xf32, #tpu.memory_space<vmem_shared>>)
        tpu.yield
      }) : () -> ()
      %dma_wait3A_155 = arith.constant 8 : i32
      %dma_wait3A_156 = arith.constant 0 : i32
      %dma_wait3A_157 = tpu.memref_slice %arg7[%dma_wait3A_155, %dma_wait3A_156] : memref<16x128xi32, #tpu.memory_space<vmem>> -> memref<1x128xi32, #tpu.memory_space<vmem>>
      %dma_wait3A_158 = tpu.memref_squeeze %dma_wait3A_157 : memref<1x128xi32, #tpu.memory_space<vmem>> -> memref<128xi32, #tpu.memory_space<vmem>>
      %dma_wait3A_159 = arith.constant 0 : i32
      %dma_wait3A_160 = arith.constant 0 : i32
      %dma_wait3A_161 = tpu.memref_slice %arg2[%dma_wait3A_159, %dma_wait3A_160] : memref<10000x128xf32, #tpu.memory_space<hbm>> -> memref<10000x128xf32, #tpu.memory_space<hbm>>
      tpu.wait_indirect_dma semaphore(%arg12 : memref<!tpu.dma_semaphore, #tpu.memory_space<semaphore_mem>>) src(%dma_wait3A_161 : memref<10000x128xf32, #tpu.memory_space<hbm>>) dst(%arg9 : memref<128x128xf32, #tpu.memory_space<vmem>>)
      %dma_start3A_162 = arith.constant 9 : i32
      %dma_start3A_163 = arith.constant 0 : i32
      %dma_start3A_164 = tpu.memref_slice %arg7[%dma_start3A_162, %dma_start3A_163] : memref<16x128xi32, #tpu.memory_space<vmem>> -> memref<1x128xi32, #tpu.memory_space<vmem>>
      %dma_start3A_165 = tpu.memref_squeeze %dma_start3A_164 : memref<1x128xi32, #tpu.memory_space<vmem>> -> memref<128xi32, #tpu.memory_space<vmem>>
      %dma_start3A_166 = arith.constant 0 : i32
      %dma_start3A_167 = arith.constant 0 : i32
      %dma_start3A_168 = tpu.memref_slice %arg2[%dma_start3A_166, %dma_start3A_167] : memref<10000x128xf32, #tpu.memory_space<hbm>> -> memref<10000x128xf32, #tpu.memory_space<hbm>>
      tpu.enqueue_indirect_dma source(%dma_start3A_168 : memref<10000x128xf32, #tpu.memory_space<hbm>>) target(%arg10 : memref<128x128xf32, #tpu.memory_space<vmem>>) offsets(%dma_start3A_165 : memref<128xi32, #tpu.memory_space<vmem>>) semaphore(%arg13 : memref<!tpu.dma_semaphore, #tpu.memory_space<semaphore_mem>>)
      %run_scoped3A_169 = arith.constant 8 : i32
      "tpu.region"() ({
        %run_scoped3A_268 = tpu.sem_alloc : memref<!tpu.dma_semaphore, #tpu.memory_space<semaphore_mem>>
        %dma_start3A_269 = arith.constant 0 : i32
        %dma_start3A_270 = tpu.memref_slice %arg8[%run_scoped3A_169, %dma_start3A_269] : memref<16x128xi32, #tpu.memory_space<vmem>> -> memref<1x128xi32, #tpu.memory_space<vmem>>
        %dma_start3A_271 = tpu.memref_squeeze %dma_start3A_270 : memref<1x128xi32, #tpu.memory_space<vmem>> -> memref<128xi32, #tpu.memory_space<vmem>>
        %dma_start3A_272 = arith.constant 0 : i32
        %dma_start3A_273 = arith.constant 0 : i32
        %dma_start3A_274 = tpu.memref_slice %arg11[%dma_start3A_272, %dma_start3A_273] : memref<10240x128xf32, #tpu.memory_space<vmem_shared>> -> memref<10240x128xf32, #tpu.memory_space<vmem_shared>>
        tpu.enqueue_indirect_dma source(%arg9 : memref<128x128xf32, #tpu.memory_space<vmem>>) target(%dma_start3A_274 : memref<10240x128xf32, #tpu.memory_space<vmem_shared>>) offsets(%dma_start3A_271 : memref<128xi32, #tpu.memory_space<vmem>>) semaphore(%run_scoped3A_268 : memref<!tpu.dma_semaphore, #tpu.memory_space<semaphore_mem>>) {add = true}
        %dma_wait3A_275 = arith.constant 0 : i32
        %dma_wait3A_276 = tpu.memref_slice %arg8[%run_scoped3A_169, %dma_wait3A_275] : memref<16x128xi32, #tpu.memory_space<vmem>> -> memref<1x128xi32, #tpu.memory_space<vmem>>
        %dma_wait3A_277 = tpu.memref_squeeze %dma_wait3A_276 : memref<1x128xi32, #tpu.memory_space<vmem>> -> memref<128xi32, #tpu.memory_space<vmem>>
        %dma_wait3A_278 = arith.constant 0 : i32
        %dma_wait3A_279 = arith.constant 0 : i32
        %dma_wait3A_280 = tpu.memref_slice %arg11[%dma_wait3A_278, %dma_wait3A_279] : memref<10240x128xf32, #tpu.memory_space<vmem_shared>> -> memref<10240x128xf32, #tpu.memory_space<vmem_shared>>
        tpu.wait_indirect_dma semaphore(%run_scoped3A_268 : memref<!tpu.dma_semaphore, #tpu.memory_space<semaphore_mem>>) src(%arg9 : memref<128x128xf32, #tpu.memory_space<vmem>>) dst(%dma_wait3A_280 : memref<10240x128xf32, #tpu.memory_space<vmem_shared>>)
        tpu.yield
      }) : () -> ()
      %dma_wait3A_170 = arith.constant 9 : i32
      %dma_wait3A_171 = arith.constant 0 : i32
      %dma_wait3A_172 = tpu.memref_slice %arg7[%dma_wait3A_170, %dma_wait3A_171] : memref<16x128xi32, #tpu.memory_space<vmem>> -> memref<1x128xi32, #tpu.memory_space<vmem>>
      %dma_wait3A_173 = tpu.memref_squeeze %dma_wait3A_172 : memref<1x128xi32, #tpu.memory_space<vmem>> -> memref<128xi32, #tpu.memory_space<vmem>>
      %dma_wait3A_174 = arith.constant 0 : i32
      %dma_wait3A_175 = arith.constant 0 : i32
      %dma_wait3A_176 = tpu.memref_slice %arg2[%dma_wait3A_174, %dma_wait3A_175] : memref<10000x128xf32, #tpu.memory_space<hbm>> -> memref<10000x128xf32, #tpu.memory_space<hbm>>
      tpu.wait_indirect_dma semaphore(%arg13 : memref<!tpu.dma_semaphore, #tpu.memory_space<semaphore_mem>>) src(%dma_wait3A_176 : memref<10000x128xf32, #tpu.memory_space<hbm>>) dst(%arg10 : memref<128x128xf32, #tpu.memory_space<vmem>>)
      %dma_start3A_177 = arith.constant 10 : i32
      %dma_start3A_178 = arith.constant 0 : i32
      %dma_start3A_179 = tpu.memref_slice %arg7[%dma_start3A_177, %dma_start3A_178] : memref<16x128xi32, #tpu.memory_space<vmem>> -> memref<1x128xi32, #tpu.memory_space<vmem>>
      %dma_start3A_180 = tpu.memref_squeeze %dma_start3A_179 : memref<1x128xi32, #tpu.memory_space<vmem>> -> memref<128xi32, #tpu.memory_space<vmem>>
      %dma_start3A_181 = arith.constant 0 : i32
      %dma_start3A_182 = arith.constant 0 : i32
      %dma_start3A_183 = tpu.memref_slice %arg2[%dma_start3A_181, %dma_start3A_182] : memref<10000x128xf32, #tpu.memory_space<hbm>> -> memref<10000x128xf32, #tpu.memory_space<hbm>>
      tpu.enqueue_indirect_dma source(%dma_start3A_183 : memref<10000x128xf32, #tpu.memory_space<hbm>>) target(%arg9 : memref<128x128xf32, #tpu.memory_space<vmem>>) offsets(%dma_start3A_180 : memref<128xi32, #tpu.memory_space<vmem>>) semaphore(%arg12 : memref<!tpu.dma_semaphore, #tpu.memory_space<semaphore_mem>>)
      %run_scoped3A_184 = arith.constant 9 : i32
      "tpu.region"() ({
        %run_scoped3A_268 = tpu.sem_alloc : memref<!tpu.dma_semaphore, #tpu.memory_space<semaphore_mem>>
        %dma_start3A_269 = arith.constant 0 : i32
        %dma_start3A_270 = tpu.memref_slice %arg8[%run_scoped3A_184, %dma_start3A_269] : memref<16x128xi32, #tpu.memory_space<vmem>> -> memref<1x128xi32, #tpu.memory_space<vmem>>
        %dma_start3A_271 = tpu.memref_squeeze %dma_start3A_270 : memref<1x128xi32, #tpu.memory_space<vmem>> -> memref<128xi32, #tpu.memory_space<vmem>>
        %dma_start3A_272 = arith.constant 0 : i32
        %dma_start3A_273 = arith.constant 0 : i32
        %dma_start3A_274 = tpu.memref_slice %arg11[%dma_start3A_272, %dma_start3A_273] : memref<10240x128xf32, #tpu.memory_space<vmem_shared>> -> memref<10240x128xf32, #tpu.memory_space<vmem_shared>>
        tpu.enqueue_indirect_dma source(%arg10 : memref<128x128xf32, #tpu.memory_space<vmem>>) target(%dma_start3A_274 : memref<10240x128xf32, #tpu.memory_space<vmem_shared>>) offsets(%dma_start3A_271 : memref<128xi32, #tpu.memory_space<vmem>>) semaphore(%run_scoped3A_268 : memref<!tpu.dma_semaphore, #tpu.memory_space<semaphore_mem>>) {add = true}
        %dma_wait3A_275 = arith.constant 0 : i32
        %dma_wait3A_276 = tpu.memref_slice %arg8[%run_scoped3A_184, %dma_wait3A_275] : memref<16x128xi32, #tpu.memory_space<vmem>> -> memref<1x128xi32, #tpu.memory_space<vmem>>
        %dma_wait3A_277 = tpu.memref_squeeze %dma_wait3A_276 : memref<1x128xi32, #tpu.memory_space<vmem>> -> memref<128xi32, #tpu.memory_space<vmem>>
        %dma_wait3A_278 = arith.constant 0 : i32
        %dma_wait3A_279 = arith.constant 0 : i32
        %dma_wait3A_280 = tpu.memref_slice %arg11[%dma_wait3A_278, %dma_wait3A_279] : memref<10240x128xf32, #tpu.memory_space<vmem_shared>> -> memref<10240x128xf32, #tpu.memory_space<vmem_shared>>
        tpu.wait_indirect_dma semaphore(%run_scoped3A_268 : memref<!tpu.dma_semaphore, #tpu.memory_space<semaphore_mem>>) src(%arg10 : memref<128x128xf32, #tpu.memory_space<vmem>>) dst(%dma_wait3A_280 : memref<10240x128xf32, #tpu.memory_space<vmem_shared>>)
        tpu.yield
      }) : () -> ()
      %dma_wait3A_185 = arith.constant 10 : i32
      %dma_wait3A_186 = arith.constant 0 : i32
      %dma_wait3A_187 = tpu.memref_slice %arg7[%dma_wait3A_185, %dma_wait3A_186] : memref<16x128xi32, #tpu.memory_space<vmem>> -> memref<1x128xi32, #tpu.memory_space<vmem>>
      %dma_wait3A_188 = tpu.memref_squeeze %dma_wait3A_187 : memref<1x128xi32, #tpu.memory_space<vmem>> -> memref<128xi32, #tpu.memory_space<vmem>>
      %dma_wait3A_189 = arith.constant 0 : i32
      %dma_wait3A_190 = arith.constant 0 : i32
      %dma_wait3A_191 = tpu.memref_slice %arg2[%dma_wait3A_189, %dma_wait3A_190] : memref<10000x128xf32, #tpu.memory_space<hbm>> -> memref<10000x128xf32, #tpu.memory_space<hbm>>
      tpu.wait_indirect_dma semaphore(%arg12 : memref<!tpu.dma_semaphore, #tpu.memory_space<semaphore_mem>>) src(%dma_wait3A_191 : memref<10000x128xf32, #tpu.memory_space<hbm>>) dst(%arg9 : memref<128x128xf32, #tpu.memory_space<vmem>>)
      %dma_start3A_192 = arith.constant 11 : i32
      %dma_start3A_193 = arith.constant 0 : i32
      %dma_start3A_194 = tpu.memref_slice %arg7[%dma_start3A_192, %dma_start3A_193] : memref<16x128xi32, #tpu.memory_space<vmem>> -> memref<1x128xi32, #tpu.memory_space<vmem>>
      %dma_start3A_195 = tpu.memref_squeeze %dma_start3A_194 : memref<1x128xi32, #tpu.memory_space<vmem>> -> memref<128xi32, #tpu.memory_space<vmem>>
      %dma_start3A_196 = arith.constant 0 : i32
      %dma_start3A_197 = arith.constant 0 : i32
      %dma_start3A_198 = tpu.memref_slice %arg2[%dma_start3A_196, %dma_start3A_197] : memref<10000x128xf32, #tpu.memory_space<hbm>> -> memref<10000x128xf32, #tpu.memory_space<hbm>>
      tpu.enqueue_indirect_dma source(%dma_start3A_198 : memref<10000x128xf32, #tpu.memory_space<hbm>>) target(%arg10 : memref<128x128xf32, #tpu.memory_space<vmem>>) offsets(%dma_start3A_195 : memref<128xi32, #tpu.memory_space<vmem>>) semaphore(%arg13 : memref<!tpu.dma_semaphore, #tpu.memory_space<semaphore_mem>>)
      %run_scoped3A_199 = arith.constant 10 : i32
      "tpu.region"() ({
        %run_scoped3A_268 = tpu.sem_alloc : memref<!tpu.dma_semaphore, #tpu.memory_space<semaphore_mem>>
        %dma_start3A_269 = arith.constant 0 : i32
        %dma_start3A_270 = tpu.memref_slice %arg8[%run_scoped3A_199, %dma_start3A_269] : memref<16x128xi32, #tpu.memory_space<vmem>> -> memref<1x128xi32, #tpu.memory_space<vmem>>
        %dma_start3A_271 = tpu.memref_squeeze %dma_start3A_270 : memref<1x128xi32, #tpu.memory_space<vmem>> -> memref<128xi32, #tpu.memory_space<vmem>>
        %dma_start3A_272 = arith.constant 0 : i32
        %dma_start3A_273 = arith.constant 0 : i32
        %dma_start3A_274 = tpu.memref_slice %arg11[%dma_start3A_272, %dma_start3A_273] : memref<10240x128xf32, #tpu.memory_space<vmem_shared>> -> memref<10240x128xf32, #tpu.memory_space<vmem_shared>>
        tpu.enqueue_indirect_dma source(%arg9 : memref<128x128xf32, #tpu.memory_space<vmem>>) target(%dma_start3A_274 : memref<10240x128xf32, #tpu.memory_space<vmem_shared>>) offsets(%dma_start3A_271 : memref<128xi32, #tpu.memory_space<vmem>>) semaphore(%run_scoped3A_268 : memref<!tpu.dma_semaphore, #tpu.memory_space<semaphore_mem>>) {add = true}
        %dma_wait3A_275 = arith.constant 0 : i32
        %dma_wait3A_276 = tpu.memref_slice %arg8[%run_scoped3A_199, %dma_wait3A_275] : memref<16x128xi32, #tpu.memory_space<vmem>> -> memref<1x128xi32, #tpu.memory_space<vmem>>
        %dma_wait3A_277 = tpu.memref_squeeze %dma_wait3A_276 : memref<1x128xi32, #tpu.memory_space<vmem>> -> memref<128xi32, #tpu.memory_space<vmem>>
        %dma_wait3A_278 = arith.constant 0 : i32
        %dma_wait3A_279 = arith.constant 0 : i32
        %dma_wait3A_280 = tpu.memref_slice %arg11[%dma_wait3A_278, %dma_wait3A_279] : memref<10240x128xf32, #tpu.memory_space<vmem_shared>> -> memref<10240x128xf32, #tpu.memory_space<vmem_shared>>
        tpu.wait_indirect_dma semaphore(%run_scoped3A_268 : memref<!tpu.dma_semaphore, #tpu.memory_space<semaphore_mem>>) src(%arg9 : memref<128x128xf32, #tpu.memory_space<vmem>>) dst(%dma_wait3A_280 : memref<10240x128xf32, #tpu.memory_space<vmem_shared>>)
        tpu.yield
      }) : () -> ()
      %dma_wait3A_200 = arith.constant 11 : i32
      %dma_wait3A_201 = arith.constant 0 : i32
      %dma_wait3A_202 = tpu.memref_slice %arg7[%dma_wait3A_200, %dma_wait3A_201] : memref<16x128xi32, #tpu.memory_space<vmem>> -> memref<1x128xi32, #tpu.memory_space<vmem>>
      %dma_wait3A_203 = tpu.memref_squeeze %dma_wait3A_202 : memref<1x128xi32, #tpu.memory_space<vmem>> -> memref<128xi32, #tpu.memory_space<vmem>>
      %dma_wait3A_204 = arith.constant 0 : i32
      %dma_wait3A_205 = arith.constant 0 : i32
      %dma_wait3A_206 = tpu.memref_slice %arg2[%dma_wait3A_204, %dma_wait3A_205] : memref<10000x128xf32, #tpu.memory_space<hbm>> -> memref<10000x128xf32, #tpu.memory_space<hbm>>
      tpu.wait_indirect_dma semaphore(%arg13 : memref<!tpu.dma_semaphore, #tpu.memory_space<semaphore_mem>>) src(%dma_wait3A_206 : memref<10000x128xf32, #tpu.memory_space<hbm>>) dst(%arg10 : memref<128x128xf32, #tpu.memory_space<vmem>>)
      %dma_start3A_207 = arith.constant 12 : i32
      %dma_start3A_208 = arith.constant 0 : i32
      %dma_start3A_209 = tpu.memref_slice %arg7[%dma_start3A_207, %dma_start3A_208] : memref<16x128xi32, #tpu.memory_space<vmem>> -> memref<1x128xi32, #tpu.memory_space<vmem>>
      %dma_start3A_210 = tpu.memref_squeeze %dma_start3A_209 : memref<1x128xi32, #tpu.memory_space<vmem>> -> memref<128xi32, #tpu.memory_space<vmem>>
      %dma_start3A_211 = arith.constant 0 : i32
      %dma_start3A_212 = arith.constant 0 : i32
      %dma_start3A_213 = tpu.memref_slice %arg2[%dma_start3A_211, %dma_start3A_212] : memref<10000x128xf32, #tpu.memory_space<hbm>> -> memref<10000x128xf32, #tpu.memory_space<hbm>>
      tpu.enqueue_indirect_dma source(%dma_start3A_213 : memref<10000x128xf32, #tpu.memory_space<hbm>>) target(%arg9 : memref<128x128xf32, #tpu.memory_space<vmem>>) offsets(%dma_start3A_210 : memref<128xi32, #tpu.memory_space<vmem>>) semaphore(%arg12 : memref<!tpu.dma_semaphore, #tpu.memory_space<semaphore_mem>>)
      %run_scoped3A_214 = arith.constant 11 : i32
      "tpu.region"() ({
        %run_scoped3A_268 = tpu.sem_alloc : memref<!tpu.dma_semaphore, #tpu.memory_space<semaphore_mem>>
        %dma_start3A_269 = arith.constant 0 : i32
        %dma_start3A_270 = tpu.memref_slice %arg8[%run_scoped3A_214, %dma_start3A_269] : memref<16x128xi32, #tpu.memory_space<vmem>> -> memref<1x128xi32, #tpu.memory_space<vmem>>
        %dma_start3A_271 = tpu.memref_squeeze %dma_start3A_270 : memref<1x128xi32, #tpu.memory_space<vmem>> -> memref<128xi32, #tpu.memory_space<vmem>>
        %dma_start3A_272 = arith.constant 0 : i32
        %dma_start3A_273 = arith.constant 0 : i32
        %dma_start3A_274 = tpu.memref_slice %arg11[%dma_start3A_272, %dma_start3A_273] : memref<10240x128xf32, #tpu.memory_space<vmem_shared>> -> memref<10240x128xf32, #tpu.memory_space<vmem_shared>>
        tpu.enqueue_indirect_dma source(%arg10 : memref<128x128xf32, #tpu.memory_space<vmem>>) target(%dma_start3A_274 : memref<10240x128xf32, #tpu.memory_space<vmem_shared>>) offsets(%dma_start3A_271 : memref<128xi32, #tpu.memory_space<vmem>>) semaphore(%run_scoped3A_268 : memref<!tpu.dma_semaphore, #tpu.memory_space<semaphore_mem>>) {add = true}
        %dma_wait3A_275 = arith.constant 0 : i32
        %dma_wait3A_276 = tpu.memref_slice %arg8[%run_scoped3A_214, %dma_wait3A_275] : memref<16x128xi32, #tpu.memory_space<vmem>> -> memref<1x128xi32, #tpu.memory_space<vmem>>
        %dma_wait3A_277 = tpu.memref_squeeze %dma_wait3A_276 : memref<1x128xi32, #tpu.memory_space<vmem>> -> memref<128xi32, #tpu.memory_space<vmem>>
        %dma_wait3A_278 = arith.constant 0 : i32
        %dma_wait3A_279 = arith.constant 0 : i32
        %dma_wait3A_280 = tpu.memref_slice %arg11[%dma_wait3A_278, %dma_wait3A_279] : memref<10240x128xf32, #tpu.memory_space<vmem_shared>> -> memref<10240x128xf32, #tpu.memory_space<vmem_shared>>
        tpu.wait_indirect_dma semaphore(%run_scoped3A_268 : memref<!tpu.dma_semaphore, #tpu.memory_space<semaphore_mem>>) src(%arg10 : memref<128x128xf32, #tpu.memory_space<vmem>>) dst(%dma_wait3A_280 : memref<10240x128xf32, #tpu.memory_space<vmem_shared>>)
        tpu.yield
      }) : () -> ()
      %dma_wait3A_215 = arith.constant 12 : i32
      %dma_wait3A_216 = arith.constant 0 : i32
      %dma_wait3A_217 = tpu.memref_slice %arg7[%dma_wait3A_215, %dma_wait3A_216] : memref<16x128xi32, #tpu.memory_space<vmem>> -> memref<1x128xi32, #tpu.memory_space<vmem>>
      %dma_wait3A_218 = tpu.memref_squeeze %dma_wait3A_217 : memref<1x128xi32, #tpu.memory_space<vmem>> -> memref<128xi32, #tpu.memory_space<vmem>>
      %dma_wait3A_219 = arith.constant 0 : i32
      %dma_wait3A_220 = arith.constant 0 : i32
      %dma_wait3A_221 = tpu.memref_slice %arg2[%dma_wait3A_219, %dma_wait3A_220] : memref<10000x128xf32, #tpu.memory_space<hbm>> -> memref<10000x128xf32, #tpu.memory_space<hbm>>
      tpu.wait_indirect_dma semaphore(%arg12 : memref<!tpu.dma_semaphore, #tpu.memory_space<semaphore_mem>>) src(%dma_wait3A_221 : memref<10000x128xf32, #tpu.memory_space<hbm>>) dst(%arg9 : memref<128x128xf32, #tpu.memory_space<vmem>>)
      %dma_start3A_222 = arith.constant 13 : i32
      %dma_start3A_223 = arith.constant 0 : i32
      %dma_start3A_224 = tpu.memref_slice %arg7[%dma_start3A_222, %dma_start3A_223] : memref<16x128xi32, #tpu.memory_space<vmem>> -> memref<1x128xi32, #tpu.memory_space<vmem>>
      %dma_start3A_225 = tpu.memref_squeeze %dma_start3A_224 : memref<1x128xi32, #tpu.memory_space<vmem>> -> memref<128xi32, #tpu.memory_space<vmem>>
      %dma_start3A_226 = arith.constant 0 : i32
      %dma_start3A_227 = arith.constant 0 : i32
      %dma_start3A_228 = tpu.memref_slice %arg2[%dma_start3A_226, %dma_start3A_227] : memref<10000x128xf32, #tpu.memory_space<hbm>> -> memref<10000x128xf32, #tpu.memory_space<hbm>>
      tpu.enqueue_indirect_dma source(%dma_start3A_228 : memref<10000x128xf32, #tpu.memory_space<hbm>>) target(%arg10 : memref<128x128xf32, #tpu.memory_space<vmem>>) offsets(%dma_start3A_225 : memref<128xi32, #tpu.memory_space<vmem>>) semaphore(%arg13 : memref<!tpu.dma_semaphore, #tpu.memory_space<semaphore_mem>>)
      %run_scoped3A_229 = arith.constant 12 : i32
      "tpu.region"() ({
        %run_scoped3A_268 = tpu.sem_alloc : memref<!tpu.dma_semaphore, #tpu.memory_space<semaphore_mem>>
        %dma_start3A_269 = arith.constant 0 : i32
        %dma_start3A_270 = tpu.memref_slice %arg8[%run_scoped3A_229, %dma_start3A_269] : memref<16x128xi32, #tpu.memory_space<vmem>> -> memref<1x128xi32, #tpu.memory_space<vmem>>
        %dma_start3A_271 = tpu.memref_squeeze %dma_start3A_270 : memref<1x128xi32, #tpu.memory_space<vmem>> -> memref<128xi32, #tpu.memory_space<vmem>>
        %dma_start3A_272 = arith.constant 0 : i32
        %dma_start3A_273 = arith.constant 0 : i32
        %dma_start3A_274 = tpu.memref_slice %arg11[%dma_start3A_272, %dma_start3A_273] : memref<10240x128xf32, #tpu.memory_space<vmem_shared>> -> memref<10240x128xf32, #tpu.memory_space<vmem_shared>>
        tpu.enqueue_indirect_dma source(%arg9 : memref<128x128xf32, #tpu.memory_space<vmem>>) target(%dma_start3A_274 : memref<10240x128xf32, #tpu.memory_space<vmem_shared>>) offsets(%dma_start3A_271 : memref<128xi32, #tpu.memory_space<vmem>>) semaphore(%run_scoped3A_268 : memref<!tpu.dma_semaphore, #tpu.memory_space<semaphore_mem>>) {add = true}
        %dma_wait3A_275 = arith.constant 0 : i32
        %dma_wait3A_276 = tpu.memref_slice %arg8[%run_scoped3A_229, %dma_wait3A_275] : memref<16x128xi32, #tpu.memory_space<vmem>> -> memref<1x128xi32, #tpu.memory_space<vmem>>
        %dma_wait3A_277 = tpu.memref_squeeze %dma_wait3A_276 : memref<1x128xi32, #tpu.memory_space<vmem>> -> memref<128xi32, #tpu.memory_space<vmem>>
        %dma_wait3A_278 = arith.constant 0 : i32
        %dma_wait3A_279 = arith.constant 0 : i32
        %dma_wait3A_280 = tpu.memref_slice %arg11[%dma_wait3A_278, %dma_wait3A_279] : memref<10240x128xf32, #tpu.memory_space<vmem_shared>> -> memref<10240x128xf32, #tpu.memory_space<vmem_shared>>
        tpu.wait_indirect_dma semaphore(%run_scoped3A_268 : memref<!tpu.dma_semaphore, #tpu.memory_space<semaphore_mem>>) src(%arg9 : memref<128x128xf32, #tpu.memory_space<vmem>>) dst(%dma_wait3A_280 : memref<10240x128xf32, #tpu.memory_space<vmem_shared>>)
        tpu.yield
      }) : () -> ()
      %dma_wait3A_230 = arith.constant 13 : i32
      %dma_wait3A_231 = arith.constant 0 : i32
      %dma_wait3A_232 = tpu.memref_slice %arg7[%dma_wait3A_230, %dma_wait3A_231] : memref<16x128xi32, #tpu.memory_space<vmem>> -> memref<1x128xi32, #tpu.memory_space<vmem>>
      %dma_wait3A_233 = tpu.memref_squeeze %dma_wait3A_232 : memref<1x128xi32, #tpu.memory_space<vmem>> -> memref<128xi32, #tpu.memory_space<vmem>>
      %dma_wait3A_234 = arith.constant 0 : i32
      %dma_wait3A_235 = arith.constant 0 : i32
      %dma_wait3A_236 = tpu.memref_slice %arg2[%dma_wait3A_234, %dma_wait3A_235] : memref<10000x128xf32, #tpu.memory_space<hbm>> -> memref<10000x128xf32, #tpu.memory_space<hbm>>
      tpu.wait_indirect_dma semaphore(%arg13 : memref<!tpu.dma_semaphore, #tpu.memory_space<semaphore_mem>>) src(%dma_wait3A_236 : memref<10000x128xf32, #tpu.memory_space<hbm>>) dst(%arg10 : memref<128x128xf32, #tpu.memory_space<vmem>>)
      %dma_start3A_237 = arith.constant 14 : i32
      %dma_start3A_238 = arith.constant 0 : i32
      %dma_start3A_239 = tpu.memref_slice %arg7[%dma_start3A_237, %dma_start3A_238] : memref<16x128xi32, #tpu.memory_space<vmem>> -> memref<1x128xi32, #tpu.memory_space<vmem>>
      %dma_start3A_240 = tpu.memref_squeeze %dma_start3A_239 : memref<1x128xi32, #tpu.memory_space<vmem>> -> memref<128xi32, #tpu.memory_space<vmem>>
      %dma_start3A_241 = arith.constant 0 : i32
      %dma_start3A_242 = arith.constant 0 : i32
      %dma_start3A_243 = tpu.memref_slice %arg2[%dma_start3A_241, %dma_start3A_242] : memref<10000x128xf32, #tpu.memory_space<hbm>> -> memref<10000x128xf32, #tpu.memory_space<hbm>>
      tpu.enqueue_indirect_dma source(%dma_start3A_243 : memref<10000x128xf32, #tpu.memory_space<hbm>>) target(%arg9 : memref<128x128xf32, #tpu.memory_space<vmem>>) offsets(%dma_start3A_240 : memref<128xi32, #tpu.memory_space<vmem>>) semaphore(%arg12 : memref<!tpu.dma_semaphore, #tpu.memory_space<semaphore_mem>>)
      %run_scoped3A_244 = arith.constant 13 : i32
      "tpu.region"() ({
        %run_scoped3A_268 = tpu.sem_alloc : memref<!tpu.dma_semaphore, #tpu.memory_space<semaphore_mem>>
        %dma_start3A_269 = arith.constant 0 : i32
        %dma_start3A_270 = tpu.memref_slice %arg8[%run_scoped3A_244, %dma_start3A_269] : memref<16x128xi32, #tpu.memory_space<vmem>> -> memref<1x128xi32, #tpu.memory_space<vmem>>
        %dma_start3A_271 = tpu.memref_squeeze %dma_start3A_270 : memref<1x128xi32, #tpu.memory_space<vmem>> -> memref<128xi32, #tpu.memory_space<vmem>>
        %dma_start3A_272 = arith.constant 0 : i32
        %dma_start3A_273 = arith.constant 0 : i32
        %dma_start3A_274 = tpu.memref_slice %arg11[%dma_start3A_272, %dma_start3A_273] : memref<10240x128xf32, #tpu.memory_space<vmem_shared>> -> memref<10240x128xf32, #tpu.memory_space<vmem_shared>>
        tpu.enqueue_indirect_dma source(%arg10 : memref<128x128xf32, #tpu.memory_space<vmem>>) target(%dma_start3A_274 : memref<10240x128xf32, #tpu.memory_space<vmem_shared>>) offsets(%dma_start3A_271 : memref<128xi32, #tpu.memory_space<vmem>>) semaphore(%run_scoped3A_268 : memref<!tpu.dma_semaphore, #tpu.memory_space<semaphore_mem>>) {add = true}
        %dma_wait3A_275 = arith.constant 0 : i32
        %dma_wait3A_276 = tpu.memref_slice %arg8[%run_scoped3A_244, %dma_wait3A_275] : memref<16x128xi32, #tpu.memory_space<vmem>> -> memref<1x128xi32, #tpu.memory_space<vmem>>
        %dma_wait3A_277 = tpu.memref_squeeze %dma_wait3A_276 : memref<1x128xi32, #tpu.memory_space<vmem>> -> memref<128xi32, #tpu.memory_space<vmem>>
        %dma_wait3A_278 = arith.constant 0 : i32
        %dma_wait3A_279 = arith.constant 0 : i32
        %dma_wait3A_280 = tpu.memref_slice %arg11[%dma_wait3A_278, %dma_wait3A_279] : memref<10240x128xf32, #tpu.memory_space<vmem_shared>> -> memref<10240x128xf32, #tpu.memory_space<vmem_shared>>
        tpu.wait_indirect_dma semaphore(%run_scoped3A_268 : memref<!tpu.dma_semaphore, #tpu.memory_space<semaphore_mem>>) src(%arg10 : memref<128x128xf32, #tpu.memory_space<vmem>>) dst(%dma_wait3A_280 : memref<10240x128xf32, #tpu.memory_space<vmem_shared>>)
        tpu.yield
      }) : () -> ()
      %dma_wait3A_245 = arith.constant 14 : i32
      %dma_wait3A_246 = arith.constant 0 : i32
      %dma_wait3A_247 = tpu.memref_slice %arg7[%dma_wait3A_245, %dma_wait3A_246] : memref<16x128xi32, #tpu.memory_space<vmem>> -> memref<1x128xi32, #tpu.memory_space<vmem>>
      %dma_wait3A_248 = tpu.memref_squeeze %dma_wait3A_247 : memref<1x128xi32, #tpu.memory_space<vmem>> -> memref<128xi32, #tpu.memory_space<vmem>>
      %dma_wait3A_249 = arith.constant 0 : i32
      %dma_wait3A_250 = arith.constant 0 : i32
      %dma_wait3A_251 = tpu.memref_slice %arg2[%dma_wait3A_249, %dma_wait3A_250] : memref<10000x128xf32, #tpu.memory_space<hbm>> -> memref<10000x128xf32, #tpu.memory_space<hbm>>
      tpu.wait_indirect_dma semaphore(%arg12 : memref<!tpu.dma_semaphore, #tpu.memory_space<semaphore_mem>>) src(%dma_wait3A_251 : memref<10000x128xf32, #tpu.memory_space<hbm>>) dst(%arg9 : memref<128x128xf32, #tpu.memory_space<vmem>>)
      %dma_start3A_252 = arith.constant 15 : i32
      %dma_start3A_253 = arith.constant 0 : i32
      %dma_start3A_254 = tpu.memref_slice %arg7[%dma_start3A_252, %dma_start3A_253] : memref<16x128xi32, #tpu.memory_space<vmem>> -> memref<1x128xi32, #tpu.memory_space<vmem>>
      %dma_start3A_255 = tpu.memref_squeeze %dma_start3A_254 : memref<1x128xi32, #tpu.memory_space<vmem>> -> memref<128xi32, #tpu.memory_space<vmem>>
      %dma_start3A_256 = arith.constant 0 : i32
      %dma_start3A_257 = arith.constant 0 : i32
      %dma_start3A_258 = tpu.memref_slice %arg2[%dma_start3A_256, %dma_start3A_257] : memref<10000x128xf32, #tpu.memory_space<hbm>> -> memref<10000x128xf32, #tpu.memory_space<hbm>>
      tpu.enqueue_indirect_dma source(%dma_start3A_258 : memref<10000x128xf32, #tpu.memory_space<hbm>>) target(%arg10 : memref<128x128xf32, #tpu.memory_space<vmem>>) offsets(%dma_start3A_255 : memref<128xi32, #tpu.memory_space<vmem>>) semaphore(%arg13 : memref<!tpu.dma_semaphore, #tpu.memory_space<semaphore_mem>>)
      %run_scoped3A_259 = arith.constant 14 : i32
      "tpu.region"() ({
        %run_scoped3A_268 = tpu.sem_alloc : memref<!tpu.dma_semaphore, #tpu.memory_space<semaphore_mem>>
        %dma_start3A_269 = arith.constant 0 : i32
        %dma_start3A_270 = tpu.memref_slice %arg8[%run_scoped3A_259, %dma_start3A_269] : memref<16x128xi32, #tpu.memory_space<vmem>> -> memref<1x128xi32, #tpu.memory_space<vmem>>
        %dma_start3A_271 = tpu.memref_squeeze %dma_start3A_270 : memref<1x128xi32, #tpu.memory_space<vmem>> -> memref<128xi32, #tpu.memory_space<vmem>>
        %dma_start3A_272 = arith.constant 0 : i32
        %dma_start3A_273 = arith.constant 0 : i32
        %dma_start3A_274 = tpu.memref_slice %arg11[%dma_start3A_272, %dma_start3A_273] : memref<10240x128xf32, #tpu.memory_space<vmem_shared>> -> memref<10240x128xf32, #tpu.memory_space<vmem_shared>>
        tpu.enqueue_indirect_dma source(%arg9 : memref<128x128xf32, #tpu.memory_space<vmem>>) target(%dma_start3A_274 : memref<10240x128xf32, #tpu.memory_space<vmem_shared>>) offsets(%dma_start3A_271 : memref<128xi32, #tpu.memory_space<vmem>>) semaphore(%run_scoped3A_268 : memref<!tpu.dma_semaphore, #tpu.memory_space<semaphore_mem>>) {add = true}
        %dma_wait3A_275 = arith.constant 0 : i32
        %dma_wait3A_276 = tpu.memref_slice %arg8[%run_scoped3A_259, %dma_wait3A_275] : memref<16x128xi32, #tpu.memory_space<vmem>> -> memref<1x128xi32, #tpu.memory_space<vmem>>
        %dma_wait3A_277 = tpu.memref_squeeze %dma_wait3A_276 : memref<1x128xi32, #tpu.memory_space<vmem>> -> memref<128xi32, #tpu.memory_space<vmem>>
        %dma_wait3A_278 = arith.constant 0 : i32
        %dma_wait3A_279 = arith.constant 0 : i32
        %dma_wait3A_280 = tpu.memref_slice %arg11[%dma_wait3A_278, %dma_wait3A_279] : memref<10240x128xf32, #tpu.memory_space<vmem_shared>> -> memref<10240x128xf32, #tpu.memory_space<vmem_shared>>
        tpu.wait_indirect_dma semaphore(%run_scoped3A_268 : memref<!tpu.dma_semaphore, #tpu.memory_space<semaphore_mem>>) src(%arg9 : memref<128x128xf32, #tpu.memory_space<vmem>>) dst(%dma_wait3A_280 : memref<10240x128xf32, #tpu.memory_space<vmem_shared>>)
        tpu.yield
      }) : () -> ()
      %dma_wait3A_260 = arith.constant 15 : i32
      %dma_wait3A_261 = arith.constant 0 : i32
      %dma_wait3A_262 = tpu.memref_slice %arg7[%dma_wait3A_260, %dma_wait3A_261] : memref<16x128xi32, #tpu.memory_space<vmem>> -> memref<1x128xi32, #tpu.memory_space<vmem>>
      %dma_wait3A_263 = tpu.memref_squeeze %dma_wait3A_262 : memref<1x128xi32, #tpu.memory_space<vmem>> -> memref<128xi32, #tpu.memory_space<vmem>>
      %dma_wait3A_264 = arith.constant 0 : i32
      %dma_wait3A_265 = arith.constant 0 : i32
      %dma_wait3A_266 = tpu.memref_slice %arg2[%dma_wait3A_264, %dma_wait3A_265] : memref<10000x128xf32, #tpu.memory_space<hbm>> -> memref<10000x128xf32, #tpu.memory_space<hbm>>
      tpu.wait_indirect_dma semaphore(%arg13 : memref<!tpu.dma_semaphore, #tpu.memory_space<semaphore_mem>>) src(%dma_wait3A_266 : memref<10000x128xf32, #tpu.memory_space<hbm>>) dst(%arg10 : memref<128x128xf32, #tpu.memory_space<vmem>>)
      %run_scoped3A_267 = arith.constant 15 : i32
      "tpu.region"() ({
        %run_scoped3A_268 = tpu.sem_alloc : memref<!tpu.dma_semaphore, #tpu.memory_space<semaphore_mem>>
        %dma_start3A_269 = arith.constant 0 : i32
        %dma_start3A_270 = tpu.memref_slice %arg8[%run_scoped3A_267, %dma_start3A_269] : memref<16x128xi32, #tpu.memory_space<vmem>> -> memref<1x128xi32, #tpu.memory_space<vmem>>
        %dma_start3A_271 = tpu.memref_squeeze %dma_start3A_270 : memref<1x128xi32, #tpu.memory_space<vmem>> -> memref<128xi32, #tpu.memory_space<vmem>>
        %dma_start3A_272 = arith.constant 0 : i32
        %dma_start3A_273 = arith.constant 0 : i32
        %dma_start3A_274 = tpu.memref_slice %arg11[%dma_start3A_272, %dma_start3A_273] : memref<10240x128xf32, #tpu.memory_space<vmem_shared>> -> memref<10240x128xf32, #tpu.memory_space<vmem_shared>>
        tpu.enqueue_indirect_dma source(%arg10 : memref<128x128xf32, #tpu.memory_space<vmem>>) target(%dma_start3A_274 : memref<10240x128xf32, #tpu.memory_space<vmem_shared>>) offsets(%dma_start3A_271 : memref<128xi32, #tpu.memory_space<vmem>>) semaphore(%run_scoped3A_268 : memref<!tpu.dma_semaphore, #tpu.memory_space<semaphore_mem>>) {add = true}
        %dma_wait3A_275 = arith.constant 0 : i32
        %dma_wait3A_276 = tpu.memref_slice %arg8[%run_scoped3A_267, %dma_wait3A_275] : memref<16x128xi32, #tpu.memory_space<vmem>> -> memref<1x128xi32, #tpu.memory_space<vmem>>
        %dma_wait3A_277 = tpu.memref_squeeze %dma_wait3A_276 : memref<1x128xi32, #tpu.memory_space<vmem>> -> memref<128xi32, #tpu.memory_space<vmem>>
        %dma_wait3A_278 = arith.constant 0 : i32
        %dma_wait3A_279 = arith.constant 0 : i32
        %dma_wait3A_280 = tpu.memref_slice %arg11[%dma_wait3A_278, %dma_wait3A_279] : memref<10240x128xf32, #tpu.memory_space<vmem_shared>> -> memref<10240x128xf32, #tpu.memory_space<vmem_shared>>
        tpu.wait_indirect_dma semaphore(%run_scoped3A_268 : memref<!tpu.dma_semaphore, #tpu.memory_space<semaphore_mem>>) src(%arg10 : memref<128x128xf32, #tpu.memory_space<vmem>>) dst(%dma_wait3A_280 : memref<10240x128xf32, #tpu.memory_space<vmem_shared>>)
        tpu.yield
      }) : () -> ()
    }
    %scan3A_14 = arith.constant 5 : i32
    %barrier3A_15 = arith.constant 0 : index
    tpu.barrier barrier_id(%barrier3A_15)
    %add3A_16 = arith.constant 0 : i32
    %add3A_17 = arith.addi %mul3A_0, %add3A_16 : i32
    "tpu.region"() ({
      %run_scoped3A = tpu.sem_alloc : memref<!tpu.dma_semaphore, #tpu.memory_space<semaphore_mem>>
      %dma_start3A = arith.constant 0 : i32
      %dma_start3A_26 = tpu.memref_slice %arg11[%add3A_17, %dma_start3A] : memref<10240x128xf32, #tpu.memory_space<vmem_shared>> -> memref<128x128xf32, #tpu.memory_space<vmem_shared>>
      %dma_start3A_27 = arith.constant 0 : i32
      %dma_start3A_28 = tpu.memref_slice %arg11[%add3A_17, %dma_start3A_27] : memref<10240x128xf32, #tpu.memory_space<vmem_shared>> -> memref<128x128xf32, #tpu.memory_space<vmem_shared>>
      tpu.enqueue_dma source(%dma_start3A_28 : memref<128x128xf32, #tpu.memory_space<vmem_shared>>) target(%arg9 : memref<128x128xf32, #tpu.memory_space<vmem>>) target_semaphore(%run_scoped3A : memref<!tpu.dma_semaphore, #tpu.memory_space<semaphore_mem>>)
      %dma_wait3A = arith.constant 0 : i32
      %dma_wait3A_29 = tpu.memref_slice %arg11[%add3A_17, %dma_wait3A] : memref<10240x128xf32, #tpu.memory_space<vmem_shared>> -> memref<128x128xf32, #tpu.memory_space<vmem_shared>>
      %dma_wait3A_30 = arith.constant 0 : i32
      %dma_wait3A_31 = tpu.memref_slice %arg11[%add3A_17, %dma_wait3A_30] : memref<10240x128xf32, #tpu.memory_space<vmem_shared>> -> memref<128x128xf32, #tpu.memory_space<vmem_shared>>
      tpu.wait_dma2 semaphore(%run_scoped3A : memref<!tpu.dma_semaphore, #tpu.memory_space<semaphore_mem>>) src(%dma_wait3A_31 : memref<128x128xf32, #tpu.memory_space<vmem_shared>>) dst(%arg9 : memref<128x128xf32, #tpu.memory_space<vmem>>)
      tpu.yield
    }) : () -> ()
    "tpu.region"() ({
      %run_scoped3A = tpu.sem_alloc : memref<!tpu.dma_semaphore, #tpu.memory_space<semaphore_mem>>
      %dma_start3A = arith.constant 0 : i32
      %dma_start3A_26 = tpu.memref_slice %arg6[%arg0, %add3A_17, %dma_start3A] : memref<2x10240x128xf32, #tpu.memory_space<hbm>> -> memref<1x128x128xf32, #tpu.memory_space<hbm>>
      %dma_start3A_27 = tpu.memref_squeeze %dma_start3A_26 : memref<1x128x128xf32, #tpu.memory_space<hbm>> -> memref<128x128xf32, #tpu.memory_space<hbm>>
      %dma_start3A_28 = arith.constant 0 : i32
      %dma_start3A_29 = tpu.memref_slice %arg6[%arg0, %add3A_17, %dma_start3A_28] : memref<2x10240x128xf32, #tpu.memory_space<hbm>> -> memref<1x128x128xf32, #tpu.memory_space<hbm>>
      %dma_start3A_30 = tpu.memref_squeeze %dma_start3A_29 : memref<1x128x128xf32, #tpu.memory_space<hbm>> -> memref<128x128xf32, #tpu.memory_space<hbm>>
      tpu.enqueue_dma source(%arg9 : memref<128x128xf32, #tpu.memory_space<vmem>>) target(%dma_start3A_30 : memref<128x128xf32, #tpu.memory_space<hbm>>) target_semaphore(%run_scoped3A : memref<!tpu.dma_semaphore, #tpu.memory_space<semaphore_mem>>)
      %dma_wait3A = arith.constant 0 : i32
      %dma_wait3A_31 = tpu.memref_slice %arg6[%arg0, %add3A_17, %dma_wait3A] : memref<2x10240x128xf32, #tpu.memory_space<hbm>> -> memref<1x128x128xf32, #tpu.memory_space<hbm>>
      %dma_wait3A_32 = tpu.memref_squeeze %dma_wait3A_31 : memref<1x128x128xf32, #tpu.memory_space<hbm>> -> memref<128x128xf32, #tpu.memory_space<hbm>>
      %dma_wait3A_33 = arith.constant 0 : i32
      %dma_wait3A_34 = tpu.memref_slice %arg6[%arg0, %add3A_17, %dma_wait3A_33] : memref<2x10240x128xf32, #tpu.memory_space<hbm>> -> memref<1x128x128xf32, #tpu.memory_space<hbm>>
      %dma_wait3A_35 = tpu.memref_squeeze %dma_wait3A_34 : memref<1x128x128xf32, #tpu.memory_space<hbm>> -> memref<128x128xf32, #tpu.memory_space<hbm>>
      tpu.wait_dma2 semaphore(%run_scoped3A : memref<!tpu.dma_semaphore, #tpu.memory_space<semaphore_mem>>) src(%arg9 : memref<128x128xf32, #tpu.memory_space<vmem>>) dst(%dma_wait3A_35 : memref<128x128xf32, #tpu.memory_space<hbm>>)
      tpu.yield
    }) : () -> ()
    %add3A_18 = arith.constant 128 : i32
    %add3A_19 = arith.addi %mul3A_0, %add3A_18 : i32
    "tpu.region"() ({
      %run_scoped3A = tpu.sem_alloc : memref<!tpu.dma_semaphore, #tpu.memory_space<semaphore_mem>>
      %dma_start3A = arith.constant 0 : i32
      %dma_start3A_26 = tpu.memref_slice %arg11[%add3A_19, %dma_start3A] : memref<10240x128xf32, #tpu.memory_space<vmem_shared>> -> memref<128x128xf32, #tpu.memory_space<vmem_shared>>
      %dma_start3A_27 = arith.constant 0 : i32
      %dma_start3A_28 = tpu.memref_slice %arg11[%add3A_19, %dma_start3A_27] : memref<10240x128xf32, #tpu.memory_space<vmem_shared>> -> memref<128x128xf32, #tpu.memory_space<vmem_shared>>
      tpu.enqueue_dma source(%dma_start3A_28 : memref<128x128xf32, #tpu.memory_space<vmem_shared>>) target(%arg9 : memref<128x128xf32, #tpu.memory_space<vmem>>) target_semaphore(%run_scoped3A : memref<!tpu.dma_semaphore, #tpu.memory_space<semaphore_mem>>)
      %dma_wait3A = arith.constant 0 : i32
      %dma_wait3A_29 = tpu.memref_slice %arg11[%add3A_19, %dma_wait3A] : memref<10240x128xf32, #tpu.memory_space<vmem_shared>> -> memref<128x128xf32, #tpu.memory_space<vmem_shared>>
      %dma_wait3A_30 = arith.constant 0 : i32
      %dma_wait3A_31 = tpu.memref_slice %arg11[%add3A_19, %dma_wait3A_30] : memref<10240x128xf32, #tpu.memory_space<vmem_shared>> -> memref<128x128xf32, #tpu.memory_space<vmem_shared>>
      tpu.wait_dma2 semaphore(%run_scoped3A : memref<!tpu.dma_semaphore, #tpu.memory_space<semaphore_mem>>) src(%dma_wait3A_31 : memref<128x128xf32, #tpu.memory_space<vmem_shared>>) dst(%arg9 : memref<128x128xf32, #tpu.memory_space<vmem>>)
      tpu.yield
    }) : () -> ()
    "tpu.region"() ({
      %run_scoped3A = tpu.sem_alloc : memref<!tpu.dma_semaphore, #tpu.memory_space<semaphore_mem>>
      %dma_start3A = arith.constant 0 : i32
      %dma_start3A_26 = tpu.memref_slice %arg6[%arg0, %add3A_19, %dma_start3A] : memref<2x10240x128xf32, #tpu.memory_space<hbm>> -> memref<1x128x128xf32, #tpu.memory_space<hbm>>
      %dma_start3A_27 = tpu.memref_squeeze %dma_start3A_26 : memref<1x128x128xf32, #tpu.memory_space<hbm>> -> memref<128x128xf32, #tpu.memory_space<hbm>>
      %dma_start3A_28 = arith.constant 0 : i32
      %dma_start3A_29 = tpu.memref_slice %arg6[%arg0, %add3A_19, %dma_start3A_28] : memref<2x10240x128xf32, #tpu.memory_space<hbm>> -> memref<1x128x128xf32, #tpu.memory_space<hbm>>
      %dma_start3A_30 = tpu.memref_squeeze %dma_start3A_29 : memref<1x128x128xf32, #tpu.memory_space<hbm>> -> memref<128x128xf32, #tpu.memory_space<hbm>>
      tpu.enqueue_dma source(%arg9 : memref<128x128xf32, #tpu.memory_space<vmem>>) target(%dma_start3A_30 : memref<128x128xf32, #tpu.memory_space<hbm>>) target_semaphore(%run_scoped3A : memref<!tpu.dma_semaphore, #tpu.memory_space<semaphore_mem>>)
      %dma_wait3A = arith.constant 0 : i32
      %dma_wait3A_31 = tpu.memref_slice %arg6[%arg0, %add3A_19, %dma_wait3A] : memref<2x10240x128xf32, #tpu.memory_space<hbm>> -> memref<1x128x128xf32, #tpu.memory_space<hbm>>
      %dma_wait3A_32 = tpu.memref_squeeze %dma_wait3A_31 : memref<1x128x128xf32, #tpu.memory_space<hbm>> -> memref<128x128xf32, #tpu.memory_space<hbm>>
      %dma_wait3A_33 = arith.constant 0 : i32
      %dma_wait3A_34 = tpu.memref_slice %arg6[%arg0, %add3A_19, %dma_wait3A_33] : memref<2x10240x128xf32, #tpu.memory_space<hbm>> -> memref<1x128x128xf32, #tpu.memory_space<hbm>>
      %dma_wait3A_35 = tpu.memref_squeeze %dma_wait3A_34 : memref<1x128x128xf32, #tpu.memory_space<hbm>> -> memref<128x128xf32, #tpu.memory_space<hbm>>
      tpu.wait_dma2 semaphore(%run_scoped3A : memref<!tpu.dma_semaphore, #tpu.memory_space<semaphore_mem>>) src(%arg9 : memref<128x128xf32, #tpu.memory_space<vmem>>) dst(%dma_wait3A_35 : memref<128x128xf32, #tpu.memory_space<hbm>>)
      tpu.yield
    }) : () -> ()
    %add3A_20 = arith.constant 256 : i32
    %add3A_21 = arith.addi %mul3A_0, %add3A_20 : i32
    "tpu.region"() ({
      %run_scoped3A = tpu.sem_alloc : memref<!tpu.dma_semaphore, #tpu.memory_space<semaphore_mem>>
      %dma_start3A = arith.constant 0 : i32
      %dma_start3A_26 = tpu.memref_slice %arg11[%add3A_21, %dma_start3A] : memref<10240x128xf32, #tpu.memory_space<vmem_shared>> -> memref<128x128xf32, #tpu.memory_space<vmem_shared>>
      %dma_start3A_27 = arith.constant 0 : i32
      %dma_start3A_28 = tpu.memref_slice %arg11[%add3A_21, %dma_start3A_27] : memref<10240x128xf32, #tpu.memory_space<vmem_shared>> -> memref<128x128xf32, #tpu.memory_space<vmem_shared>>
      tpu.enqueue_dma source(%dma_start3A_28 : memref<128x128xf32, #tpu.memory_space<vmem_shared>>) target(%arg9 : memref<128x128xf32, #tpu.memory_space<vmem>>) target_semaphore(%run_scoped3A : memref<!tpu.dma_semaphore, #tpu.memory_space<semaphore_mem>>)
      %dma_wait3A = arith.constant 0 : i32
      %dma_wait3A_29 = tpu.memref_slice %arg11[%add3A_21, %dma_wait3A] : memref<10240x128xf32, #tpu.memory_space<vmem_shared>> -> memref<128x128xf32, #tpu.memory_space<vmem_shared>>
      %dma_wait3A_30 = arith.constant 0 : i32
      %dma_wait3A_31 = tpu.memref_slice %arg11[%add3A_21, %dma_wait3A_30] : memref<10240x128xf32, #tpu.memory_space<vmem_shared>> -> memref<128x128xf32, #tpu.memory_space<vmem_shared>>
      tpu.wait_dma2 semaphore(%run_scoped3A : memref<!tpu.dma_semaphore, #tpu.memory_space<semaphore_mem>>) src(%dma_wait3A_31 : memref<128x128xf32, #tpu.memory_space<vmem_shared>>) dst(%arg9 : memref<128x128xf32, #tpu.memory_space<vmem>>)
      tpu.yield
    }) : () -> ()
    "tpu.region"() ({
      %run_scoped3A = tpu.sem_alloc : memref<!tpu.dma_semaphore, #tpu.memory_space<semaphore_mem>>
      %dma_start3A = arith.constant 0 : i32
      %dma_start3A_26 = tpu.memref_slice %arg6[%arg0, %add3A_21, %dma_start3A] : memref<2x10240x128xf32, #tpu.memory_space<hbm>> -> memref<1x128x128xf32, #tpu.memory_space<hbm>>
      %dma_start3A_27 = tpu.memref_squeeze %dma_start3A_26 : memref<1x128x128xf32, #tpu.memory_space<hbm>> -> memref<128x128xf32, #tpu.memory_space<hbm>>
      %dma_start3A_28 = arith.constant 0 : i32
      %dma_start3A_29 = tpu.memref_slice %arg6[%arg0, %add3A_21, %dma_start3A_28] : memref<2x10240x128xf32, #tpu.memory_space<hbm>> -> memref<1x128x128xf32, #tpu.memory_space<hbm>>
      %dma_start3A_30 = tpu.memref_squeeze %dma_start3A_29 : memref<1x128x128xf32, #tpu.memory_space<hbm>> -> memref<128x128xf32, #tpu.memory_space<hbm>>
      tpu.enqueue_dma source(%arg9 : memref<128x128xf32, #tpu.memory_space<vmem>>) target(%dma_start3A_30 : memref<128x128xf32, #tpu.memory_space<hbm>>) target_semaphore(%run_scoped3A : memref<!tpu.dma_semaphore, #tpu.memory_space<semaphore_mem>>)
      %dma_wait3A = arith.constant 0 : i32
      %dma_wait3A_31 = tpu.memref_slice %arg6[%arg0, %add3A_21, %dma_wait3A] : memref<2x10240x128xf32, #tpu.memory_space<hbm>> -> memref<1x128x128xf32, #tpu.memory_space<hbm>>
      %dma_wait3A_32 = tpu.memref_squeeze %dma_wait3A_31 : memref<1x128x128xf32, #tpu.memory_space<hbm>> -> memref<128x128xf32, #tpu.memory_space<hbm>>
      %dma_wait3A_33 = arith.constant 0 : i32
      %dma_wait3A_34 = tpu.memref_slice %arg6[%arg0, %add3A_21, %dma_wait3A_33] : memref<2x10240x128xf32, #tpu.memory_space<hbm>> -> memref<1x128x128xf32, #tpu.memory_space<hbm>>
      %dma_wait3A_35 = tpu.memref_squeeze %dma_wait3A_34 : memref<1x128x128xf32, #tpu.memory_space<hbm>> -> memref<128x128xf32, #tpu.memory_space<hbm>>
      tpu.wait_dma2 semaphore(%run_scoped3A : memref<!tpu.dma_semaphore, #tpu.memory_space<semaphore_mem>>) src(%arg9 : memref<128x128xf32, #tpu.memory_space<vmem>>) dst(%dma_wait3A_35 : memref<128x128xf32, #tpu.memory_space<hbm>>)
      tpu.yield
    }) : () -> ()
    %add3A_22 = arith.constant 384 : i32
    %add3A_23 = arith.addi %mul3A_0, %add3A_22 : i32
    "tpu.region"() ({
      %run_scoped3A = tpu.sem_alloc : memref<!tpu.dma_semaphore, #tpu.memory_space<semaphore_mem>>
      %dma_start3A = arith.constant 0 : i32
      %dma_start3A_26 = tpu.memref_slice %arg11[%add3A_23, %dma_start3A] : memref<10240x128xf32, #tpu.memory_space<vmem_shared>> -> memref<128x128xf32, #tpu.memory_space<vmem_shared>>
      %dma_start3A_27 = arith.constant 0 : i32
      %dma_start3A_28 = tpu.memref_slice %arg11[%add3A_23, %dma_start3A_27] : memref<10240x128xf32, #tpu.memory_space<vmem_shared>> -> memref<128x128xf32, #tpu.memory_space<vmem_shared>>
      tpu.enqueue_dma source(%dma_start3A_28 : memref<128x128xf32, #tpu.memory_space<vmem_shared>>) target(%arg9 : memref<128x128xf32, #tpu.memory_space<vmem>>) target_semaphore(%run_scoped3A : memref<!tpu.dma_semaphore, #tpu.memory_space<semaphore_mem>>)
      %dma_wait3A = arith.constant 0 : i32
      %dma_wait3A_29 = tpu.memref_slice %arg11[%add3A_23, %dma_wait3A] : memref<10240x128xf32, #tpu.memory_space<vmem_shared>> -> memref<128x128xf32, #tpu.memory_space<vmem_shared>>
      %dma_wait3A_30 = arith.constant 0 : i32
      %dma_wait3A_31 = tpu.memref_slice %arg11[%add3A_23, %dma_wait3A_30] : memref<10240x128xf32, #tpu.memory_space<vmem_shared>> -> memref<128x128xf32, #tpu.memory_space<vmem_shared>>
      tpu.wait_dma2 semaphore(%run_scoped3A : memref<!tpu.dma_semaphore, #tpu.memory_space<semaphore_mem>>) src(%dma_wait3A_31 : memref<128x128xf32, #tpu.memory_space<vmem_shared>>) dst(%arg9 : memref<128x128xf32, #tpu.memory_space<vmem>>)
      tpu.yield
    }) : () -> ()
    "tpu.region"() ({
      %run_scoped3A = tpu.sem_alloc : memref<!tpu.dma_semaphore, #tpu.memory_space<semaphore_mem>>
      %dma_start3A = arith.constant 0 : i32
      %dma_start3A_26 = tpu.memref_slice %arg6[%arg0, %add3A_23, %dma_start3A] : memref<2x10240x128xf32, #tpu.memory_space<hbm>> -> memref<1x128x128xf32, #tpu.memory_space<hbm>>
      %dma_start3A_27 = tpu.memref_squeeze %dma_start3A_26 : memref<1x128x128xf32, #tpu.memory_space<hbm>> -> memref<128x128xf32, #tpu.memory_space<hbm>>
      %dma_start3A_28 = arith.constant 0 : i32
      %dma_start3A_29 = tpu.memref_slice %arg6[%arg0, %add3A_23, %dma_start3A_28] : memref<2x10240x128xf32, #tpu.memory_space<hbm>> -> memref<1x128x128xf32, #tpu.memory_space<hbm>>
      %dma_start3A_30 = tpu.memref_squeeze %dma_start3A_29 : memref<1x128x128xf32, #tpu.memory_space<hbm>> -> memref<128x128xf32, #tpu.memory_space<hbm>>
      tpu.enqueue_dma source(%arg9 : memref<128x128xf32, #tpu.memory_space<vmem>>) target(%dma_start3A_30 : memref<128x128xf32, #tpu.memory_space<hbm>>) target_semaphore(%run_scoped3A : memref<!tpu.dma_semaphore, #tpu.memory_space<semaphore_mem>>)
      %dma_wait3A = arith.constant 0 : i32
      %dma_wait3A_31 = tpu.memref_slice %arg6[%arg0, %add3A_23, %dma_wait3A] : memref<2x10240x128xf32, #tpu.memory_space<hbm>> -> memref<1x128x128xf32, #tpu.memory_space<hbm>>
      %dma_wait3A_32 = tpu.memref_squeeze %dma_wait3A_31 : memref<1x128x128xf32, #tpu.memory_space<hbm>> -> memref<128x128xf32, #tpu.memory_space<hbm>>
      %dma_wait3A_33 = arith.constant 0 : i32
      %dma_wait3A_34 = tpu.memref_slice %arg6[%arg0, %add3A_23, %dma_wait3A_33] : memref<2x10240x128xf32, #tpu.memory_space<hbm>> -> memref<1x128x128xf32, #tpu.memory_space<hbm>>
      %dma_wait3A_35 = tpu.memref_squeeze %dma_wait3A_34 : memref<1x128x128xf32, #tpu.memory_space<hbm>> -> memref<128x128xf32, #tpu.memory_space<hbm>>
      tpu.wait_dma2 semaphore(%run_scoped3A : memref<!tpu.dma_semaphore, #tpu.memory_space<semaphore_mem>>) src(%arg9 : memref<128x128xf32, #tpu.memory_space<vmem>>) dst(%dma_wait3A_35 : memref<128x128xf32, #tpu.memory_space<hbm>>)
      tpu.yield
    }) : () -> ()
    %add3A_24 = arith.constant 512 : i32
    %add3A_25 = arith.addi %mul3A_0, %add3A_24 : i32
    "tpu.region"() ({
      %run_scoped3A = tpu.sem_alloc : memref<!tpu.dma_semaphore, #tpu.memory_space<semaphore_mem>>
      %dma_start3A = arith.constant 0 : i32
      %dma_start3A_26 = tpu.memref_slice %arg11[%add3A_25, %dma_start3A] : memref<10240x128xf32, #tpu.memory_space<vmem_shared>> -> memref<128x128xf32, #tpu.memory_space<vmem_shared>>
      %dma_start3A_27 = arith.constant 0 : i32
      %dma_start3A_28 = tpu.memref_slice %arg11[%add3A_25, %dma_start3A_27] : memref<10240x128xf32, #tpu.memory_space<vmem_shared>> -> memref<128x128xf32, #tpu.memory_space<vmem_shared>>
      tpu.enqueue_dma source(%dma_start3A_28 : memref<128x128xf32, #tpu.memory_space<vmem_shared>>) target(%arg9 : memref<128x128xf32, #tpu.memory_space<vmem>>) target_semaphore(%run_scoped3A : memref<!tpu.dma_semaphore, #tpu.memory_space<semaphore_mem>>)
      %dma_wait3A = arith.constant 0 : i32
      %dma_wait3A_29 = tpu.memref_slice %arg11[%add3A_25, %dma_wait3A] : memref<10240x128xf32, #tpu.memory_space<vmem_shared>> -> memref<128x128xf32, #tpu.memory_space<vmem_shared>>
      %dma_wait3A_30 = arith.constant 0 : i32
      %dma_wait3A_31 = tpu.memref_slice %arg11[%add3A_25, %dma_wait3A_30] : memref<10240x128xf32, #tpu.memory_space<vmem_shared>> -> memref<128x128xf32, #tpu.memory_space<vmem_shared>>
      tpu.wait_dma2 semaphore(%run_scoped3A : memref<!tpu.dma_semaphore, #tpu.memory_space<semaphore_mem>>) src(%dma_wait3A_31 : memref<128x128xf32, #tpu.memory_space<vmem_shared>>) dst(%arg9 : memref<128x128xf32, #tpu.memory_space<vmem>>)
      tpu.yield
    }) : () -> ()
    "tpu.region"() ({
      %run_scoped3A = tpu.sem_alloc : memref<!tpu.dma_semaphore, #tpu.memory_space<semaphore_mem>>
      %dma_start3A = arith.constant 0 : i32
      %dma_start3A_26 = tpu.memref_slice %arg6[%arg0, %add3A_25, %dma_start3A] : memref<2x10240x128xf32, #tpu.memory_space<hbm>> -> memref<1x128x128xf32, #tpu.memory_space<hbm>>
      %dma_start3A_27 = tpu.memref_squeeze %dma_start3A_26 : memref<1x128x128xf32, #tpu.memory_space<hbm>> -> memref<128x128xf32, #tpu.memory_space<hbm>>
      %dma_start3A_28 = arith.constant 0 : i32
      %dma_start3A_29 = tpu.memref_slice %arg6[%arg0, %add3A_25, %dma_start3A_28] : memref<2x10240x128xf32, #tpu.memory_space<hbm>> -> memref<1x128x128xf32, #tpu.memory_space<hbm>>
      %dma_start3A_30 = tpu.memref_squeeze %dma_start3A_29 : memref<1x128x128xf32, #tpu.memory_space<hbm>> -> memref<128x128xf32, #tpu.memory_space<hbm>>
      tpu.enqueue_dma source(%arg9 : memref<128x128xf32, #tpu.memory_space<vmem>>) target(%dma_start3A_30 : memref<128x128xf32, #tpu.memory_space<hbm>>) target_semaphore(%run_scoped3A : memref<!tpu.dma_semaphore, #tpu.memory_space<semaphore_mem>>)
      %dma_wait3A = arith.constant 0 : i32
      %dma_wait3A_31 = tpu.memref_slice %arg6[%arg0, %add3A_25, %dma_wait3A] : memref<2x10240x128xf32, #tpu.memory_space<hbm>> -> memref<1x128x128xf32, #tpu.memory_space<hbm>>
      %dma_wait3A_32 = tpu.memref_squeeze %dma_wait3A_31 : memref<1x128x128xf32, #tpu.memory_space<hbm>> -> memref<128x128xf32, #tpu.memory_space<hbm>>
      %dma_wait3A_33 = arith.constant 0 : i32
      %dma_wait3A_34 = tpu.memref_slice %arg6[%arg0, %add3A_25, %dma_wait3A_33] : memref<2x10240x128xf32, #tpu.memory_space<hbm>> -> memref<1x128x128xf32, #tpu.memory_space<hbm>>
      %dma_wait3A_35 = tpu.memref_squeeze %dma_wait3A_34 : memref<1x128x128xf32, #tpu.memory_space<hbm>> -> memref<128x128xf32, #tpu.memory_space<hbm>>
      tpu.wait_dma2 semaphore(%run_scoped3A : memref<!tpu.dma_semaphore, #tpu.memory_space<semaphore_mem>>) src(%arg9 : memref<128x128xf32, #tpu.memory_space<vmem>>) dst(%dma_wait3A_35 : memref<128x128xf32, #tpu.memory_space<hbm>>)
      tpu.yield
    }) : () -> ()
    return
  }
}

module attributes {stable_mosaic.version = 14 : i64} {
  func.func @_deg_body(%arg0: i32, %arg1: i32, %arg2: memref<1x1x1024x32xi32, #tpu.memory_space<vmem>>, %arg3: memref<1x80x128xf32, #tpu.memory_space<vmem>>) attributes {dimension_semantics = [#tpu.dimension_semantics<arbitrary>, #tpu.dimension_semantics<arbitrary>], iteration_bounds = array<i64: 2, 5>, scalar_prefetch = 0 : i64, scratch_operands = 0 : i64, tpu.core_type = #tpu.core_type<tc>, window_params = [{transform_indices = @transform_0, window_bounds = array<i64: 1, 1, 1024, 32>}, {transform_indices = @transform_1, window_bounds = array<i64: 1, 80, 128>}]} {
    %eq3A = arith.constant 0 : i32
    %eq3A_0 = arith.cmpi eq, %arg1, %eq3A : i32
    %convert_element_type3A = arith.extui %eq3A_0 : i1 to i32
    %cond3A = arith.constant 0 : i32
    %cond3A_1 = arith.cmpi ne, %convert_element_type3A, %cond3A : i32
    scf.if %cond3A_1 {
      %broadcast_in_dim3A_714 = arith.constant 0.000000e+00 : f32
      %broadcast_in_dim3A_715 = vector.broadcast %broadcast_in_dim3A_714 : f32 to vector<1x80x128xf32>
      %swap3A_716 = arith.constant 0 : index
      %swap3A_717 = arith.constant 0 : index
      %swap3A_718 = arith.constant 0 : index
      %swap3A_719 = vector.load %arg3[%swap3A_716, %swap3A_717, %swap3A_718] : memref<1x80x128xf32, #tpu.memory_space<vmem>>, vector<1x80x128xf32>
      tpu.vector_store %arg3[%swap3A_716, %swap3A_717, %swap3A_718], %broadcast_in_dim3A_715 {strides = array<i32>} : memref<1x80x128xf32, #tpu.memory_space<vmem>>, vector<1x80x128xf32>,
    } else {
    }
    %get3A = arith.constant 0 : index
    %get3A_2 = arith.constant 0 : index
    %get3A_3 = arith.constant 0 : index
    %get3A_4 = arith.constant 0 : index
    %get3A_5 = vector.load %arg2[%get3A, %get3A_2, %get3A_3, %get3A_4] : memref<1x1x1024x32xi32, #tpu.memory_space<vmem>>, vector<1x1x1024x32xi32>
    %reshape3A = vector.shape_cast %get3A_5 : vector<1x1x1024x32xi32> to vector<1024x32xi32>
    %broadcast_in_dim3A = arith.constant 0.000000e+00 : f32
    %broadcast_in_dim3A_6 = vector.broadcast %broadcast_in_dim3A : f32 to vector<80x128xf32>
    %slice3A = vector.extract_strided_slice %reshape3A {offsets = [0, 0], sizes = [1024, 1], strides = [1, 1]} : vector<1024x32xi32> to vector<1024x1xi32>
    %shift_right_logical3A = arith.constant 7 : i32
    %shift_right_logical3A_7 = vector.broadcast %shift_right_logical3A : i32 to vector<1024x1xi32>
    %shift_right_logical3A_8 = arith.shrui %slice3A, %shift_right_logical3A_7 : vector<1024x1xi32>
    %and3A = arith.constant 127 : i32
    %and3A_9 = vector.broadcast %and3A : i32 to vector<1024x1xi32>
    %and3A_10 = arith.andi %slice3A, %and3A_9 : vector<1024x1xi32>
    %iota3A = tpu.iota {dimensions = array<i32: 1>} : vector<1x80xi32>
    %eq3A_11 = vector.broadcast %shift_right_logical3A_8 : vector<1024x1xi32> to vector<1024x80xi32>
    %eq3A_12 = vector.broadcast %iota3A : vector<1x80xi32> to vector<1024x80xi32>
    %eq3A_13 = arith.cmpi eq, %eq3A_11, %eq3A_12 : vector<1024x80xi32>
    %convert_element_type3A_14 = arith.extui %eq3A_13 : vector<1024x80xi1> to vector<1024x80xi32>
    %convert_element_type3A_15 = arith.sitofp %convert_element_type3A_14 : vector<1024x80xi32> to vector<1024x80xf32>
    %iota3A_16 = tpu.iota {dimensions = array<i32: 1>} : vector<1x128xi32>
    %eq3A_17 = vector.broadcast %and3A_10 : vector<1024x1xi32> to vector<1024x128xi32>
    %eq3A_18 = vector.broadcast %iota3A_16 : vector<1x128xi32> to vector<1024x128xi32>
    %eq3A_19 = arith.cmpi eq, %eq3A_17, %eq3A_18 : vector<1024x128xi32>
    %convert_element_type3A_20 = arith.extui %eq3A_19 : vector<1024x128xi1> to vector<1024x128xi32>
    %convert_element_type3A_21 = arith.sitofp %convert_element_type3A_20 : vector<1024x128xi32> to vector<1024x128xf32>
    %dot_general3A = arith.constant dense<0.000000e+00> : vector<80x128xf32>
    %dot_general3A_22 = tpu.matmul %convert_element_type3A_15, %convert_element_type3A_21, %dot_general3A {dimension_numbers = #tpu.dot_dimension_numbers<[0], [0], [1], [1], [0, 1, 1, 1], [], []>, transpose_lhs_hint = false} : vector<1024x80xf32>, vector<1024x128xf32>, vector<80x128xf32> -> vector<80x128xf32>
    %add3A = arith.addf %broadcast_in_dim3A_6, %dot_general3A_22 : vector<80x128xf32>
    %slice3A_23 = vector.extract_strided_slice %reshape3A {offsets = [0, 1], sizes = [1024, 1], strides = [1, 1]} : vector<1024x32xi32> to vector<1024x1xi32>
    %shift_right_logical3A_24 = arith.constant 7 : i32
    %shift_right_logical3A_25 = vector.broadcast %shift_right_logical3A_24 : i32 to vector<1024x1xi32>
    %shift_right_logical3A_26 = arith.shrui %slice3A_23, %shift_right_logical3A_25 : vector<1024x1xi32>
    %and3A_27 = arith.constant 127 : i32
    %and3A_28 = vector.broadcast %and3A_27 : i32 to vector<1024x1xi32>
    %and3A_29 = arith.andi %slice3A_23, %and3A_28 : vector<1024x1xi32>
    %iota3A_30 = tpu.iota {dimensions = array<i32: 1>} : vector<1x80xi32>
    %eq3A_31 = vector.broadcast %shift_right_logical3A_26 : vector<1024x1xi32> to vector<1024x80xi32>
    %eq3A_32 = vector.broadcast %iota3A_30 : vector<1x80xi32> to vector<1024x80xi32>
    %eq3A_33 = arith.cmpi eq, %eq3A_31, %eq3A_32 : vector<1024x80xi32>
    %convert_element_type3A_34 = arith.extui %eq3A_33 : vector<1024x80xi1> to vector<1024x80xi32>
    %convert_element_type3A_35 = arith.sitofp %convert_element_type3A_34 : vector<1024x80xi32> to vector<1024x80xf32>
    %iota3A_36 = tpu.iota {dimensions = array<i32: 1>} : vector<1x128xi32>
    %eq3A_37 = vector.broadcast %and3A_29 : vector<1024x1xi32> to vector<1024x128xi32>
    %eq3A_38 = vector.broadcast %iota3A_36 : vector<1x128xi32> to vector<1024x128xi32>
    %eq3A_39 = arith.cmpi eq, %eq3A_37, %eq3A_38 : vector<1024x128xi32>
    %convert_element_type3A_40 = arith.extui %eq3A_39 : vector<1024x128xi1> to vector<1024x128xi32>
    %convert_element_type3A_41 = arith.sitofp %convert_element_type3A_40 : vector<1024x128xi32> to vector<1024x128xf32>
    %dot_general3A_42 = arith.constant dense<0.000000e+00> : vector<80x128xf32>
    %dot_general3A_43 = tpu.matmul %convert_element_type3A_35, %convert_element_type3A_41, %dot_general3A_42 {dimension_numbers = #tpu.dot_dimension_numbers<[0], [0], [1], [1], [0, 1, 1, 1], [], []>, transpose_lhs_hint = false} : vector<1024x80xf32>, vector<1024x128xf32>, vector<80x128xf32> -> vector<80x128xf32>
    %add3A_44 = arith.addf %add3A, %dot_general3A_43 : vector<80x128xf32>
    %slice3A_45 = vector.extract_strided_slice %reshape3A {offsets = [0, 2], sizes = [1024, 1], strides = [1, 1]} : vector<1024x32xi32> to vector<1024x1xi32>
    %shift_right_logical3A_46 = arith.constant 7 : i32
    %shift_right_logical3A_47 = vector.broadcast %shift_right_logical3A_46 : i32 to vector<1024x1xi32>
    %shift_right_logical3A_48 = arith.shrui %slice3A_45, %shift_right_logical3A_47 : vector<1024x1xi32>
    %and3A_49 = arith.constant 127 : i32
    %and3A_50 = vector.broadcast %and3A_49 : i32 to vector<1024x1xi32>
    %and3A_51 = arith.andi %slice3A_45, %and3A_50 : vector<1024x1xi32>
    %iota3A_52 = tpu.iota {dimensions = array<i32: 1>} : vector<1x80xi32>
    %eq3A_53 = vector.broadcast %shift_right_logical3A_48 : vector<1024x1xi32> to vector<1024x80xi32>
    %eq3A_54 = vector.broadcast %iota3A_52 : vector<1x80xi32> to vector<1024x80xi32>
    %eq3A_55 = arith.cmpi eq, %eq3A_53, %eq3A_54 : vector<1024x80xi32>
    %convert_element_type3A_56 = arith.extui %eq3A_55 : vector<1024x80xi1> to vector<1024x80xi32>
    %convert_element_type3A_57 = arith.sitofp %convert_element_type3A_56 : vector<1024x80xi32> to vector<1024x80xf32>
    %iota3A_58 = tpu.iota {dimensions = array<i32: 1>} : vector<1x128xi32>
    %eq3A_59 = vector.broadcast %and3A_51 : vector<1024x1xi32> to vector<1024x128xi32>
    %eq3A_60 = vector.broadcast %iota3A_58 : vector<1x128xi32> to vector<1024x128xi32>
    %eq3A_61 = arith.cmpi eq, %eq3A_59, %eq3A_60 : vector<1024x128xi32>
    %convert_element_type3A_62 = arith.extui %eq3A_61 : vector<1024x128xi1> to vector<1024x128xi32>
    %convert_element_type3A_63 = arith.sitofp %convert_element_type3A_62 : vector<1024x128xi32> to vector<1024x128xf32>
    %dot_general3A_64 = arith.constant dense<0.000000e+00> : vector<80x128xf32>
    %dot_general3A_65 = tpu.matmul %convert_element_type3A_57, %convert_element_type3A_63, %dot_general3A_64 {dimension_numbers = #tpu.dot_dimension_numbers<[0], [0], [1], [1], [0, 1, 1, 1], [], []>, transpose_lhs_hint = false} : vector<1024x80xf32>, vector<1024x128xf32>, vector<80x128xf32> -> vector<80x128xf32>
    %add3A_66 = arith.addf %add3A_44, %dot_general3A_65 : vector<80x128xf32>
    %slice3A_67 = vector.extract_strided_slice %reshape3A {offsets = [0, 3], sizes = [1024, 1], strides = [1, 1]} : vector<1024x32xi32> to vector<1024x1xi32>
    %shift_right_logical3A_68 = arith.constant 7 : i32
    %shift_right_logical3A_69 = vector.broadcast %shift_right_logical3A_68 : i32 to vector<1024x1xi32>
    %shift_right_logical3A_70 = arith.shrui %slice3A_67, %shift_right_logical3A_69 : vector<1024x1xi32>
    %and3A_71 = arith.constant 127 : i32
    %and3A_72 = vector.broadcast %and3A_71 : i32 to vector<1024x1xi32>
    %and3A_73 = arith.andi %slice3A_67, %and3A_72 : vector<1024x1xi32>
    %iota3A_74 = tpu.iota {dimensions = array<i32: 1>} : vector<1x80xi32>
    %eq3A_75 = vector.broadcast %shift_right_logical3A_70 : vector<1024x1xi32> to vector<1024x80xi32>
    %eq3A_76 = vector.broadcast %iota3A_74 : vector<1x80xi32> to vector<1024x80xi32>
    %eq3A_77 = arith.cmpi eq, %eq3A_75, %eq3A_76 : vector<1024x80xi32>
    %convert_element_type3A_78 = arith.extui %eq3A_77 : vector<1024x80xi1> to vector<1024x80xi32>
    %convert_element_type3A_79 = arith.sitofp %convert_element_type3A_78 : vector<1024x80xi32> to vector<1024x80xf32>
    %iota3A_80 = tpu.iota {dimensions = array<i32: 1>} : vector<1x128xi32>
    %eq3A_81 = vector.broadcast %and3A_73 : vector<1024x1xi32> to vector<1024x128xi32>
    %eq3A_82 = vector.broadcast %iota3A_80 : vector<1x128xi32> to vector<1024x128xi32>
    %eq3A_83 = arith.cmpi eq, %eq3A_81, %eq3A_82 : vector<1024x128xi32>
    %convert_element_type3A_84 = arith.extui %eq3A_83 : vector<1024x128xi1> to vector<1024x128xi32>
    %convert_element_type3A_85 = arith.sitofp %convert_element_type3A_84 : vector<1024x128xi32> to vector<1024x128xf32>
    %dot_general3A_86 = arith.constant dense<0.000000e+00> : vector<80x128xf32>
    %dot_general3A_87 = tpu.matmul %convert_element_type3A_79, %convert_element_type3A_85, %dot_general3A_86 {dimension_numbers = #tpu.dot_dimension_numbers<[0], [0], [1], [1], [0, 1, 1, 1], [], []>, transpose_lhs_hint = false} : vector<1024x80xf32>, vector<1024x128xf32>, vector<80x128xf32> -> vector<80x128xf32>
    %add3A_88 = arith.addf %add3A_66, %dot_general3A_87 : vector<80x128xf32>
    %slice3A_89 = vector.extract_strided_slice %reshape3A {offsets = [0, 4], sizes = [1024, 1], strides = [1, 1]} : vector<1024x32xi32> to vector<1024x1xi32>
    %shift_right_logical3A_90 = arith.constant 7 : i32
    %shift_right_logical3A_91 = vector.broadcast %shift_right_logical3A_90 : i32 to vector<1024x1xi32>
    %shift_right_logical3A_92 = arith.shrui %slice3A_89, %shift_right_logical3A_91 : vector<1024x1xi32>
    %and3A_93 = arith.constant 127 : i32
    %and3A_94 = vector.broadcast %and3A_93 : i32 to vector<1024x1xi32>
    %and3A_95 = arith.andi %slice3A_89, %and3A_94 : vector<1024x1xi32>
    %iota3A_96 = tpu.iota {dimensions = array<i32: 1>} : vector<1x80xi32>
    %eq3A_97 = vector.broadcast %shift_right_logical3A_92 : vector<1024x1xi32> to vector<1024x80xi32>
    %eq3A_98 = vector.broadcast %iota3A_96 : vector<1x80xi32> to vector<1024x80xi32>
    %eq3A_99 = arith.cmpi eq, %eq3A_97, %eq3A_98 : vector<1024x80xi32>
    %convert_element_type3A_100 = arith.extui %eq3A_99 : vector<1024x80xi1> to vector<1024x80xi32>
    %convert_element_type3A_101 = arith.sitofp %convert_element_type3A_100 : vector<1024x80xi32> to vector<1024x80xf32>
    %iota3A_102 = tpu.iota {dimensions = array<i32: 1>} : vector<1x128xi32>
    %eq3A_103 = vector.broadcast %and3A_95 : vector<1024x1xi32> to vector<1024x128xi32>
    %eq3A_104 = vector.broadcast %iota3A_102 : vector<1x128xi32> to vector<1024x128xi32>
    %eq3A_105 = arith.cmpi eq, %eq3A_103, %eq3A_104 : vector<1024x128xi32>
    %convert_element_type3A_106 = arith.extui %eq3A_105 : vector<1024x128xi1> to vector<1024x128xi32>
    %convert_element_type3A_107 = arith.sitofp %convert_element_type3A_106 : vector<1024x128xi32> to vector<1024x128xf32>
    %dot_general3A_108 = arith.constant dense<0.000000e+00> : vector<80x128xf32>
    %dot_general3A_109 = tpu.matmul %convert_element_type3A_101, %convert_element_type3A_107, %dot_general3A_108 {dimension_numbers = #tpu.dot_dimension_numbers<[0], [0], [1], [1], [0, 1, 1, 1], [], []>, transpose_lhs_hint = false} : vector<1024x80xf32>, vector<1024x128xf32>, vector<80x128xf32> -> vector<80x128xf32>
    %add3A_110 = arith.addf %add3A_88, %dot_general3A_109 : vector<80x128xf32>
    %slice3A_111 = vector.extract_strided_slice %reshape3A {offsets = [0, 5], sizes = [1024, 1], strides = [1, 1]} : vector<1024x32xi32> to vector<1024x1xi32>
    %shift_right_logical3A_112 = arith.constant 7 : i32
    %shift_right_logical3A_113 = vector.broadcast %shift_right_logical3A_112 : i32 to vector<1024x1xi32>
    %shift_right_logical3A_114 = arith.shrui %slice3A_111, %shift_right_logical3A_113 : vector<1024x1xi32>
    %and3A_115 = arith.constant 127 : i32
    %and3A_116 = vector.broadcast %and3A_115 : i32 to vector<1024x1xi32>
    %and3A_117 = arith.andi %slice3A_111, %and3A_116 : vector<1024x1xi32>
    %iota3A_118 = tpu.iota {dimensions = array<i32: 1>} : vector<1x80xi32>
    %eq3A_119 = vector.broadcast %shift_right_logical3A_114 : vector<1024x1xi32> to vector<1024x80xi32>
    %eq3A_120 = vector.broadcast %iota3A_118 : vector<1x80xi32> to vector<1024x80xi32>
    %eq3A_121 = arith.cmpi eq, %eq3A_119, %eq3A_120 : vector<1024x80xi32>
    %convert_element_type3A_122 = arith.extui %eq3A_121 : vector<1024x80xi1> to vector<1024x80xi32>
    %convert_element_type3A_123 = arith.sitofp %convert_element_type3A_122 : vector<1024x80xi32> to vector<1024x80xf32>
    %iota3A_124 = tpu.iota {dimensions = array<i32: 1>} : vector<1x128xi32>
    %eq3A_125 = vector.broadcast %and3A_117 : vector<1024x1xi32> to vector<1024x128xi32>
    %eq3A_126 = vector.broadcast %iota3A_124 : vector<1x128xi32> to vector<1024x128xi32>
    %eq3A_127 = arith.cmpi eq, %eq3A_125, %eq3A_126 : vector<1024x128xi32>
    %convert_element_type3A_128 = arith.extui %eq3A_127 : vector<1024x128xi1> to vector<1024x128xi32>
    %convert_element_type3A_129 = arith.sitofp %convert_element_type3A_128 : vector<1024x128xi32> to vector<1024x128xf32>
    %dot_general3A_130 = arith.constant dense<0.000000e+00> : vector<80x128xf32>
    %dot_general3A_131 = tpu.matmul %convert_element_type3A_123, %convert_element_type3A_129, %dot_general3A_130 {dimension_numbers = #tpu.dot_dimension_numbers<[0], [0], [1], [1], [0, 1, 1, 1], [], []>, transpose_lhs_hint = false} : vector<1024x80xf32>, vector<1024x128xf32>, vector<80x128xf32> -> vector<80x128xf32>
    %add3A_132 = arith.addf %add3A_110, %dot_general3A_131 : vector<80x128xf32>
    %slice3A_133 = vector.extract_strided_slice %reshape3A {offsets = [0, 6], sizes = [1024, 1], strides = [1, 1]} : vector<1024x32xi32> to vector<1024x1xi32>
    %shift_right_logical3A_134 = arith.constant 7 : i32
    %shift_right_logical3A_135 = vector.broadcast %shift_right_logical3A_134 : i32 to vector<1024x1xi32>
    %shift_right_logical3A_136 = arith.shrui %slice3A_133, %shift_right_logical3A_135 : vector<1024x1xi32>
    %and3A_137 = arith.constant 127 : i32
    %and3A_138 = vector.broadcast %and3A_137 : i32 to vector<1024x1xi32>
    %and3A_139 = arith.andi %slice3A_133, %and3A_138 : vector<1024x1xi32>
    %iota3A_140 = tpu.iota {dimensions = array<i32: 1>} : vector<1x80xi32>
    %eq3A_141 = vector.broadcast %shift_right_logical3A_136 : vector<1024x1xi32> to vector<1024x80xi32>
    %eq3A_142 = vector.broadcast %iota3A_140 : vector<1x80xi32> to vector<1024x80xi32>
    %eq3A_143 = arith.cmpi eq, %eq3A_141, %eq3A_142 : vector<1024x80xi32>
    %convert_element_type3A_144 = arith.extui %eq3A_143 : vector<1024x80xi1> to vector<1024x80xi32>
    %convert_element_type3A_145 = arith.sitofp %convert_element_type3A_144 : vector<1024x80xi32> to vector<1024x80xf32>
    %iota3A_146 = tpu.iota {dimensions = array<i32: 1>} : vector<1x128xi32>
    %eq3A_147 = vector.broadcast %and3A_139 : vector<1024x1xi32> to vector<1024x128xi32>
    %eq3A_148 = vector.broadcast %iota3A_146 : vector<1x128xi32> to vector<1024x128xi32>
    %eq3A_149 = arith.cmpi eq, %eq3A_147, %eq3A_148 : vector<1024x128xi32>
    %convert_element_type3A_150 = arith.extui %eq3A_149 : vector<1024x128xi1> to vector<1024x128xi32>
    %convert_element_type3A_151 = arith.sitofp %convert_element_type3A_150 : vector<1024x128xi32> to vector<1024x128xf32>
    %dot_general3A_152 = arith.constant dense<0.000000e+00> : vector<80x128xf32>
    %dot_general3A_153 = tpu.matmul %convert_element_type3A_145, %convert_element_type3A_151, %dot_general3A_152 {dimension_numbers = #tpu.dot_dimension_numbers<[0], [0], [1], [1], [0, 1, 1, 1], [], []>, transpose_lhs_hint = false} : vector<1024x80xf32>, vector<1024x128xf32>, vector<80x128xf32> -> vector<80x128xf32>
    %add3A_154 = arith.addf %add3A_132, %dot_general3A_153 : vector<80x128xf32>
    %slice3A_155 = vector.extract_strided_slice %reshape3A {offsets = [0, 7], sizes = [1024, 1], strides = [1, 1]} : vector<1024x32xi32> to vector<1024x1xi32>
    %shift_right_logical3A_156 = arith.constant 7 : i32
    %shift_right_logical3A_157 = vector.broadcast %shift_right_logical3A_156 : i32 to vector<1024x1xi32>
    %shift_right_logical3A_158 = arith.shrui %slice3A_155, %shift_right_logical3A_157 : vector<1024x1xi32>
    %and3A_159 = arith.constant 127 : i32
    %and3A_160 = vector.broadcast %and3A_159 : i32 to vector<1024x1xi32>
    %and3A_161 = arith.andi %slice3A_155, %and3A_160 : vector<1024x1xi32>
    %iota3A_162 = tpu.iota {dimensions = array<i32: 1>} : vector<1x80xi32>
    %eq3A_163 = vector.broadcast %shift_right_logical3A_158 : vector<1024x1xi32> to vector<1024x80xi32>
    %eq3A_164 = vector.broadcast %iota3A_162 : vector<1x80xi32> to vector<1024x80xi32>
    %eq3A_165 = arith.cmpi eq, %eq3A_163, %eq3A_164 : vector<1024x80xi32>
    %convert_element_type3A_166 = arith.extui %eq3A_165 : vector<1024x80xi1> to vector<1024x80xi32>
    %convert_element_type3A_167 = arith.sitofp %convert_element_type3A_166 : vector<1024x80xi32> to vector<1024x80xf32>
    %iota3A_168 = tpu.iota {dimensions = array<i32: 1>} : vector<1x128xi32>
    %eq3A_169 = vector.broadcast %and3A_161 : vector<1024x1xi32> to vector<1024x128xi32>
    %eq3A_170 = vector.broadcast %iota3A_168 : vector<1x128xi32> to vector<1024x128xi32>
    %eq3A_171 = arith.cmpi eq, %eq3A_169, %eq3A_170 : vector<1024x128xi32>
    %convert_element_type3A_172 = arith.extui %eq3A_171 : vector<1024x128xi1> to vector<1024x128xi32>
    %convert_element_type3A_173 = arith.sitofp %convert_element_type3A_172 : vector<1024x128xi32> to vector<1024x128xf32>
    %dot_general3A_174 = arith.constant dense<0.000000e+00> : vector<80x128xf32>
    %dot_general3A_175 = tpu.matmul %convert_element_type3A_167, %convert_element_type3A_173, %dot_general3A_174 {dimension_numbers = #tpu.dot_dimension_numbers<[0], [0], [1], [1], [0, 1, 1, 1], [], []>, transpose_lhs_hint = false} : vector<1024x80xf32>, vector<1024x128xf32>, vector<80x128xf32> -> vector<80x128xf32>
    %add3A_176 = arith.addf %add3A_154, %dot_general3A_175 : vector<80x128xf32>
    %slice3A_177 = vector.extract_strided_slice %reshape3A {offsets = [0, 8], sizes = [1024, 1], strides = [1, 1]} : vector<1024x32xi32> to vector<1024x1xi32>
    %shift_right_logical3A_178 = arith.constant 7 : i32
    %shift_right_logical3A_179 = vector.broadcast %shift_right_logical3A_178 : i32 to vector<1024x1xi32>
    %shift_right_logical3A_180 = arith.shrui %slice3A_177, %shift_right_logical3A_179 : vector<1024x1xi32>
    %and3A_181 = arith.constant 127 : i32
    %and3A_182 = vector.broadcast %and3A_181 : i32 to vector<1024x1xi32>
    %and3A_183 = arith.andi %slice3A_177, %and3A_182 : vector<1024x1xi32>
    %iota3A_184 = tpu.iota {dimensions = array<i32: 1>} : vector<1x80xi32>
    %eq3A_185 = vector.broadcast %shift_right_logical3A_180 : vector<1024x1xi32> to vector<1024x80xi32>
    %eq3A_186 = vector.broadcast %iota3A_184 : vector<1x80xi32> to vector<1024x80xi32>
    %eq3A_187 = arith.cmpi eq, %eq3A_185, %eq3A_186 : vector<1024x80xi32>
    %convert_element_type3A_188 = arith.extui %eq3A_187 : vector<1024x80xi1> to vector<1024x80xi32>
    %convert_element_type3A_189 = arith.sitofp %convert_element_type3A_188 : vector<1024x80xi32> to vector<1024x80xf32>
    %iota3A_190 = tpu.iota {dimensions = array<i32: 1>} : vector<1x128xi32>
    %eq3A_191 = vector.broadcast %and3A_183 : vector<1024x1xi32> to vector<1024x128xi32>
    %eq3A_192 = vector.broadcast %iota3A_190 : vector<1x128xi32> to vector<1024x128xi32>
    %eq3A_193 = arith.cmpi eq, %eq3A_191, %eq3A_192 : vector<1024x128xi32>
    %convert_element_type3A_194 = arith.extui %eq3A_193 : vector<1024x128xi1> to vector<1024x128xi32>
    %convert_element_type3A_195 = arith.sitofp %convert_element_type3A_194 : vector<1024x128xi32> to vector<1024x128xf32>
    %dot_general3A_196 = arith.constant dense<0.000000e+00> : vector<80x128xf32>
    %dot_general3A_197 = tpu.matmul %convert_element_type3A_189, %convert_element_type3A_195, %dot_general3A_196 {dimension_numbers = #tpu.dot_dimension_numbers<[0], [0], [1], [1], [0, 1, 1, 1], [], []>, transpose_lhs_hint = false} : vector<1024x80xf32>, vector<1024x128xf32>, vector<80x128xf32> -> vector<80x128xf32>
    %add3A_198 = arith.addf %add3A_176, %dot_general3A_197 : vector<80x128xf32>
    %slice3A_199 = vector.extract_strided_slice %reshape3A {offsets = [0, 9], sizes = [1024, 1], strides = [1, 1]} : vector<1024x32xi32> to vector<1024x1xi32>
    %shift_right_logical3A_200 = arith.constant 7 : i32
    %shift_right_logical3A_201 = vector.broadcast %shift_right_logical3A_200 : i32 to vector<1024x1xi32>
    %shift_right_logical3A_202 = arith.shrui %slice3A_199, %shift_right_logical3A_201 : vector<1024x1xi32>
    %and3A_203 = arith.constant 127 : i32
    %and3A_204 = vector.broadcast %and3A_203 : i32 to vector<1024x1xi32>
    %and3A_205 = arith.andi %slice3A_199, %and3A_204 : vector<1024x1xi32>
    %iota3A_206 = tpu.iota {dimensions = array<i32: 1>} : vector<1x80xi32>
    %eq3A_207 = vector.broadcast %shift_right_logical3A_202 : vector<1024x1xi32> to vector<1024x80xi32>
    %eq3A_208 = vector.broadcast %iota3A_206 : vector<1x80xi32> to vector<1024x80xi32>
    %eq3A_209 = arith.cmpi eq, %eq3A_207, %eq3A_208 : vector<1024x80xi32>
    %convert_element_type3A_210 = arith.extui %eq3A_209 : vector<1024x80xi1> to vector<1024x80xi32>
    %convert_element_type3A_211 = arith.sitofp %convert_element_type3A_210 : vector<1024x80xi32> to vector<1024x80xf32>
    %iota3A_212 = tpu.iota {dimensions = array<i32: 1>} : vector<1x128xi32>
    %eq3A_213 = vector.broadcast %and3A_205 : vector<1024x1xi32> to vector<1024x128xi32>
    %eq3A_214 = vector.broadcast %iota3A_212 : vector<1x128xi32> to vector<1024x128xi32>
    %eq3A_215 = arith.cmpi eq, %eq3A_213, %eq3A_214 : vector<1024x128xi32>
    %convert_element_type3A_216 = arith.extui %eq3A_215 : vector<1024x128xi1> to vector<1024x128xi32>
    %convert_element_type3A_217 = arith.sitofp %convert_element_type3A_216 : vector<1024x128xi32> to vector<1024x128xf32>
    %dot_general3A_218 = arith.constant dense<0.000000e+00> : vector<80x128xf32>
    %dot_general3A_219 = tpu.matmul %convert_element_type3A_211, %convert_element_type3A_217, %dot_general3A_218 {dimension_numbers = #tpu.dot_dimension_numbers<[0], [0], [1], [1], [0, 1, 1, 1], [], []>, transpose_lhs_hint = false} : vector<1024x80xf32>, vector<1024x128xf32>, vector<80x128xf32> -> vector<80x128xf32>
    %add3A_220 = arith.addf %add3A_198, %dot_general3A_219 : vector<80x128xf32>
    %slice3A_221 = vector.extract_strided_slice %reshape3A {offsets = [0, 10], sizes = [1024, 1], strides = [1, 1]} : vector<1024x32xi32> to vector<1024x1xi32>
    %shift_right_logical3A_222 = arith.constant 7 : i32
    %shift_right_logical3A_223 = vector.broadcast %shift_right_logical3A_222 : i32 to vector<1024x1xi32>
    %shift_right_logical3A_224 = arith.shrui %slice3A_221, %shift_right_logical3A_223 : vector<1024x1xi32>
    %and3A_225 = arith.constant 127 : i32
    %and3A_226 = vector.broadcast %and3A_225 : i32 to vector<1024x1xi32>
    %and3A_227 = arith.andi %slice3A_221, %and3A_226 : vector<1024x1xi32>
    %iota3A_228 = tpu.iota {dimensions = array<i32: 1>} : vector<1x80xi32>
    %eq3A_229 = vector.broadcast %shift_right_logical3A_224 : vector<1024x1xi32> to vector<1024x80xi32>
    %eq3A_230 = vector.broadcast %iota3A_228 : vector<1x80xi32> to vector<1024x80xi32>
    %eq3A_231 = arith.cmpi eq, %eq3A_229, %eq3A_230 : vector<1024x80xi32>
    %convert_element_type3A_232 = arith.extui %eq3A_231 : vector<1024x80xi1> to vector<1024x80xi32>
    %convert_element_type3A_233 = arith.sitofp %convert_element_type3A_232 : vector<1024x80xi32> to vector<1024x80xf32>
    %iota3A_234 = tpu.iota {dimensions = array<i32: 1>} : vector<1x128xi32>
    %eq3A_235 = vector.broadcast %and3A_227 : vector<1024x1xi32> to vector<1024x128xi32>
    %eq3A_236 = vector.broadcast %iota3A_234 : vector<1x128xi32> to vector<1024x128xi32>
    %eq3A_237 = arith.cmpi eq, %eq3A_235, %eq3A_236 : vector<1024x128xi32>
    %convert_element_type3A_238 = arith.extui %eq3A_237 : vector<1024x128xi1> to vector<1024x128xi32>
    %convert_element_type3A_239 = arith.sitofp %convert_element_type3A_238 : vector<1024x128xi32> to vector<1024x128xf32>
    %dot_general3A_240 = arith.constant dense<0.000000e+00> : vector<80x128xf32>
    %dot_general3A_241 = tpu.matmul %convert_element_type3A_233, %convert_element_type3A_239, %dot_general3A_240 {dimension_numbers = #tpu.dot_dimension_numbers<[0], [0], [1], [1], [0, 1, 1, 1], [], []>, transpose_lhs_hint = false} : vector<1024x80xf32>, vector<1024x128xf32>, vector<80x128xf32> -> vector<80x128xf32>
    %add3A_242 = arith.addf %add3A_220, %dot_general3A_241 : vector<80x128xf32>
    %slice3A_243 = vector.extract_strided_slice %reshape3A {offsets = [0, 11], sizes = [1024, 1], strides = [1, 1]} : vector<1024x32xi32> to vector<1024x1xi32>
    %shift_right_logical3A_244 = arith.constant 7 : i32
    %shift_right_logical3A_245 = vector.broadcast %shift_right_logical3A_244 : i32 to vector<1024x1xi32>
    %shift_right_logical3A_246 = arith.shrui %slice3A_243, %shift_right_logical3A_245 : vector<1024x1xi32>
    %and3A_247 = arith.constant 127 : i32
    %and3A_248 = vector.broadcast %and3A_247 : i32 to vector<1024x1xi32>
    %and3A_249 = arith.andi %slice3A_243, %and3A_248 : vector<1024x1xi32>
    %iota3A_250 = tpu.iota {dimensions = array<i32: 1>} : vector<1x80xi32>
    %eq3A_251 = vector.broadcast %shift_right_logical3A_246 : vector<1024x1xi32> to vector<1024x80xi32>
    %eq3A_252 = vector.broadcast %iota3A_250 : vector<1x80xi32> to vector<1024x80xi32>
    %eq3A_253 = arith.cmpi eq, %eq3A_251, %eq3A_252 : vector<1024x80xi32>
    %convert_element_type3A_254 = arith.extui %eq3A_253 : vector<1024x80xi1> to vector<1024x80xi32>
    %convert_element_type3A_255 = arith.sitofp %convert_element_type3A_254 : vector<1024x80xi32> to vector<1024x80xf32>
    %iota3A_256 = tpu.iota {dimensions = array<i32: 1>} : vector<1x128xi32>
    %eq3A_257 = vector.broadcast %and3A_249 : vector<1024x1xi32> to vector<1024x128xi32>
    %eq3A_258 = vector.broadcast %iota3A_256 : vector<1x128xi32> to vector<1024x128xi32>
    %eq3A_259 = arith.cmpi eq, %eq3A_257, %eq3A_258 : vector<1024x128xi32>
    %convert_element_type3A_260 = arith.extui %eq3A_259 : vector<1024x128xi1> to vector<1024x128xi32>
    %convert_element_type3A_261 = arith.sitofp %convert_element_type3A_260 : vector<1024x128xi32> to vector<1024x128xf32>
    %dot_general3A_262 = arith.constant dense<0.000000e+00> : vector<80x128xf32>
    %dot_general3A_263 = tpu.matmul %convert_element_type3A_255, %convert_element_type3A_261, %dot_general3A_262 {dimension_numbers = #tpu.dot_dimension_numbers<[0], [0], [1], [1], [0, 1, 1, 1], [], []>, transpose_lhs_hint = false} : vector<1024x80xf32>, vector<1024x128xf32>, vector<80x128xf32> -> vector<80x128xf32>
    %add3A_264 = arith.addf %add3A_242, %dot_general3A_263 : vector<80x128xf32>
    %slice3A_265 = vector.extract_strided_slice %reshape3A {offsets = [0, 12], sizes = [1024, 1], strides = [1, 1]} : vector<1024x32xi32> to vector<1024x1xi32>
    %shift_right_logical3A_266 = arith.constant 7 : i32
    %shift_right_logical3A_267 = vector.broadcast %shift_right_logical3A_266 : i32 to vector<1024x1xi32>
    %shift_right_logical3A_268 = arith.shrui %slice3A_265, %shift_right_logical3A_267 : vector<1024x1xi32>
    %and3A_269 = arith.constant 127 : i32
    %and3A_270 = vector.broadcast %and3A_269 : i32 to vector<1024x1xi32>
    %and3A_271 = arith.andi %slice3A_265, %and3A_270 : vector<1024x1xi32>
    %iota3A_272 = tpu.iota {dimensions = array<i32: 1>} : vector<1x80xi32>
    %eq3A_273 = vector.broadcast %shift_right_logical3A_268 : vector<1024x1xi32> to vector<1024x80xi32>
    %eq3A_274 = vector.broadcast %iota3A_272 : vector<1x80xi32> to vector<1024x80xi32>
    %eq3A_275 = arith.cmpi eq, %eq3A_273, %eq3A_274 : vector<1024x80xi32>
    %convert_element_type3A_276 = arith.extui %eq3A_275 : vector<1024x80xi1> to vector<1024x80xi32>
    %convert_element_type3A_277 = arith.sitofp %convert_element_type3A_276 : vector<1024x80xi32> to vector<1024x80xf32>
    %iota3A_278 = tpu.iota {dimensions = array<i32: 1>} : vector<1x128xi32>
    %eq3A_279 = vector.broadcast %and3A_271 : vector<1024x1xi32> to vector<1024x128xi32>
    %eq3A_280 = vector.broadcast %iota3A_278 : vector<1x128xi32> to vector<1024x128xi32>
    %eq3A_281 = arith.cmpi eq, %eq3A_279, %eq3A_280 : vector<1024x128xi32>
    %convert_element_type3A_282 = arith.extui %eq3A_281 : vector<1024x128xi1> to vector<1024x128xi32>
    %convert_element_type3A_283 = arith.sitofp %convert_element_type3A_282 : vector<1024x128xi32> to vector<1024x128xf32>
    %dot_general3A_284 = arith.constant dense<0.000000e+00> : vector<80x128xf32>
    %dot_general3A_285 = tpu.matmul %convert_element_type3A_277, %convert_element_type3A_283, %dot_general3A_284 {dimension_numbers = #tpu.dot_dimension_numbers<[0], [0], [1], [1], [0, 1, 1, 1], [], []>, transpose_lhs_hint = false} : vector<1024x80xf32>, vector<1024x128xf32>, vector<80x128xf32> -> vector<80x128xf32>
    %add3A_286 = arith.addf %add3A_264, %dot_general3A_285 : vector<80x128xf32>
    %slice3A_287 = vector.extract_strided_slice %reshape3A {offsets = [0, 13], sizes = [1024, 1], strides = [1, 1]} : vector<1024x32xi32> to vector<1024x1xi32>
    %shift_right_logical3A_288 = arith.constant 7 : i32
    %shift_right_logical3A_289 = vector.broadcast %shift_right_logical3A_288 : i32 to vector<1024x1xi32>
    %shift_right_logical3A_290 = arith.shrui %slice3A_287, %shift_right_logical3A_289 : vector<1024x1xi32>
    %and3A_291 = arith.constant 127 : i32
    %and3A_292 = vector.broadcast %and3A_291 : i32 to vector<1024x1xi32>
    %and3A_293 = arith.andi %slice3A_287, %and3A_292 : vector<1024x1xi32>
    %iota3A_294 = tpu.iota {dimensions = array<i32: 1>} : vector<1x80xi32>
    %eq3A_295 = vector.broadcast %shift_right_logical3A_290 : vector<1024x1xi32> to vector<1024x80xi32>
    %eq3A_296 = vector.broadcast %iota3A_294 : vector<1x80xi32> to vector<1024x80xi32>
    %eq3A_297 = arith.cmpi eq, %eq3A_295, %eq3A_296 : vector<1024x80xi32>
    %convert_element_type3A_298 = arith.extui %eq3A_297 : vector<1024x80xi1> to vector<1024x80xi32>
    %convert_element_type3A_299 = arith.sitofp %convert_element_type3A_298 : vector<1024x80xi32> to vector<1024x80xf32>
    %iota3A_300 = tpu.iota {dimensions = array<i32: 1>} : vector<1x128xi32>
    %eq3A_301 = vector.broadcast %and3A_293 : vector<1024x1xi32> to vector<1024x128xi32>
    %eq3A_302 = vector.broadcast %iota3A_300 : vector<1x128xi32> to vector<1024x128xi32>
    %eq3A_303 = arith.cmpi eq, %eq3A_301, %eq3A_302 : vector<1024x128xi32>
    %convert_element_type3A_304 = arith.extui %eq3A_303 : vector<1024x128xi1> to vector<1024x128xi32>
    %convert_element_type3A_305 = arith.sitofp %convert_element_type3A_304 : vector<1024x128xi32> to vector<1024x128xf32>
    %dot_general3A_306 = arith.constant dense<0.000000e+00> : vector<80x128xf32>
    %dot_general3A_307 = tpu.matmul %convert_element_type3A_299, %convert_element_type3A_305, %dot_general3A_306 {dimension_numbers = #tpu.dot_dimension_numbers<[0], [0], [1], [1], [0, 1, 1, 1], [], []>, transpose_lhs_hint = false} : vector<1024x80xf32>, vector<1024x128xf32>, vector<80x128xf32> -> vector<80x128xf32>
    %add3A_308 = arith.addf %add3A_286, %dot_general3A_307 : vector<80x128xf32>
    %slice3A_309 = vector.extract_strided_slice %reshape3A {offsets = [0, 14], sizes = [1024, 1], strides = [1, 1]} : vector<1024x32xi32> to vector<1024x1xi32>
    %shift_right_logical3A_310 = arith.constant 7 : i32
    %shift_right_logical3A_311 = vector.broadcast %shift_right_logical3A_310 : i32 to vector<1024x1xi32>
    %shift_right_logical3A_312 = arith.shrui %slice3A_309, %shift_right_logical3A_311 : vector<1024x1xi32>
    %and3A_313 = arith.constant 127 : i32
    %and3A_314 = vector.broadcast %and3A_313 : i32 to vector<1024x1xi32>
    %and3A_315 = arith.andi %slice3A_309, %and3A_314 : vector<1024x1xi32>
    %iota3A_316 = tpu.iota {dimensions = array<i32: 1>} : vector<1x80xi32>
    %eq3A_317 = vector.broadcast %shift_right_logical3A_312 : vector<1024x1xi32> to vector<1024x80xi32>
    %eq3A_318 = vector.broadcast %iota3A_316 : vector<1x80xi32> to vector<1024x80xi32>
    %eq3A_319 = arith.cmpi eq, %eq3A_317, %eq3A_318 : vector<1024x80xi32>
    %convert_element_type3A_320 = arith.extui %eq3A_319 : vector<1024x80xi1> to vector<1024x80xi32>
    %convert_element_type3A_321 = arith.sitofp %convert_element_type3A_320 : vector<1024x80xi32> to vector<1024x80xf32>
    %iota3A_322 = tpu.iota {dimensions = array<i32: 1>} : vector<1x128xi32>
    %eq3A_323 = vector.broadcast %and3A_315 : vector<1024x1xi32> to vector<1024x128xi32>
    %eq3A_324 = vector.broadcast %iota3A_322 : vector<1x128xi32> to vector<1024x128xi32>
    %eq3A_325 = arith.cmpi eq, %eq3A_323, %eq3A_324 : vector<1024x128xi32>
    %convert_element_type3A_326 = arith.extui %eq3A_325 : vector<1024x128xi1> to vector<1024x128xi32>
    %convert_element_type3A_327 = arith.sitofp %convert_element_type3A_326 : vector<1024x128xi32> to vector<1024x128xf32>
    %dot_general3A_328 = arith.constant dense<0.000000e+00> : vector<80x128xf32>
    %dot_general3A_329 = tpu.matmul %convert_element_type3A_321, %convert_element_type3A_327, %dot_general3A_328 {dimension_numbers = #tpu.dot_dimension_numbers<[0], [0], [1], [1], [0, 1, 1, 1], [], []>, transpose_lhs_hint = false} : vector<1024x80xf32>, vector<1024x128xf32>, vector<80x128xf32> -> vector<80x128xf32>
    %add3A_330 = arith.addf %add3A_308, %dot_general3A_329 : vector<80x128xf32>
    %slice3A_331 = vector.extract_strided_slice %reshape3A {offsets = [0, 15], sizes = [1024, 1], strides = [1, 1]} : vector<1024x32xi32> to vector<1024x1xi32>
    %shift_right_logical3A_332 = arith.constant 7 : i32
    %shift_right_logical3A_333 = vector.broadcast %shift_right_logical3A_332 : i32 to vector<1024x1xi32>
    %shift_right_logical3A_334 = arith.shrui %slice3A_331, %shift_right_logical3A_333 : vector<1024x1xi32>
    %and3A_335 = arith.constant 127 : i32
    %and3A_336 = vector.broadcast %and3A_335 : i32 to vector<1024x1xi32>
    %and3A_337 = arith.andi %slice3A_331, %and3A_336 : vector<1024x1xi32>
    %iota3A_338 = tpu.iota {dimensions = array<i32: 1>} : vector<1x80xi32>
    %eq3A_339 = vector.broadcast %shift_right_logical3A_334 : vector<1024x1xi32> to vector<1024x80xi32>
    %eq3A_340 = vector.broadcast %iota3A_338 : vector<1x80xi32> to vector<1024x80xi32>
    %eq3A_341 = arith.cmpi eq, %eq3A_339, %eq3A_340 : vector<1024x80xi32>
    %convert_element_type3A_342 = arith.extui %eq3A_341 : vector<1024x80xi1> to vector<1024x80xi32>
    %convert_element_type3A_343 = arith.sitofp %convert_element_type3A_342 : vector<1024x80xi32> to vector<1024x80xf32>
    %iota3A_344 = tpu.iota {dimensions = array<i32: 1>} : vector<1x128xi32>
    %eq3A_345 = vector.broadcast %and3A_337 : vector<1024x1xi32> to vector<1024x128xi32>
    %eq3A_346 = vector.broadcast %iota3A_344 : vector<1x128xi32> to vector<1024x128xi32>
    %eq3A_347 = arith.cmpi eq, %eq3A_345, %eq3A_346 : vector<1024x128xi32>
    %convert_element_type3A_348 = arith.extui %eq3A_347 : vector<1024x128xi1> to vector<1024x128xi32>
    %convert_element_type3A_349 = arith.sitofp %convert_element_type3A_348 : vector<1024x128xi32> to vector<1024x128xf32>
    %dot_general3A_350 = arith.constant dense<0.000000e+00> : vector<80x128xf32>
    %dot_general3A_351 = tpu.matmul %convert_element_type3A_343, %convert_element_type3A_349, %dot_general3A_350 {dimension_numbers = #tpu.dot_dimension_numbers<[0], [0], [1], [1], [0, 1, 1, 1], [], []>, transpose_lhs_hint = false} : vector<1024x80xf32>, vector<1024x128xf32>, vector<80x128xf32> -> vector<80x128xf32>
    %add3A_352 = arith.addf %add3A_330, %dot_general3A_351 : vector<80x128xf32>
    %slice3A_353 = vector.extract_strided_slice %reshape3A {offsets = [0, 16], sizes = [1024, 1], strides = [1, 1]} : vector<1024x32xi32> to vector<1024x1xi32>
    %shift_right_logical3A_354 = arith.constant 7 : i32
    %shift_right_logical3A_355 = vector.broadcast %shift_right_logical3A_354 : i32 to vector<1024x1xi32>
    %shift_right_logical3A_356 = arith.shrui %slice3A_353, %shift_right_logical3A_355 : vector<1024x1xi32>
    %and3A_357 = arith.constant 127 : i32
    %and3A_358 = vector.broadcast %and3A_357 : i32 to vector<1024x1xi32>
    %and3A_359 = arith.andi %slice3A_353, %and3A_358 : vector<1024x1xi32>
    %iota3A_360 = tpu.iota {dimensions = array<i32: 1>} : vector<1x80xi32>
    %eq3A_361 = vector.broadcast %shift_right_logical3A_356 : vector<1024x1xi32> to vector<1024x80xi32>
    %eq3A_362 = vector.broadcast %iota3A_360 : vector<1x80xi32> to vector<1024x80xi32>
    %eq3A_363 = arith.cmpi eq, %eq3A_361, %eq3A_362 : vector<1024x80xi32>
    %convert_element_type3A_364 = arith.extui %eq3A_363 : vector<1024x80xi1> to vector<1024x80xi32>
    %convert_element_type3A_365 = arith.sitofp %convert_element_type3A_364 : vector<1024x80xi32> to vector<1024x80xf32>
    %iota3A_366 = tpu.iota {dimensions = array<i32: 1>} : vector<1x128xi32>
    %eq3A_367 = vector.broadcast %and3A_359 : vector<1024x1xi32> to vector<1024x128xi32>
    %eq3A_368 = vector.broadcast %iota3A_366 : vector<1x128xi32> to vector<1024x128xi32>
    %eq3A_369 = arith.cmpi eq, %eq3A_367, %eq3A_368 : vector<1024x128xi32>
    %convert_element_type3A_370 = arith.extui %eq3A_369 : vector<1024x128xi1> to vector<1024x128xi32>
    %convert_element_type3A_371 = arith.sitofp %convert_element_type3A_370 : vector<1024x128xi32> to vector<1024x128xf32>
    %dot_general3A_372 = arith.constant dense<0.000000e+00> : vector<80x128xf32>
    %dot_general3A_373 = tpu.matmul %convert_element_type3A_365, %convert_element_type3A_371, %dot_general3A_372 {dimension_numbers = #tpu.dot_dimension_numbers<[0], [0], [1], [1], [0, 1, 1, 1], [], []>, transpose_lhs_hint = false} : vector<1024x80xf32>, vector<1024x128xf32>, vector<80x128xf32> -> vector<80x128xf32>
    %add3A_374 = arith.addf %add3A_352, %dot_general3A_373 : vector<80x128xf32>
    %slice3A_375 = vector.extract_strided_slice %reshape3A {offsets = [0, 17], sizes = [1024, 1], strides = [1, 1]} : vector<1024x32xi32> to vector<1024x1xi32>
    %shift_right_logical3A_376 = arith.constant 7 : i32
    %shift_right_logical3A_377 = vector.broadcast %shift_right_logical3A_376 : i32 to vector<1024x1xi32>
    %shift_right_logical3A_378 = arith.shrui %slice3A_375, %shift_right_logical3A_377 : vector<1024x1xi32>
    %and3A_379 = arith.constant 127 : i32
    %and3A_380 = vector.broadcast %and3A_379 : i32 to vector<1024x1xi32>
    %and3A_381 = arith.andi %slice3A_375, %and3A_380 : vector<1024x1xi32>
    %iota3A_382 = tpu.iota {dimensions = array<i32: 1>} : vector<1x80xi32>
    %eq3A_383 = vector.broadcast %shift_right_logical3A_378 : vector<1024x1xi32> to vector<1024x80xi32>
    %eq3A_384 = vector.broadcast %iota3A_382 : vector<1x80xi32> to vector<1024x80xi32>
    %eq3A_385 = arith.cmpi eq, %eq3A_383, %eq3A_384 : vector<1024x80xi32>
    %convert_element_type3A_386 = arith.extui %eq3A_385 : vector<1024x80xi1> to vector<1024x80xi32>
    %convert_element_type3A_387 = arith.sitofp %convert_element_type3A_386 : vector<1024x80xi32> to vector<1024x80xf32>
    %iota3A_388 = tpu.iota {dimensions = array<i32: 1>} : vector<1x128xi32>
    %eq3A_389 = vector.broadcast %and3A_381 : vector<1024x1xi32> to vector<1024x128xi32>
    %eq3A_390 = vector.broadcast %iota3A_388 : vector<1x128xi32> to vector<1024x128xi32>
    %eq3A_391 = arith.cmpi eq, %eq3A_389, %eq3A_390 : vector<1024x128xi32>
    %convert_element_type3A_392 = arith.extui %eq3A_391 : vector<1024x128xi1> to vector<1024x128xi32>
    %convert_element_type3A_393 = arith.sitofp %convert_element_type3A_392 : vector<1024x128xi32> to vector<1024x128xf32>
    %dot_general3A_394 = arith.constant dense<0.000000e+00> : vector<80x128xf32>
    %dot_general3A_395 = tpu.matmul %convert_element_type3A_387, %convert_element_type3A_393, %dot_general3A_394 {dimension_numbers = #tpu.dot_dimension_numbers<[0], [0], [1], [1], [0, 1, 1, 1], [], []>, transpose_lhs_hint = false} : vector<1024x80xf32>, vector<1024x128xf32>, vector<80x128xf32> -> vector<80x128xf32>
    %add3A_396 = arith.addf %add3A_374, %dot_general3A_395 : vector<80x128xf32>
    %slice3A_397 = vector.extract_strided_slice %reshape3A {offsets = [0, 18], sizes = [1024, 1], strides = [1, 1]} : vector<1024x32xi32> to vector<1024x1xi32>
    %shift_right_logical3A_398 = arith.constant 7 : i32
    %shift_right_logical3A_399 = vector.broadcast %shift_right_logical3A_398 : i32 to vector<1024x1xi32>
    %shift_right_logical3A_400 = arith.shrui %slice3A_397, %shift_right_logical3A_399 : vector<1024x1xi32>
    %and3A_401 = arith.constant 127 : i32
    %and3A_402 = vector.broadcast %and3A_401 : i32 to vector<1024x1xi32>
    %and3A_403 = arith.andi %slice3A_397, %and3A_402 : vector<1024x1xi32>
    %iota3A_404 = tpu.iota {dimensions = array<i32: 1>} : vector<1x80xi32>
    %eq3A_405 = vector.broadcast %shift_right_logical3A_400 : vector<1024x1xi32> to vector<1024x80xi32>
    %eq3A_406 = vector.broadcast %iota3A_404 : vector<1x80xi32> to vector<1024x80xi32>
    %eq3A_407 = arith.cmpi eq, %eq3A_405, %eq3A_406 : vector<1024x80xi32>
    %convert_element_type3A_408 = arith.extui %eq3A_407 : vector<1024x80xi1> to vector<1024x80xi32>
    %convert_element_type3A_409 = arith.sitofp %convert_element_type3A_408 : vector<1024x80xi32> to vector<1024x80xf32>
    %iota3A_410 = tpu.iota {dimensions = array<i32: 1>} : vector<1x128xi32>
    %eq3A_411 = vector.broadcast %and3A_403 : vector<1024x1xi32> to vector<1024x128xi32>
    %eq3A_412 = vector.broadcast %iota3A_410 : vector<1x128xi32> to vector<1024x128xi32>
    %eq3A_413 = arith.cmpi eq, %eq3A_411, %eq3A_412 : vector<1024x128xi32>
    %convert_element_type3A_414 = arith.extui %eq3A_413 : vector<1024x128xi1> to vector<1024x128xi32>
    %convert_element_type3A_415 = arith.sitofp %convert_element_type3A_414 : vector<1024x128xi32> to vector<1024x128xf32>
    %dot_general3A_416 = arith.constant dense<0.000000e+00> : vector<80x128xf32>
    %dot_general3A_417 = tpu.matmul %convert_element_type3A_409, %convert_element_type3A_415, %dot_general3A_416 {dimension_numbers = #tpu.dot_dimension_numbers<[0], [0], [1], [1], [0, 1, 1, 1], [], []>, transpose_lhs_hint = false} : vector<1024x80xf32>, vector<1024x128xf32>, vector<80x128xf32> -> vector<80x128xf32>
    %add3A_418 = arith.addf %add3A_396, %dot_general3A_417 : vector<80x128xf32>
    %slice3A_419 = vector.extract_strided_slice %reshape3A {offsets = [0, 19], sizes = [1024, 1], strides = [1, 1]} : vector<1024x32xi32> to vector<1024x1xi32>
    %shift_right_logical3A_420 = arith.constant 7 : i32
    %shift_right_logical3A_421 = vector.broadcast %shift_right_logical3A_420 : i32 to vector<1024x1xi32>
    %shift_right_logical3A_422 = arith.shrui %slice3A_419, %shift_right_logical3A_421 : vector<1024x1xi32>
    %and3A_423 = arith.constant 127 : i32
    %and3A_424 = vector.broadcast %and3A_423 : i32 to vector<1024x1xi32>
    %and3A_425 = arith.andi %slice3A_419, %and3A_424 : vector<1024x1xi32>
    %iota3A_426 = tpu.iota {dimensions = array<i32: 1>} : vector<1x80xi32>
    %eq3A_427 = vector.broadcast %shift_right_logical3A_422 : vector<1024x1xi32> to vector<1024x80xi32>
    %eq3A_428 = vector.broadcast %iota3A_426 : vector<1x80xi32> to vector<1024x80xi32>
    %eq3A_429 = arith.cmpi eq, %eq3A_427, %eq3A_428 : vector<1024x80xi32>
    %convert_element_type3A_430 = arith.extui %eq3A_429 : vector<1024x80xi1> to vector<1024x80xi32>
    %convert_element_type3A_431 = arith.sitofp %convert_element_type3A_430 : vector<1024x80xi32> to vector<1024x80xf32>
    %iota3A_432 = tpu.iota {dimensions = array<i32: 1>} : vector<1x128xi32>
    %eq3A_433 = vector.broadcast %and3A_425 : vector<1024x1xi32> to vector<1024x128xi32>
    %eq3A_434 = vector.broadcast %iota3A_432 : vector<1x128xi32> to vector<1024x128xi32>
    %eq3A_435 = arith.cmpi eq, %eq3A_433, %eq3A_434 : vector<1024x128xi32>
    %convert_element_type3A_436 = arith.extui %eq3A_435 : vector<1024x128xi1> to vector<1024x128xi32>
    %convert_element_type3A_437 = arith.sitofp %convert_element_type3A_436 : vector<1024x128xi32> to vector<1024x128xf32>
    %dot_general3A_438 = arith.constant dense<0.000000e+00> : vector<80x128xf32>
    %dot_general3A_439 = tpu.matmul %convert_element_type3A_431, %convert_element_type3A_437, %dot_general3A_438 {dimension_numbers = #tpu.dot_dimension_numbers<[0], [0], [1], [1], [0, 1, 1, 1], [], []>, transpose_lhs_hint = false} : vector<1024x80xf32>, vector<1024x128xf32>, vector<80x128xf32> -> vector<80x128xf32>
    %add3A_440 = arith.addf %add3A_418, %dot_general3A_439 : vector<80x128xf32>
    %slice3A_441 = vector.extract_strided_slice %reshape3A {offsets = [0, 20], sizes = [1024, 1], strides = [1, 1]} : vector<1024x32xi32> to vector<1024x1xi32>
    %shift_right_logical3A_442 = arith.constant 7 : i32
    %shift_right_logical3A_443 = vector.broadcast %shift_right_logical3A_442 : i32 to vector<1024x1xi32>
    %shift_right_logical3A_444 = arith.shrui %slice3A_441, %shift_right_logical3A_443 : vector<1024x1xi32>
    %and3A_445 = arith.constant 127 : i32
    %and3A_446 = vector.broadcast %and3A_445 : i32 to vector<1024x1xi32>
    %and3A_447 = arith.andi %slice3A_441, %and3A_446 : vector<1024x1xi32>
    %iota3A_448 = tpu.iota {dimensions = array<i32: 1>} : vector<1x80xi32>
    %eq3A_449 = vector.broadcast %shift_right_logical3A_444 : vector<1024x1xi32> to vector<1024x80xi32>
    %eq3A_450 = vector.broadcast %iota3A_448 : vector<1x80xi32> to vector<1024x80xi32>
    %eq3A_451 = arith.cmpi eq, %eq3A_449, %eq3A_450 : vector<1024x80xi32>
    %convert_element_type3A_452 = arith.extui %eq3A_451 : vector<1024x80xi1> to vector<1024x80xi32>
    %convert_element_type3A_453 = arith.sitofp %convert_element_type3A_452 : vector<1024x80xi32> to vector<1024x80xf32>
    %iota3A_454 = tpu.iota {dimensions = array<i32: 1>} : vector<1x128xi32>
    %eq3A_455 = vector.broadcast %and3A_447 : vector<1024x1xi32> to vector<1024x128xi32>
    %eq3A_456 = vector.broadcast %iota3A_454 : vector<1x128xi32> to vector<1024x128xi32>
    %eq3A_457 = arith.cmpi eq, %eq3A_455, %eq3A_456 : vector<1024x128xi32>
    %convert_element_type3A_458 = arith.extui %eq3A_457 : vector<1024x128xi1> to vector<1024x128xi32>
    %convert_element_type3A_459 = arith.sitofp %convert_element_type3A_458 : vector<1024x128xi32> to vector<1024x128xf32>
    %dot_general3A_460 = arith.constant dense<0.000000e+00> : vector<80x128xf32>
    %dot_general3A_461 = tpu.matmul %convert_element_type3A_453, %convert_element_type3A_459, %dot_general3A_460 {dimension_numbers = #tpu.dot_dimension_numbers<[0], [0], [1], [1], [0, 1, 1, 1], [], []>, transpose_lhs_hint = false} : vector<1024x80xf32>, vector<1024x128xf32>, vector<80x128xf32> -> vector<80x128xf32>
    %add3A_462 = arith.addf %add3A_440, %dot_general3A_461 : vector<80x128xf32>
    %slice3A_463 = vector.extract_strided_slice %reshape3A {offsets = [0, 21], sizes = [1024, 1], strides = [1, 1]} : vector<1024x32xi32> to vector<1024x1xi32>
    %shift_right_logical3A_464 = arith.constant 7 : i32
    %shift_right_logical3A_465 = vector.broadcast %shift_right_logical3A_464 : i32 to vector<1024x1xi32>
    %shift_right_logical3A_466 = arith.shrui %slice3A_463, %shift_right_logical3A_465 : vector<1024x1xi32>
    %and3A_467 = arith.constant 127 : i32
    %and3A_468 = vector.broadcast %and3A_467 : i32 to vector<1024x1xi32>
    %and3A_469 = arith.andi %slice3A_463, %and3A_468 : vector<1024x1xi32>
    %iota3A_470 = tpu.iota {dimensions = array<i32: 1>} : vector<1x80xi32>
    %eq3A_471 = vector.broadcast %shift_right_logical3A_466 : vector<1024x1xi32> to vector<1024x80xi32>
    %eq3A_472 = vector.broadcast %iota3A_470 : vector<1x80xi32> to vector<1024x80xi32>
    %eq3A_473 = arith.cmpi eq, %eq3A_471, %eq3A_472 : vector<1024x80xi32>
    %convert_element_type3A_474 = arith.extui %eq3A_473 : vector<1024x80xi1> to vector<1024x80xi32>
    %convert_element_type3A_475 = arith.sitofp %convert_element_type3A_474 : vector<1024x80xi32> to vector<1024x80xf32>
    %iota3A_476 = tpu.iota {dimensions = array<i32: 1>} : vector<1x128xi32>
    %eq3A_477 = vector.broadcast %and3A_469 : vector<1024x1xi32> to vector<1024x128xi32>
    %eq3A_478 = vector.broadcast %iota3A_476 : vector<1x128xi32> to vector<1024x128xi32>
    %eq3A_479 = arith.cmpi eq, %eq3A_477, %eq3A_478 : vector<1024x128xi32>
    %convert_element_type3A_480 = arith.extui %eq3A_479 : vector<1024x128xi1> to vector<1024x128xi32>
    %convert_element_type3A_481 = arith.sitofp %convert_element_type3A_480 : vector<1024x128xi32> to vector<1024x128xf32>
    %dot_general3A_482 = arith.constant dense<0.000000e+00> : vector<80x128xf32>
    %dot_general3A_483 = tpu.matmul %convert_element_type3A_475, %convert_element_type3A_481, %dot_general3A_482 {dimension_numbers = #tpu.dot_dimension_numbers<[0], [0], [1], [1], [0, 1, 1, 1], [], []>, transpose_lhs_hint = false} : vector<1024x80xf32>, vector<1024x128xf32>, vector<80x128xf32> -> vector<80x128xf32>
    %add3A_484 = arith.addf %add3A_462, %dot_general3A_483 : vector<80x128xf32>
    %slice3A_485 = vector.extract_strided_slice %reshape3A {offsets = [0, 22], sizes = [1024, 1], strides = [1, 1]} : vector<1024x32xi32> to vector<1024x1xi32>
    %shift_right_logical3A_486 = arith.constant 7 : i32
    %shift_right_logical3A_487 = vector.broadcast %shift_right_logical3A_486 : i32 to vector<1024x1xi32>
    %shift_right_logical3A_488 = arith.shrui %slice3A_485, %shift_right_logical3A_487 : vector<1024x1xi32>
    %and3A_489 = arith.constant 127 : i32
    %and3A_490 = vector.broadcast %and3A_489 : i32 to vector<1024x1xi32>
    %and3A_491 = arith.andi %slice3A_485, %and3A_490 : vector<1024x1xi32>
    %iota3A_492 = tpu.iota {dimensions = array<i32: 1>} : vector<1x80xi32>
    %eq3A_493 = vector.broadcast %shift_right_logical3A_488 : vector<1024x1xi32> to vector<1024x80xi32>
    %eq3A_494 = vector.broadcast %iota3A_492 : vector<1x80xi32> to vector<1024x80xi32>
    %eq3A_495 = arith.cmpi eq, %eq3A_493, %eq3A_494 : vector<1024x80xi32>
    %convert_element_type3A_496 = arith.extui %eq3A_495 : vector<1024x80xi1> to vector<1024x80xi32>
    %convert_element_type3A_497 = arith.sitofp %convert_element_type3A_496 : vector<1024x80xi32> to vector<1024x80xf32>
    %iota3A_498 = tpu.iota {dimensions = array<i32: 1>} : vector<1x128xi32>
    %eq3A_499 = vector.broadcast %and3A_491 : vector<1024x1xi32> to vector<1024x128xi32>
    %eq3A_500 = vector.broadcast %iota3A_498 : vector<1x128xi32> to vector<1024x128xi32>
    %eq3A_501 = arith.cmpi eq, %eq3A_499, %eq3A_500 : vector<1024x128xi32>
    %convert_element_type3A_502 = arith.extui %eq3A_501 : vector<1024x128xi1> to vector<1024x128xi32>
    %convert_element_type3A_503 = arith.sitofp %convert_element_type3A_502 : vector<1024x128xi32> to vector<1024x128xf32>
    %dot_general3A_504 = arith.constant dense<0.000000e+00> : vector<80x128xf32>
    %dot_general3A_505 = tpu.matmul %convert_element_type3A_497, %convert_element_type3A_503, %dot_general3A_504 {dimension_numbers = #tpu.dot_dimension_numbers<[0], [0], [1], [1], [0, 1, 1, 1], [], []>, transpose_lhs_hint = false} : vector<1024x80xf32>, vector<1024x128xf32>, vector<80x128xf32> -> vector<80x128xf32>
    %add3A_506 = arith.addf %add3A_484, %dot_general3A_505 : vector<80x128xf32>
    %slice3A_507 = vector.extract_strided_slice %reshape3A {offsets = [0, 23], sizes = [1024, 1], strides = [1, 1]} : vector<1024x32xi32> to vector<1024x1xi32>
    %shift_right_logical3A_508 = arith.constant 7 : i32
    %shift_right_logical3A_509 = vector.broadcast %shift_right_logical3A_508 : i32 to vector<1024x1xi32>
    %shift_right_logical3A_510 = arith.shrui %slice3A_507, %shift_right_logical3A_509 : vector<1024x1xi32>
    %and3A_511 = arith.constant 127 : i32
    %and3A_512 = vector.broadcast %and3A_511 : i32 to vector<1024x1xi32>
    %and3A_513 = arith.andi %slice3A_507, %and3A_512 : vector<1024x1xi32>
    %iota3A_514 = tpu.iota {dimensions = array<i32: 1>} : vector<1x80xi32>
    %eq3A_515 = vector.broadcast %shift_right_logical3A_510 : vector<1024x1xi32> to vector<1024x80xi32>
    %eq3A_516 = vector.broadcast %iota3A_514 : vector<1x80xi32> to vector<1024x80xi32>
    %eq3A_517 = arith.cmpi eq, %eq3A_515, %eq3A_516 : vector<1024x80xi32>
    %convert_element_type3A_518 = arith.extui %eq3A_517 : vector<1024x80xi1> to vector<1024x80xi32>
    %convert_element_type3A_519 = arith.sitofp %convert_element_type3A_518 : vector<1024x80xi32> to vector<1024x80xf32>
    %iota3A_520 = tpu.iota {dimensions = array<i32: 1>} : vector<1x128xi32>
    %eq3A_521 = vector.broadcast %and3A_513 : vector<1024x1xi32> to vector<1024x128xi32>
    %eq3A_522 = vector.broadcast %iota3A_520 : vector<1x128xi32> to vector<1024x128xi32>
    %eq3A_523 = arith.cmpi eq, %eq3A_521, %eq3A_522 : vector<1024x128xi32>
    %convert_element_type3A_524 = arith.extui %eq3A_523 : vector<1024x128xi1> to vector<1024x128xi32>
    %convert_element_type3A_525 = arith.sitofp %convert_element_type3A_524 : vector<1024x128xi32> to vector<1024x128xf32>
    %dot_general3A_526 = arith.constant dense<0.000000e+00> : vector<80x128xf32>
    %dot_general3A_527 = tpu.matmul %convert_element_type3A_519, %convert_element_type3A_525, %dot_general3A_526 {dimension_numbers = #tpu.dot_dimension_numbers<[0], [0], [1], [1], [0, 1, 1, 1], [], []>, transpose_lhs_hint = false} : vector<1024x80xf32>, vector<1024x128xf32>, vector<80x128xf32> -> vector<80x128xf32>
    %add3A_528 = arith.addf %add3A_506, %dot_general3A_527 : vector<80x128xf32>
    %slice3A_529 = vector.extract_strided_slice %reshape3A {offsets = [0, 24], sizes = [1024, 1], strides = [1, 1]} : vector<1024x32xi32> to vector<1024x1xi32>
    %shift_right_logical3A_530 = arith.constant 7 : i32
    %shift_right_logical3A_531 = vector.broadcast %shift_right_logical3A_530 : i32 to vector<1024x1xi32>
    %shift_right_logical3A_532 = arith.shrui %slice3A_529, %shift_right_logical3A_531 : vector<1024x1xi32>
    %and3A_533 = arith.constant 127 : i32
    %and3A_534 = vector.broadcast %and3A_533 : i32 to vector<1024x1xi32>
    %and3A_535 = arith.andi %slice3A_529, %and3A_534 : vector<1024x1xi32>
    %iota3A_536 = tpu.iota {dimensions = array<i32: 1>} : vector<1x80xi32>
    %eq3A_537 = vector.broadcast %shift_right_logical3A_532 : vector<1024x1xi32> to vector<1024x80xi32>
    %eq3A_538 = vector.broadcast %iota3A_536 : vector<1x80xi32> to vector<1024x80xi32>
    %eq3A_539 = arith.cmpi eq, %eq3A_537, %eq3A_538 : vector<1024x80xi32>
    %convert_element_type3A_540 = arith.extui %eq3A_539 : vector<1024x80xi1> to vector<1024x80xi32>
    %convert_element_type3A_541 = arith.sitofp %convert_element_type3A_540 : vector<1024x80xi32> to vector<1024x80xf32>
    %iota3A_542 = tpu.iota {dimensions = array<i32: 1>} : vector<1x128xi32>
    %eq3A_543 = vector.broadcast %and3A_535 : vector<1024x1xi32> to vector<1024x128xi32>
    %eq3A_544 = vector.broadcast %iota3A_542 : vector<1x128xi32> to vector<1024x128xi32>
    %eq3A_545 = arith.cmpi eq, %eq3A_543, %eq3A_544 : vector<1024x128xi32>
    %convert_element_type3A_546 = arith.extui %eq3A_545 : vector<1024x128xi1> to vector<1024x128xi32>
    %convert_element_type3A_547 = arith.sitofp %convert_element_type3A_546 : vector<1024x128xi32> to vector<1024x128xf32>
    %dot_general3A_548 = arith.constant dense<0.000000e+00> : vector<80x128xf32>
    %dot_general3A_549 = tpu.matmul %convert_element_type3A_541, %convert_element_type3A_547, %dot_general3A_548 {dimension_numbers = #tpu.dot_dimension_numbers<[0], [0], [1], [1], [0, 1, 1, 1], [], []>, transpose_lhs_hint = false} : vector<1024x80xf32>, vector<1024x128xf32>, vector<80x128xf32> -> vector<80x128xf32>
    %add3A_550 = arith.addf %add3A_528, %dot_general3A_549 : vector<80x128xf32>
    %slice3A_551 = vector.extract_strided_slice %reshape3A {offsets = [0, 25], sizes = [1024, 1], strides = [1, 1]} : vector<1024x32xi32> to vector<1024x1xi32>
    %shift_right_logical3A_552 = arith.constant 7 : i32
    %shift_right_logical3A_553 = vector.broadcast %shift_right_logical3A_552 : i32 to vector<1024x1xi32>
    %shift_right_logical3A_554 = arith.shrui %slice3A_551, %shift_right_logical3A_553 : vector<1024x1xi32>
    %and3A_555 = arith.constant 127 : i32
    %and3A_556 = vector.broadcast %and3A_555 : i32 to vector<1024x1xi32>
    %and3A_557 = arith.andi %slice3A_551, %and3A_556 : vector<1024x1xi32>
    %iota3A_558 = tpu.iota {dimensions = array<i32: 1>} : vector<1x80xi32>
    %eq3A_559 = vector.broadcast %shift_right_logical3A_554 : vector<1024x1xi32> to vector<1024x80xi32>
    %eq3A_560 = vector.broadcast %iota3A_558 : vector<1x80xi32> to vector<1024x80xi32>
    %eq3A_561 = arith.cmpi eq, %eq3A_559, %eq3A_560 : vector<1024x80xi32>
    %convert_element_type3A_562 = arith.extui %eq3A_561 : vector<1024x80xi1> to vector<1024x80xi32>
    %convert_element_type3A_563 = arith.sitofp %convert_element_type3A_562 : vector<1024x80xi32> to vector<1024x80xf32>
    %iota3A_564 = tpu.iota {dimensions = array<i32: 1>} : vector<1x128xi32>
    %eq3A_565 = vector.broadcast %and3A_557 : vector<1024x1xi32> to vector<1024x128xi32>
    %eq3A_566 = vector.broadcast %iota3A_564 : vector<1x128xi32> to vector<1024x128xi32>
    %eq3A_567 = arith.cmpi eq, %eq3A_565, %eq3A_566 : vector<1024x128xi32>
    %convert_element_type3A_568 = arith.extui %eq3A_567 : vector<1024x128xi1> to vector<1024x128xi32>
    %convert_element_type3A_569 = arith.sitofp %convert_element_type3A_568 : vector<1024x128xi32> to vector<1024x128xf32>
    %dot_general3A_570 = arith.constant dense<0.000000e+00> : vector<80x128xf32>
    %dot_general3A_571 = tpu.matmul %convert_element_type3A_563, %convert_element_type3A_569, %dot_general3A_570 {dimension_numbers = #tpu.dot_dimension_numbers<[0], [0], [1], [1], [0, 1, 1, 1], [], []>, transpose_lhs_hint = false} : vector<1024x80xf32>, vector<1024x128xf32>, vector<80x128xf32> -> vector<80x128xf32>
    %add3A_572 = arith.addf %add3A_550, %dot_general3A_571 : vector<80x128xf32>
    %slice3A_573 = vector.extract_strided_slice %reshape3A {offsets = [0, 26], sizes = [1024, 1], strides = [1, 1]} : vector<1024x32xi32> to vector<1024x1xi32>
    %shift_right_logical3A_574 = arith.constant 7 : i32
    %shift_right_logical3A_575 = vector.broadcast %shift_right_logical3A_574 : i32 to vector<1024x1xi32>
    %shift_right_logical3A_576 = arith.shrui %slice3A_573, %shift_right_logical3A_575 : vector<1024x1xi32>
    %and3A_577 = arith.constant 127 : i32
    %and3A_578 = vector.broadcast %and3A_577 : i32 to vector<1024x1xi32>
    %and3A_579 = arith.andi %slice3A_573, %and3A_578 : vector<1024x1xi32>
    %iota3A_580 = tpu.iota {dimensions = array<i32: 1>} : vector<1x80xi32>
    %eq3A_581 = vector.broadcast %shift_right_logical3A_576 : vector<1024x1xi32> to vector<1024x80xi32>
    %eq3A_582 = vector.broadcast %iota3A_580 : vector<1x80xi32> to vector<1024x80xi32>
    %eq3A_583 = arith.cmpi eq, %eq3A_581, %eq3A_582 : vector<1024x80xi32>
    %convert_element_type3A_584 = arith.extui %eq3A_583 : vector<1024x80xi1> to vector<1024x80xi32>
    %convert_element_type3A_585 = arith.sitofp %convert_element_type3A_584 : vector<1024x80xi32> to vector<1024x80xf32>
    %iota3A_586 = tpu.iota {dimensions = array<i32: 1>} : vector<1x128xi32>
    %eq3A_587 = vector.broadcast %and3A_579 : vector<1024x1xi32> to vector<1024x128xi32>
    %eq3A_588 = vector.broadcast %iota3A_586 : vector<1x128xi32> to vector<1024x128xi32>
    %eq3A_589 = arith.cmpi eq, %eq3A_587, %eq3A_588 : vector<1024x128xi32>
    %convert_element_type3A_590 = arith.extui %eq3A_589 : vector<1024x128xi1> to vector<1024x128xi32>
    %convert_element_type3A_591 = arith.sitofp %convert_element_type3A_590 : vector<1024x128xi32> to vector<1024x128xf32>
    %dot_general3A_592 = arith.constant dense<0.000000e+00> : vector<80x128xf32>
    %dot_general3A_593 = tpu.matmul %convert_element_type3A_585, %convert_element_type3A_591, %dot_general3A_592 {dimension_numbers = #tpu.dot_dimension_numbers<[0], [0], [1], [1], [0, 1, 1, 1], [], []>, transpose_lhs_hint = false} : vector<1024x80xf32>, vector<1024x128xf32>, vector<80x128xf32> -> vector<80x128xf32>
    %add3A_594 = arith.addf %add3A_572, %dot_general3A_593 : vector<80x128xf32>
    %slice3A_595 = vector.extract_strided_slice %reshape3A {offsets = [0, 27], sizes = [1024, 1], strides = [1, 1]} : vector<1024x32xi32> to vector<1024x1xi32>
    %shift_right_logical3A_596 = arith.constant 7 : i32
    %shift_right_logical3A_597 = vector.broadcast %shift_right_logical3A_596 : i32 to vector<1024x1xi32>
    %shift_right_logical3A_598 = arith.shrui %slice3A_595, %shift_right_logical3A_597 : vector<1024x1xi32>
    %and3A_599 = arith.constant 127 : i32
    %and3A_600 = vector.broadcast %and3A_599 : i32 to vector<1024x1xi32>
    %and3A_601 = arith.andi %slice3A_595, %and3A_600 : vector<1024x1xi32>
    %iota3A_602 = tpu.iota {dimensions = array<i32: 1>} : vector<1x80xi32>
    %eq3A_603 = vector.broadcast %shift_right_logical3A_598 : vector<1024x1xi32> to vector<1024x80xi32>
    %eq3A_604 = vector.broadcast %iota3A_602 : vector<1x80xi32> to vector<1024x80xi32>
    %eq3A_605 = arith.cmpi eq, %eq3A_603, %eq3A_604 : vector<1024x80xi32>
    %convert_element_type3A_606 = arith.extui %eq3A_605 : vector<1024x80xi1> to vector<1024x80xi32>
    %convert_element_type3A_607 = arith.sitofp %convert_element_type3A_606 : vector<1024x80xi32> to vector<1024x80xf32>
    %iota3A_608 = tpu.iota {dimensions = array<i32: 1>} : vector<1x128xi32>
    %eq3A_609 = vector.broadcast %and3A_601 : vector<1024x1xi32> to vector<1024x128xi32>
    %eq3A_610 = vector.broadcast %iota3A_608 : vector<1x128xi32> to vector<1024x128xi32>
    %eq3A_611 = arith.cmpi eq, %eq3A_609, %eq3A_610 : vector<1024x128xi32>
    %convert_element_type3A_612 = arith.extui %eq3A_611 : vector<1024x128xi1> to vector<1024x128xi32>
    %convert_element_type3A_613 = arith.sitofp %convert_element_type3A_612 : vector<1024x128xi32> to vector<1024x128xf32>
    %dot_general3A_614 = arith.constant dense<0.000000e+00> : vector<80x128xf32>
    %dot_general3A_615 = tpu.matmul %convert_element_type3A_607, %convert_element_type3A_613, %dot_general3A_614 {dimension_numbers = #tpu.dot_dimension_numbers<[0], [0], [1], [1], [0, 1, 1, 1], [], []>, transpose_lhs_hint = false} : vector<1024x80xf32>, vector<1024x128xf32>, vector<80x128xf32> -> vector<80x128xf32>
    %add3A_616 = arith.addf %add3A_594, %dot_general3A_615 : vector<80x128xf32>
    %slice3A_617 = vector.extract_strided_slice %reshape3A {offsets = [0, 28], sizes = [1024, 1], strides = [1, 1]} : vector<1024x32xi32> to vector<1024x1xi32>
    %shift_right_logical3A_618 = arith.constant 7 : i32
    %shift_right_logical3A_619 = vector.broadcast %shift_right_logical3A_618 : i32 to vector<1024x1xi32>
    %shift_right_logical3A_620 = arith.shrui %slice3A_617, %shift_right_logical3A_619 : vector<1024x1xi32>
    %and3A_621 = arith.constant 127 : i32
    %and3A_622 = vector.broadcast %and3A_621 : i32 to vector<1024x1xi32>
    %and3A_623 = arith.andi %slice3A_617, %and3A_622 : vector<1024x1xi32>
    %iota3A_624 = tpu.iota {dimensions = array<i32: 1>} : vector<1x80xi32>
    %eq3A_625 = vector.broadcast %shift_right_logical3A_620 : vector<1024x1xi32> to vector<1024x80xi32>
    %eq3A_626 = vector.broadcast %iota3A_624 : vector<1x80xi32> to vector<1024x80xi32>
    %eq3A_627 = arith.cmpi eq, %eq3A_625, %eq3A_626 : vector<1024x80xi32>
    %convert_element_type3A_628 = arith.extui %eq3A_627 : vector<1024x80xi1> to vector<1024x80xi32>
    %convert_element_type3A_629 = arith.sitofp %convert_element_type3A_628 : vector<1024x80xi32> to vector<1024x80xf32>
    %iota3A_630 = tpu.iota {dimensions = array<i32: 1>} : vector<1x128xi32>
    %eq3A_631 = vector.broadcast %and3A_623 : vector<1024x1xi32> to vector<1024x128xi32>
    %eq3A_632 = vector.broadcast %iota3A_630 : vector<1x128xi32> to vector<1024x128xi32>
    %eq3A_633 = arith.cmpi eq, %eq3A_631, %eq3A_632 : vector<1024x128xi32>
    %convert_element_type3A_634 = arith.extui %eq3A_633 : vector<1024x128xi1> to vector<1024x128xi32>
    %convert_element_type3A_635 = arith.sitofp %convert_element_type3A_634 : vector<1024x128xi32> to vector<1024x128xf32>
    %dot_general3A_636 = arith.constant dense<0.000000e+00> : vector<80x128xf32>
    %dot_general3A_637 = tpu.matmul %convert_element_type3A_629, %convert_element_type3A_635, %dot_general3A_636 {dimension_numbers = #tpu.dot_dimension_numbers<[0], [0], [1], [1], [0, 1, 1, 1], [], []>, transpose_lhs_hint = false} : vector<1024x80xf32>, vector<1024x128xf32>, vector<80x128xf32> -> vector<80x128xf32>
    %add3A_638 = arith.addf %add3A_616, %dot_general3A_637 : vector<80x128xf32>
    %slice3A_639 = vector.extract_strided_slice %reshape3A {offsets = [0, 29], sizes = [1024, 1], strides = [1, 1]} : vector<1024x32xi32> to vector<1024x1xi32>
    %shift_right_logical3A_640 = arith.constant 7 : i32
    %shift_right_logical3A_641 = vector.broadcast %shift_right_logical3A_640 : i32 to vector<1024x1xi32>
    %shift_right_logical3A_642 = arith.shrui %slice3A_639, %shift_right_logical3A_641 : vector<1024x1xi32>
    %and3A_643 = arith.constant 127 : i32
    %and3A_644 = vector.broadcast %and3A_643 : i32 to vector<1024x1xi32>
    %and3A_645 = arith.andi %slice3A_639, %and3A_644 : vector<1024x1xi32>
    %iota3A_646 = tpu.iota {dimensions = array<i32: 1>} : vector<1x80xi32>
    %eq3A_647 = vector.broadcast %shift_right_logical3A_642 : vector<1024x1xi32> to vector<1024x80xi32>
    %eq3A_648 = vector.broadcast %iota3A_646 : vector<1x80xi32> to vector<1024x80xi32>
    %eq3A_649 = arith.cmpi eq, %eq3A_647, %eq3A_648 : vector<1024x80xi32>
    %convert_element_type3A_650 = arith.extui %eq3A_649 : vector<1024x80xi1> to vector<1024x80xi32>
    %convert_element_type3A_651 = arith.sitofp %convert_element_type3A_650 : vector<1024x80xi32> to vector<1024x80xf32>
    %iota3A_652 = tpu.iota {dimensions = array<i32: 1>} : vector<1x128xi32>
    %eq3A_653 = vector.broadcast %and3A_645 : vector<1024x1xi32> to vector<1024x128xi32>
    %eq3A_654 = vector.broadcast %iota3A_652 : vector<1x128xi32> to vector<1024x128xi32>
    %eq3A_655 = arith.cmpi eq, %eq3A_653, %eq3A_654 : vector<1024x128xi32>
    %convert_element_type3A_656 = arith.extui %eq3A_655 : vector<1024x128xi1> to vector<1024x128xi32>
    %convert_element_type3A_657 = arith.sitofp %convert_element_type3A_656 : vector<1024x128xi32> to vector<1024x128xf32>
    %dot_general3A_658 = arith.constant dense<0.000000e+00> : vector<80x128xf32>
    %dot_general3A_659 = tpu.matmul %convert_element_type3A_651, %convert_element_type3A_657, %dot_general3A_658 {dimension_numbers = #tpu.dot_dimension_numbers<[0], [0], [1], [1], [0, 1, 1, 1], [], []>, transpose_lhs_hint = false} : vector<1024x80xf32>, vector<1024x128xf32>, vector<80x128xf32> -> vector<80x128xf32>
    %add3A_660 = arith.addf %add3A_638, %dot_general3A_659 : vector<80x128xf32>
    %slice3A_661 = vector.extract_strided_slice %reshape3A {offsets = [0, 30], sizes = [1024, 1], strides = [1, 1]} : vector<1024x32xi32> to vector<1024x1xi32>
    %shift_right_logical3A_662 = arith.constant 7 : i32
    %shift_right_logical3A_663 = vector.broadcast %shift_right_logical3A_662 : i32 to vector<1024x1xi32>
    %shift_right_logical3A_664 = arith.shrui %slice3A_661, %shift_right_logical3A_663 : vector<1024x1xi32>
    %and3A_665 = arith.constant 127 : i32
    %and3A_666 = vector.broadcast %and3A_665 : i32 to vector<1024x1xi32>
    %and3A_667 = arith.andi %slice3A_661, %and3A_666 : vector<1024x1xi32>
    %iota3A_668 = tpu.iota {dimensions = array<i32: 1>} : vector<1x80xi32>
    %eq3A_669 = vector.broadcast %shift_right_logical3A_664 : vector<1024x1xi32> to vector<1024x80xi32>
    %eq3A_670 = vector.broadcast %iota3A_668 : vector<1x80xi32> to vector<1024x80xi32>
    %eq3A_671 = arith.cmpi eq, %eq3A_669, %eq3A_670 : vector<1024x80xi32>
    %convert_element_type3A_672 = arith.extui %eq3A_671 : vector<1024x80xi1> to vector<1024x80xi32>
    %convert_element_type3A_673 = arith.sitofp %convert_element_type3A_672 : vector<1024x80xi32> to vector<1024x80xf32>
    %iota3A_674 = tpu.iota {dimensions = array<i32: 1>} : vector<1x128xi32>
    %eq3A_675 = vector.broadcast %and3A_667 : vector<1024x1xi32> to vector<1024x128xi32>
    %eq3A_676 = vector.broadcast %iota3A_674 : vector<1x128xi32> to vector<1024x128xi32>
    %eq3A_677 = arith.cmpi eq, %eq3A_675, %eq3A_676 : vector<1024x128xi32>
    %convert_element_type3A_678 = arith.extui %eq3A_677 : vector<1024x128xi1> to vector<1024x128xi32>
    %convert_element_type3A_679 = arith.sitofp %convert_element_type3A_678 : vector<1024x128xi32> to vector<1024x128xf32>
    %dot_general3A_680 = arith.constant dense<0.000000e+00> : vector<80x128xf32>
    %dot_general3A_681 = tpu.matmul %convert_element_type3A_673, %convert_element_type3A_679, %dot_general3A_680 {dimension_numbers = #tpu.dot_dimension_numbers<[0], [0], [1], [1], [0, 1, 1, 1], [], []>, transpose_lhs_hint = false} : vector<1024x80xf32>, vector<1024x128xf32>, vector<80x128xf32> -> vector<80x128xf32>
    %add3A_682 = arith.addf %add3A_660, %dot_general3A_681 : vector<80x128xf32>
    %slice3A_683 = vector.extract_strided_slice %reshape3A {offsets = [0, 31], sizes = [1024, 1], strides = [1, 1]} : vector<1024x32xi32> to vector<1024x1xi32>
    %shift_right_logical3A_684 = arith.constant 7 : i32
    %shift_right_logical3A_685 = vector.broadcast %shift_right_logical3A_684 : i32 to vector<1024x1xi32>
    %shift_right_logical3A_686 = arith.shrui %slice3A_683, %shift_right_logical3A_685 : vector<1024x1xi32>
    %and3A_687 = arith.constant 127 : i32
    %and3A_688 = vector.broadcast %and3A_687 : i32 to vector<1024x1xi32>
    %and3A_689 = arith.andi %slice3A_683, %and3A_688 : vector<1024x1xi32>
    %iota3A_690 = tpu.iota {dimensions = array<i32: 1>} : vector<1x80xi32>
    %eq3A_691 = vector.broadcast %shift_right_logical3A_686 : vector<1024x1xi32> to vector<1024x80xi32>
    %eq3A_692 = vector.broadcast %iota3A_690 : vector<1x80xi32> to vector<1024x80xi32>
    %eq3A_693 = arith.cmpi eq, %eq3A_691, %eq3A_692 : vector<1024x80xi32>
    %convert_element_type3A_694 = arith.extui %eq3A_693 : vector<1024x80xi1> to vector<1024x80xi32>
    %convert_element_type3A_695 = arith.sitofp %convert_element_type3A_694 : vector<1024x80xi32> to vector<1024x80xf32>
    %iota3A_696 = tpu.iota {dimensions = array<i32: 1>} : vector<1x128xi32>
    %eq3A_697 = vector.broadcast %and3A_689 : vector<1024x1xi32> to vector<1024x128xi32>
    %eq3A_698 = vector.broadcast %iota3A_696 : vector<1x128xi32> to vector<1024x128xi32>
    %eq3A_699 = arith.cmpi eq, %eq3A_697, %eq3A_698 : vector<1024x128xi32>
    %convert_element_type3A_700 = arith.extui %eq3A_699 : vector<1024x128xi1> to vector<1024x128xi32>
    %convert_element_type3A_701 = arith.sitofp %convert_element_type3A_700 : vector<1024x128xi32> to vector<1024x128xf32>
    %dot_general3A_702 = arith.constant dense<0.000000e+00> : vector<80x128xf32>
    %dot_general3A_703 = tpu.matmul %convert_element_type3A_695, %convert_element_type3A_701, %dot_general3A_702 {dimension_numbers = #tpu.dot_dimension_numbers<[0], [0], [1], [1], [0, 1, 1, 1], [], []>, transpose_lhs_hint = false} : vector<1024x80xf32>, vector<1024x128xf32>, vector<80x128xf32> -> vector<80x128xf32>
    %add3A_704 = arith.addf %add3A_682, %dot_general3A_703 : vector<80x128xf32>
    %get3A_705 = arith.constant 0 : index
    %get3A_706 = arith.constant 0 : index
    %get3A_707 = arith.constant 0 : index
    %get3A_708 = vector.load %arg3[%get3A_705, %get3A_706, %get3A_707] : memref<1x80x128xf32, #tpu.memory_space<vmem>>, vector<1x80x128xf32>
    %broadcast_in_dim3A_709 = vector.shape_cast %add3A_704 : vector<80x128xf32> to vector<1x80x128xf32>
    %add3A_710 = arith.addf %get3A_708, %broadcast_in_dim3A_709 : vector<1x80x128xf32>
    %swap3A = arith.constant 0 : index
    %swap3A_711 = arith.constant 0 : index
    %swap3A_712 = arith.constant 0 : index
    %swap3A_713 = vector.load %arg3[%swap3A, %swap3A_711, %swap3A_712] : memref<1x80x128xf32, #tpu.memory_space<vmem>>, vector<1x80x128xf32>
    tpu.vector_store %arg3[%swap3A, %swap3A_711, %swap3A_712], %add3A_710 {strides = array<i32>} : memref<1x80x128xf32, #tpu.memory_space<vmem>>, vector<1x80x128xf32>,
    return
  }
  func.func @transform_0(%arg0: i32, %arg1: i32) -> (i32, i32, i32, i32) {
    %c0_i32 = arith.constant 0 : i32
    %c0_i32_0 = arith.constant 0 : i32
    %c0_i32_1 = arith.constant 0 : i32
    return %arg0, %arg1, %c0_i32, %c0_i32_0 : i32, i32, i32, i32
  }
  func.func @transform_1(%arg0: i32, %arg1: i32) -> (i32, i32, i32) {
    %c0_i32 = arith.constant 0 : i32
    %c0_i32_0 = arith.constant 0 : i32
    %c0_i32_1 = arith.constant 0 : i32
    return %arg0, %c0_i32, %c0_i32_0 : i32, i32, i32
  }
}

module attributes {stable_mosaic.version = 14 : i64} {
  func.func @_tc_body(%arg0: i32, %arg1: memref<2x5120x128xf32, #tpu.memory_space<vmem>>, %arg2: memref<2x40x128xf32, #tpu.memory_space<vmem>>, %arg3: memref<128x128xf32, #tpu.memory_space<vmem>>, %arg4: memref<128x128xf32, #tpu.memory_space<vmem>>, %arg5: memref<1x128xf32, #tpu.memory_space<vmem>>, %arg6: memref<1x128xf32, #tpu.memory_space<vmem>>, %arg7: memref<5120x128xf32, #tpu.memory_space<vmem>>) attributes {dimension_semantics = [#tpu.dimension_semantics<arbitrary>], iteration_bounds = array<i64: 2>, scalar_prefetch = 0 : i64, scratch_operands = 0 : i64, tpu.core_type = #tpu.core_type<tc>, window_params = [{transform_indices = @transform_0, window_bounds = array<i64: 2, 5120, 128>}, {transform_indices = @transform_1, window_bounds = array<i64: 2, 40, 128>}, {pipeline_mode = #tpu.pipeline_mode<synchronous>, transform_indices = @transform_2, window_bounds = array<i64: 128, 128>}, {pipeline_mode = #tpu.pipeline_mode<synchronous>, transform_indices = @transform_3, window_bounds = array<i64: 128, 128>}, {pipeline_mode = #tpu.pipeline_mode<synchronous>, transform_indices = @transform_4, window_bounds = array<i64: 1, 128>}, {pipeline_mode = #tpu.pipeline_mode<synchronous>, transform_indices = @transform_5, window_bounds = array<i64: 1, 128>}, {transform_indices = @transform_6, window_bounds = array<i64: 5120, 128>}]} {
    %get3A = arith.constant 0 : index
    %get3A_0 = arith.constant 0 : index
    %get3A_1 = arith.constant 0 : index
    %get3A_2 = vector.load %arg1[%get3A, %get3A_0, %get3A_1] : memref<2x5120x128xf32, #tpu.memory_space<vmem>>, vector<2x5120x128xf32>
    %get3A_3 = arith.constant 0 : index
    %get3A_4 = arith.constant 0 : index
    %get3A_5 = arith.constant 0 : index
    %get3A_6 = vector.load %arg2[%get3A_3, %get3A_4, %get3A_5] : memref<2x40x128xf32, #tpu.memory_space<vmem>>, vector<2x40x128xf32>
    %slice3A = vector.extract_strided_slice %get3A_2 {offsets = [0, 0, 0], sizes = [1, 5120, 128], strides = [1, 1, 1]} : vector<2x5120x128xf32> to vector<1x5120x128xf32>
    %squeeze3A = vector.shape_cast %slice3A : vector<1x5120x128xf32> to vector<5120x128xf32>
    %slice3A_7 = vector.extract_strided_slice %get3A_6 {offsets = [0, 0, 0], sizes = [1, 40, 128], strides = [1, 1, 1]} : vector<2x40x128xf32> to vector<1x40x128xf32>
    %squeeze3A_8 = vector.shape_cast %slice3A_7 : vector<1x40x128xf32> to vector<40x128xf32>
    %reshape3A = vector.shape_cast %squeeze3A : vector<5120x128xf32> to vector<40x128x128xf32>
    %max3A = arith.constant 1.000000e+00 : f32
    %max3A_9 = vector.broadcast %max3A : f32 to vector<40x128xf32>
    %max3A_10 = arith.maximumf %squeeze3A_8, %max3A_9 : vector<40x128xf32>
    %broadcast_in_dim3A = vector.shape_cast %max3A_10 : vector<40x128xf32> to vector<40x128x1xf32>
    %div3A = vector.broadcast %broadcast_in_dim3A : vector<40x128x1xf32> to vector<40x128x128xf32>
    %div3A_11 = arith.divf %reshape3A, %div3A : vector<40x128x128xf32>
    %reshape3A_12 = vector.shape_cast %div3A_11 : vector<40x128x128xf32> to vector<5120x128xf32>
    %slice3A_13 = vector.extract_strided_slice %get3A_2 {offsets = [1, 0, 0], sizes = [1, 5120, 128], strides = [1, 1, 1]} : vector<2x5120x128xf32> to vector<1x5120x128xf32>
    %squeeze3A_14 = vector.shape_cast %slice3A_13 : vector<1x5120x128xf32> to vector<5120x128xf32>
    %slice3A_15 = vector.extract_strided_slice %get3A_6 {offsets = [1, 0, 0], sizes = [1, 40, 128], strides = [1, 1, 1]} : vector<2x40x128xf32> to vector<1x40x128xf32>
    %squeeze3A_16 = vector.shape_cast %slice3A_15 : vector<1x40x128xf32> to vector<40x128xf32>
    %reshape3A_17 = vector.shape_cast %squeeze3A_14 : vector<5120x128xf32> to vector<40x128x128xf32>
    %max3A_18 = arith.constant 1.000000e+00 : f32
    %max3A_19 = vector.broadcast %max3A_18 : f32 to vector<40x128xf32>
    %max3A_20 = arith.maximumf %squeeze3A_16, %max3A_19 : vector<40x128xf32>
    %broadcast_in_dim3A_21 = vector.shape_cast %max3A_20 : vector<40x128xf32> to vector<40x128x1xf32>
    %div3A_22 = vector.broadcast %broadcast_in_dim3A_21 : vector<40x128x1xf32> to vector<40x128x128xf32>
    %div3A_23 = arith.divf %reshape3A_17, %div3A_22 : vector<40x128x128xf32>
    %reshape3A_24 = vector.shape_cast %div3A_23 : vector<40x128x128xf32> to vector<5120x128xf32>
    %get3A_25 = arith.constant 0 : index
    %get3A_26 = arith.constant 0 : index
    %get3A_27 = vector.load %arg3[%get3A_25, %get3A_26] : memref<128x128xf32, #tpu.memory_space<vmem>>, vector<128x128xf32>
    %dot_general3A = arith.constant dense<0.000000e+00> : vector<5120x128xf32>
    %dot_general3A_28 = tpu.matmul %reshape3A_12, %get3A_27, %dot_general3A {dimension_numbers = #tpu.dot_dimension_numbers<[1], [0], [0], [1], [0, 0, 1, 1], [], []>, transpose_lhs_hint = false} : vector<5120x128xf32>, vector<128x128xf32>, vector<5120x128xf32> -> vector<5120x128xf32>
    %get3A_29 = arith.constant 0 : index
    %get3A_30 = arith.constant 0 : index
    %get3A_31 = vector.load %arg4[%get3A_29, %get3A_30] : memref<128x128xf32, #tpu.memory_space<vmem>>, vector<128x128xf32>
    %dot_general3A_32 = arith.constant dense<0.000000e+00> : vector<5120x128xf32>
    %dot_general3A_33 = tpu.matmul %reshape3A_24, %get3A_31, %dot_general3A_32 {dimension_numbers = #tpu.dot_dimension_numbers<[1], [0], [0], [1], [0, 0, 1, 1], [], []>, transpose_lhs_hint = false} : vector<5120x128xf32>, vector<128x128xf32>, vector<5120x128xf32> -> vector<5120x128xf32>
    %add3A = arith.addf %dot_general3A_28, %dot_general3A_33 : vector<5120x128xf32>
    %get3A_34 = arith.constant 0 : index
    %get3A_35 = arith.constant 0 : index
    %get3A_36 = vector.load %arg5[%get3A_34, %get3A_35] : memref<1x128xf32, #tpu.memory_space<vmem>>, vector<1x128xf32>
    %add3A_37 = vector.broadcast %get3A_36 : vector<1x128xf32> to vector<5120x128xf32>
    %add3A_38 = arith.addf %add3A, %add3A_37 : vector<5120x128xf32>
    %get3A_39 = arith.constant 0 : index
    %get3A_40 = arith.constant 0 : index
    %get3A_41 = vector.load %arg6[%get3A_39, %get3A_40] : memref<1x128xf32, #tpu.memory_space<vmem>>, vector<1x128xf32>
    %add3A_42 = vector.broadcast %get3A_41 : vector<1x128xf32> to vector<5120x128xf32>
    %add3A_43 = arith.addf %add3A_38, %add3A_42 : vector<5120x128xf32>
    %swap3A = arith.constant 0 : index
    %swap3A_44 = arith.constant 0 : index
    %swap3A_45 = vector.load %arg7[%swap3A, %swap3A_44] : memref<5120x128xf32, #tpu.memory_space<vmem>>, vector<5120x128xf32>
    tpu.vector_store %arg7[%swap3A, %swap3A_44], %add3A_43 {strides = array<i32>} : memref<5120x128xf32, #tpu.memory_space<vmem>>, vector<5120x128xf32>,
    return
  }
  func.func @transform_0(%arg0: i32) -> (i32, i32, i32) {
    %c0_i32 = arith.constant 0 : i32
    %c0_i32_0 = arith.constant 0 : i32
    %c0_i32_1 = arith.constant 0 : i32
    return %c0_i32, %arg0, %c0_i32_0 : i32, i32, i32
  }
  func.func @transform_1(%arg0: i32) -> (i32, i32, i32) {
    %c0_i32 = arith.constant 0 : i32
    %c0_i32_0 = arith.constant 0 : i32
    %c0_i32_1 = arith.constant 0 : i32
    return %c0_i32, %arg0, %c0_i32_0 : i32, i32, i32
  }
  func.func @transform_2(%arg0: i32) -> (i32, i32) {
    %c0_i32 = arith.constant 0 : i32
    %c0_i32_0 = arith.constant 0 : i32
    %c0_i32_1 = arith.constant 0 : i32
    return %c0_i32, %c0_i32_0 : i32, i32
  }
  func.func @transform_3(%arg0: i32) -> (i32, i32) {
    %c0_i32 = arith.constant 0 : i32
    %c0_i32_0 = arith.constant 0 : i32
    %c0_i32_1 = arith.constant 0 : i32
    return %c0_i32, %c0_i32_0 : i32, i32
  }
  func.func @transform_4(%arg0: i32) -> (i32, i32) {
    %c0_i32 = arith.constant 0 : i32
    %c0_i32_0 = arith.constant 0 : i32
    %c0_i32_1 = arith.constant 0 : i32
    return %c0_i32, %c0_i32_0 : i32, i32
  }
  func.func @transform_5(%arg0: i32) -> (i32, i32) {
    %c0_i32 = arith.constant 0 : i32
    %c0_i32_0 = arith.constant 0 : i32
    %c0_i32_1 = arith.constant 0 : i32
    return %c0_i32, %c0_i32_0 : i32, i32
  }
  func.func @transform_6(%arg0: i32) -> (i32, i32) {
    %c0_i32 = arith.constant 0 : i32
    %c0_i32_0 = arith.constant 0 : i32
    return %arg0, %c0_i32 : i32, i32
  }
}

</mosaic_0001>

<sc_bundles>
// kernel: kernel.5.cloned.1.call-start
scs
__scs_entry_jumppad:
0x0: {  	(pc) =	sbr.rel $0x88, $3  }
0x1: {  	(tag) =	ssettag $0x0;
	lr =	simm.s32 $0x1  }
0x2: {  	[smem:$0x3F9A] =	sst lr;
	_ =	strace $0xD0000000  }
0x3: {  	_ = 	snop  }
0x4: {  	_ = 	snop  }
0x5: {  	_ = 	snop  }
0x6: {  	_ = 	snop  }
0x7: {  	_ = 	snop  }
__scs_overlays_trampoline_lowered:
0x8: {  	[smem:$0x3FA9] =	sst s0  }
0x9: {  	[smem:$0x3FAA] =	sst s1  }
0xa: {  	[smem:$0x3FAB] =	sst s2  }
0xb: {  	[smem:$0x3FAC] =	sst s3  }
0xc: {  	[smem:$0x3FAD] =	sst s4  }
0xd: {  	[smem:$0x3FAE] =	sst s5  }
0xe: {  	[smem:$0x3FAF] =	sst s6  }
0xf: {  	[smem:$0x3FB0] =	sst s7  }
0x10: {  	[smem:$0x3FB1] =	sst s8  }
0x11: {  	[smem:$0x3FB2] =	sst s9;
	s0 =	simm.s32 @!p0 $0x0  }
0x12: {  	s1 =	sld [smem:$0x3F98];
	s0 =	simm.s32 @p0 $0x1  }
0x13: {  	[smem:$0x3FB3] =	sst s0;
	s0 =	simm.s32 @!p1 $0x0  }
0x14: {  	s2 =	sld [smem:$0x3F97];
	s0 =	simm.s32 @p1 $0x1  }
0x15: {  	[smem:$0x3FB4] =	sst s0;
	s0 =	simm.s32 @!p2 $0x0  }
0x16: {  	s3 =	sld [smem:$0x3FDB];
	s0 =	simm.s32 @p2 $0x1  }
0x17: {  	s4 =	simm.s32 $0x1BF5;
	[smem:$0x3FB6] =	sst s0  }
0x18: {  	s0 =	sld [smem:$0x3F99];
	_ =	swait.ge [sflag:s4], $0x0  }
0x19: {  	s7 =	sld [smem:$0x3F9A]  }
0x1a: {  	s8 =	sadd.s32 $0xFFFFE003, lr  }
0x1b: {  	s9 =	sadd.s32 $0xFFFFFEF7, lr;
	s5 =	simm.s32 $0xFFFFFFFF;
	p2 =	slt.u32 s8, $0xFFFFF086  }
0x1c: {  	p1 =	slt.u32 s9, $0xF7A;
	s5 =	simm.s32 @!p2 $0x0  }
0x1d: {  	s5 =	simm.s32 @p1 $0x1;
	p0 =	seq.s32 s7, s2  }
0x1e: {  	s7 =	smul.u32 @!p0 $0xF7A, s2;
	p2 =	seq.s32 @!p0 s5, $0x0  }
0x1f: {  	s9 =	smul.u32 $0xF7A, s1;
	s8 =	simm.s32 @!p0 $0x1BF5;
	p2 =	por !p2, p0  }
0x20: {  	[sflag:s8] =	ssyncset.s32 @!p0 $0xFFFFF086;
	s6 =	sadd.s32 @!p0 s3, s7;
	s7 =	simm.s32 @!p0 $0x108  }
0x21: {  	s3 =	sadd.s32 s3, s9;
	s6 =	sadd.s32 @!p0 $0x88, s6;
	s7 =	simm.s32 @p2 $0x1082  }
0x22: {  	[simem:s7], [sflag:s8] =	dma.local @!p0 [hbm:s6], $0xF7A  }
0x23: {  	s9 =	sor.u32 $0xD0000000, s2;
	s6 =	simm.s32 $0x108;
	_ =	swait.ge @!p0 [sflag:s8], $0x0  }
0x24: {  	s3 =	sadd.s32 $0x88, s3;
	s6 =	simm.s32 @!p1 $0x1082;
	[sflag:s4] =	ssyncset.s32 $0xFFFFF086  }
0x25: {  	[simem:s6], [sflag:s4] =	dma.local [hbm:s3], $0xF7A  }
0x26: {  	[smem:$0x3F9A] =	sst s1;
	(tag) =	ssettag s2;
	_ =	strace s9  }
0x27: {  	s1 =	sld [smem:$0x3FAA]  }
0x28: {  	s2 =	sld [smem:$0x3FAB]  }
0x29: {  	s4 =	sld [smem:$0x3FAD]  }
0x2a: {  	p0 =	seq.s32 s5, $0x0;
	s5 =	sld [smem:$0x3FAE]  }
0x2b: {  	s6 =	sld [smem:$0x3FAF]  }
0x2c: {  	s7 =	sld [smem:$0x3FB0]  }
0x2d: {  	s3 =	simm.s32 $0x108;
	s8 =	sld [smem:$0x3FB1]  }
0x2e: {  	s3 =	simm.s32 @!p0 $0x1082;
	s9 =	sld [smem:$0x3FB2]  }
0x2f: {  	lr =	sadd.s32 s0, s3;
	s0 =	sld [smem:$0x3FA9]  }
0x30: {  	s3 =	sld [smem:$0x3FAC]  }
0x31: {  	[smem:$0x3FB5] =	sst s10  }
0x32: {  	s10 =	sld [smem:$0x3FB3];
	_ =	sdelay $0x3  }
0x33: {  	p0 =	seq.s32 s10, $0x1;
	s10 =	sld [smem:$0x3FB5];
	_ =	sdelay $0x3  }
0x34: {  	[smem:$0x3FB5] =	sst s10  }
0x35: {  	s10 =	sld [smem:$0x3FB4];
	_ =	sdelay $0x3  }
0x36: {  	p1 =	seq.s32 s10, $0x1;
	s10 =	sld [smem:$0x3FB5];
	_ =	sdelay $0x3  }
0x37: {  	[smem:$0x3FB5] =	sst s10  }
0x38: {  	s10 =	sld [smem:$0x3FB6]  }
0x39: {  	_ = 	snop;
	(pc) =	sbr.ind lr, $3  }
0x3a: {  	_ = 	snop  }
0x3b: {  	_ = 	snop  }
0x3c: {  	p2 =	seq.s32 s10, $0x1;
	s10 =	sld [smem:$0x3FB5]  }
0x3d: {  	_ =	shalt  }
0x3e: {  	_ =	shalt  }
0x3f: {  	_ =	shalt  }
0x40: {  	_ =	shalt  }
0x41: {  	_ =	shalt  }
0x42: {  	_ =	shalt  }
0x43: {  	_ =	shalt  }
0x44: {  	_ =	shalt  }
0x45: {  	_ =	shalt  }
0x46: {  	_ =	shalt  }
0x47: {  	_ =	shalt  }
0x48: {  	_ =	shalt  }
0x49: {  	_ =	shalt  }
0x4a: {  	_ =	shalt  }
0x4b: {  	_ =	shalt  }
0x4c: {  	_ =	shalt  }
0x4d: {  	_ =	shalt  }
0x4e: {  	_ =	shalt  }
0x4f: {  	_ =	shalt  }
0x50: {  	_ =	shalt  }
0x51: {  	_ =	shalt  }
0x52: {  	_ =	shalt  }
0x53: {  	_ =	shalt  }
0x54: {  	_ =	shalt  }
0x55: {  	_ =	shalt  }
0x56: {  	_ =	shalt  }
0x57: {  	_ =	shalt  }
0x58: {  	_ =	shalt  }
0x59: {  	_ =	shalt  }
0x5a: {  	_ =	shalt  }
0x5b: {  	_ =	shalt  }
0x5c: {  	_ =	shalt  }
0x5d: {  	_ =	shalt  }
0x5e: {  	_ =	shalt  }
0x5f: {  	_ =	shalt  }
0x60: {  	_ =	shalt  }
0x61: {  	_ =	shalt  }
0x62: {  	_ =	shalt  }
0x63: {  	_ =	shalt  }
0x64: {  	_ =	shalt  }
0x65: {  	_ =	shalt  }
0x66: {  	_ =	shalt  }
0x67: {  	_ =	shalt  }
0x68: {  	_ =	shalt  }
0x69: {  	_ =	shalt  }
0x6a: {  	_ =	shalt  }
0x6b: {  	_ =	shalt  }
0x6c: {  	_ =	shalt  }
0x6d: {  	_ =	shalt  }
0x6e: {  	_ =	shalt  }
0x6f: {  	_ =	shalt  }
0x70: {  	_ =	shalt  }
0x71: {  	_ =	shalt  }
0x72: {  	_ =	shalt  }
0x73: {  	_ =	shalt  }
0x74: {  	_ =	shalt  }
0x75: {  	_ =	shalt  }
0x76: {  	_ =	shalt  }
0x77: {  	_ =	shalt  }
0x78: {  	_ =	shalt  }
0x79: {  	_ =	shalt  }
0x7a: {  	_ =	shalt  }
0x7b: {  	_ =	shalt  }
0x7c: {  	_ =	shalt  }
0x7d: {  	_ =	shalt  }
0x7e: {  	_ =	shalt  }
0x7f: {  	_ =	shalt  }
0x80: {  	_ =	shalt  }
0x81: {  	_ =	shalt  }
0x82: {  	_ =	shalt  }
0x83: {  	_ =	shalt  }
0x84: {  	_ =	shalt  }
0x85: {  	_ =	shalt  }
0x86: {  	_ =	shalt  }
0x87: {  	_ =	shalt  }
.Lfunc_end0:
.L_simem_size_0:
called_computation_lowered:
.L_overlay_start_0:
0x88: {  	s2 =	sld [smem:$0x3FD9]  }
0x89: {  	s3 =	sld [smem:$0x3FFE];
	_ =	sdelay $0x1  }
0x8a: {  	s1 =	srdreg.scid  }
0x8b: {  	s0 =	sand.u32 $0x1, s1  }
0x8c: {  	s17 =	sshll.u32 s0, $0xA;
	s2 =	sadd.s32 s3, s2  }
0x8d: {  	s2 =	sadd.s32 s2, s17  }
0x8e: {  	[smem:$0x3FC1] =	sst s2  }
0x8f: {  	_ = 	snop  }
0x90: {  	s2 =	sld [smem:$0x3FC9]  }
0x91: {  	s18 =	sld [smem:$0x3FD0];
	(tm) =	ssettm $0x1  }
0x92: {  	s4 =	sld [smem:$0x3FFB];
	_ =	sdelay $0x3  }
0x93: {  	_ =	strace s4  }
0x94: {  	s4 =	sld [smem:$0x3FFC];
	_ =	sdelay $0x3  }
0x95: {  	_ =	strace s4  }
0x96: {  	s4 =	sld [smem:$0x3FFD];
	_ =	sdelay $0x3  }
0x97: {  	_ =	strace s4  }
0x98: {  	_ =	strace $0x8FFFFFFF  }
0x99: {  	s19 =	sld [smem:$0x3FDB];
	_ =	sdelay $0x1  }
0x9a: {  	s5 =	simm.s32 $_scs_section_size  }
0x9b: {  	s6 =	simm.s32 $_size__tile_overlayer_lowered;
	s7 =	simm.s32 $_tile_overlayer_lowered  }
0x9c: {  	s22 =	simm.s32 $0x1BFF;
	s21 =	sshll.u32 s7, $0x1;
	s4 =	sadd.s32 s5, s19  }
0x9d: {  	s8 =	simm.s32 $0x0;
	s20 =	sshll.u32 s6, $0x1;
	s6 =	sadd.s32 s21, s4  }
0x9e: {  	[timem:s8], [sflag:s22] =	dma.local [hbm:s6], s20  }
0x9f: {  	_ =	swait.ge [sflag:s22], s20  }
0xa0: {  	s5 =	ssub.s32 $0x0, s20;
	[sflag:s22] =	ssyncset.done $0x0  }
0xa1: {  	[sflag:s22] =	ssyncadd.s32 s5;
	_ =	sdelay $0x1  }
0xa2: {  	s23 =	simm.s32 $0x1B8B  }
0xa3: {  	_ =	swait.ge [sflag:s23], $0x1  }
0xa4: {  	[sflag:s23] =	ssyncset.done $0x0  }
0xa5: {  	s25 =	simm.s32 $0x1B8E;
	s24 =	sld [smem:$0x3FFE];
	[sflag:s23] =	ssyncadd.s32 $0xFFFFFFFF  }
0xa6: {  	s26 =	simm.s32 $execute0_lowered;
	[smem:$0x3FD2] =	sst s25  }
0xa7: {  	s6 =	sshll.u32 s26, $0x1;
	_ =	strace $0x80000046;
	[dreg:$0x1] =	wrdreg $0xFFFFFFFF  }
0xa8: {  	s28 =	simm.s32 $_size_execute0_lowered;
	s4 =	sadd.s32 s4, s6;
	[dreg:$0x0] =	wrdreg $0x0  }
0xa9: {  	s6 =	sshll.u32 s28, $0x1;
	[dreg:$0x2] =	wrdreg s4  }
0xaa: {  	[dreg:$0x3] =	wrdreg s6  }
0xab: {  	[dreg:$0x4] =	wrdreg $0xC0  }
0xac: {  	_ =	task [dreg:s8], $0x5FFFF  }
0xad: {  	[dreg:$0x1] =	wrdreg $0xFFFFFFFF  }
0xae: {  	[dreg:$0x0] =	wrdreg $0x60  }
0xaf: {  	[dreg:$0x2] =	wrdreg s2  }
0xb0: {  	[dreg:$0x3] =	wrdreg s18  }
0xb1: {  	[dreg:$0x4] =	wrdreg s24  }
0xb2: {  	[dreg:$0x5] =	wrdreg $0x90000  }
0xb3: {  	[dreg:$0x6] =	wrdreg $0x9  }
0xb4: {  	_ =	task.clear_ibuf [dreg:s8], $0x7FFFF;
	_ =	strace $0x90000046  }
0xb5: {  	s29 =	simm.s32 $0x9;
	_ =	strace $0x80000048  }
0xb6: {  	_ =	swait.ge [sflag:s29], $0x1  }
0xb7: {  	[sflag:s29] =	ssyncadd.s32 $0xFFFFFFFF  }
0xb8: {  	_ =	strace $0x90000048  }
0xb9: {  	_ =	sfence  }
0xba: {  	s30 =	sld [smem:$0x0];
	_ =	sdelay $0x2  }
0xbb: {  	s31 =	sshll.u32 s1, $0xD;
	s1 =	sshrl.u32 s1, $0x2  }
0xbc: {  	s3 =	sand.u32 $0x4000, s31;
	s1 =	sadd.s32 s1, s30  }
0xbd: {  	s0 =	sor.u32 s3, s0;
	s1 =	sshll.u32 s1, $0x11  }
0xbe: {  	s0 =	sor.u32 s1, s0  }
0xbf: {  	s0 =	sadd.s32 $0x8F2B, s0  }
0xc0: {  	[sflag:s0] =	ssyncadd.remote.s32 $0x1  }
0xc1: {  	_ =	sfence.sel $0xFFFF  }
0xc2: {  	[dreg:$0x0] =	wrdreg $0xFFFFFFFF;
	(pc) =	sbr.abs _section_cstart, $3  }
0xc3: {  	[dreg:$0x1] =	wrdreg $0xFFFFFFFF  }
0xc4: {  	_ =	task.clear_ibuf [dreg:s8], $0x2FFFF;
	_ =	strace $0x9FFFFFFF  }
0xc5: {  	(tm) =	ssettm $0x7FFFFFFF  }
tec
execute0_lowered:
.L_overlay_start_1:
0x0: {  	(tag) =	ssettag $0x1  }
0x1: {  	s1 =	rddreg [dreg:$0x0]  }
0x2: {  	s0 =	rddreg [dreg:$0x1]  }
0x3: {  	s3 =	rddreg [dreg:$0x2]  }
0x4: {  	s2 =	rddreg [dreg:$0x3];
	s4 =	simm.s32 $0x0  }
0x5: {  	s5 =	srdreg.scid;
	s14 =	stileid.u32;
	s17 =	simm.s32 $0x900  }
0x6: {  	s19 =	simm.s32 $0x980;
	s28 =	simm.s32 $0xC00;
	s29 =	simm.s32 $0x500  }
0x7: {  	s30 =	simm.s32 $0xC80;
	s31 =	simm.s32 $0x580;
	s6 =	smul.u32 $0x50000, s14  }
0x8: {  	[smem:$0x7FF] =	sst s4;
	s5 =	sand.u32 $0x1, s5;
	s8 =	smul.u32 $0x14000, s14  }
0x9: {  	s7 =	sadd.s32 $0xA000, s3;
	s9 =	sadd.s32 $0xA800, s3;
	s14 =	smul.u32 $0x2800, s14  }
0xa: {  	_ =	strace $0x80000047;
	[dreg:$0x13] =	wrdreg s7;
	s11 =	smul.u32 $0x140000, s5  }
0xb: {  	s21 =	ssub.s32 $0x2, s5;
	s5 =	smul.u32 $0x28000, s5;
	[dreg:$0xa] =	wrdreg s17  }
0xc: {  	[dreg:$0xc] =	wrdreg s19;
	s17 =	simm.s32 $0x1000;
	s19 =	simm.s32 $0x800  }
0xd: {  	s10 =	sshrl.u32 s21, $0x1;
	s6 =	sshrl.u32 s6, $0x2;
	s22 =	sadd.s32 $0x4000, s8  }
0xe: {  	s18 =	sadd.s32 $0x8000, s8;
	s12 =	sadd.s32 $0xC000, s8;
	s13 =	sadd.s32 $0x10000, s8  }
0xf: {  	s7 =	ssub.s32 s21, s10;
	s15 =	sadd.s32 s6, s2;
	s16 =	sadd.s32 s22, s2  }
0x10: {  	s23 =	sadd.s32 s18, s2;
	s8 =	sadd.s32 s8, s11;
	s24 =	sadd.s32 s12, s2  }
0x11: {  	s10 =	sadd.s32 s13, s2;
	s6 =	sadd.s32 s11, s22;
	[dreg:$0x16] =	wrdreg s23  }
0x12: {  	s5 =	sadd.s32 s14, s5;
	s14 =	simm.s32 $0x180;
	[dreg:$0x17] =	wrdreg s24  }
0x13: {  	s25 =	sadd.s32 s11, s18;
	s18 =	simm.s32 $0x200;
	[dreg:$0x9] =	wrdreg s14  }
0x14: {  	s21 =	simm.s32 $0x280;
	s22 =	simm.s32 $0xA00;
	[dreg:$0xb] =	wrdreg s18  }
0x15: {  	s8 =	sshrl.u32 s8, $0x3;
	s6 =	sshrl.u32 s6, $0x3;
	[dreg:$0xd] =	wrdreg s21  }
0x16: {  	s5 =	sshrl.u32 s5, $0x3;
	s26 =	sshrl.u32 s25, $0x3;
	[dreg:$0xe] =	wrdreg s22  }
0x17: {  	s20 =	smax.u32 s7, $0x1;
	s18 =	simm.s32 $0x3;
	[dreg:$0x18] =	wrdreg s10  }
0x18: {  	s23 =	simm.s32 $0x300;
	s24 =	simm.s32 $0xA80;
	[dreg:$0x1e] =	wrdreg s20  }
0x19: {  	s25 =	simm.s32 $0x380;
	s21 =	simm.s32 $0x1;
	[dreg:$0xf] =	wrdreg s23  }
0x1a: {  	s22 =	simm.s32 $0x5000;
	s14 =	simm.s32 $0xE80;
	[dreg:$0x10] =	wrdreg s24  }
0x1b: {  	s7 =	simm.s32 $0x0;
	s8 =	sadd.s32 s9, s8;
	[dreg:$0x11] =	wrdreg s25  }
0x1c: {  	s6 =	sadd.s32 s9, s6;
	s3 =	sadd.s32 s5, s3;
	[dreg:$0x1f] =	wrdreg s7  }
0x1d: {  	s0 =	sadd.s32 s5, s0;
	s5 =	sadd.s32 s11, s12;
	[dreg:$0x19] =	wrdreg s8  }
0x1e: {  	s12 =	simm.s32 $0x880;
	s20 =	simm.s32 $0x80;
	[dreg:$0x1a] =	wrdreg s6  }
0x1f: {  	s23 =	simm.s32 $0x2;
	s24 =	simm.s32 $0x400;
	[dreg:$0x5] =	wrdreg s3  }
0x20: {  	s25 =	simm.s32 $0xB80;
	s8 =	smov.u32 s15;
	[dreg:$0x6] =	wrdreg s0  }
0x21: {  	s6 =	sadd.s32 s9, s26;
	s3 =	sshrl.u32 s5, $0x3;
	[dreg:$0x8] =	wrdreg s12  }
0x22: {  	s15 =	sadd.s32 s11, s13;
	s26 =	simm.s32 $0xB00;
	s0 =	simm.s32 $0xD00  }
0x23: {  	s5 =	simm.s32 $0xD80;
	s11 =	simm.s32 $0x680;
	[dreg:$0x1b] =	wrdreg s6  }
0x24: {  	s12 =	simm.s32 $0xE00;
	s13 =	simm.s32 $0x700;
	[dreg:$0x12] =	wrdreg s26  }
0x25: {  	s6 =	simm.s32 $0x100;
	s3 =	sadd.s32 s9, s3;
	[dreg:$0x14] =	wrdreg s8  }
0x26: {  	s26 =	simm.s32 $0x480;
	[dreg:$0x1c] =	wrdreg s3;
	s3 =	sshrl.u32 s15, $0x3  }
0x27: {  	[dreg:$0x7] =	wrdreg s6;
	s15 =	simm.s32 $0x780;
	s3 =	sadd.s32 s9, s3  }
0x28: {  	s6 =	simm.s32 $0xF80;
	s9 =	smov.u32 s16;
	[dreg:$0x1d] =	wrdreg s3  }
0x29: {  	s16 =	simm.s32 $0xF00;
	s3 =	simm.s32 $0x600;
	[dreg:$0x15] =	wrdreg s9  }
.LBB2_1:
0x2a: {  	s7 =	rddreg [dreg:$0x13]  }
0x2b: {  	[tilespmem:s17], [sflag:$0x3] =	stream.linear.gather [hbm4b:s7+s4], $0x4000, $0x38;
	[tilespmem:$0x1D000] =	vst v63  }
0x2c: {  	_ =	swait.ge [sflag:s18], $0x4000  }
0x2d: {  	[sflag:s18] =	ssyncset.done $0x0  }
0x2e: {  	[sflag:s18] =	ssyncadd.s32 $0xFFFFC000  }
0x2f: {  	[spmem:s8] =	stream.linear.scatter [tilespmem:s17], [sflag:$0x3], $0x4000, $0x38;
	[tilespmem:$0x1D000] =	vst v63  }
0x30: {  	_ =	swait.ge [sflag:s18], $0x4000  }
0x31: {  	[sflag:s18] =	ssyncset.done $0x0  }
0x32: {  	[sflag:s18] =	ssyncadd.s32 $0xFFFFC000  }
0x33: {  	[spmem:s9] =	stream.linear.scatter [tilespmem:s17], [sflag:$0x3], $0x4000, $0x38;
	[tilespmem:$0x1D000] =	vst v63  }
0x34: {  	_ =	swait.ge [sflag:s18], $0x4000  }
0x35: {  	[sflag:s18] =	ssyncset.done $0x0  }
0x36: {  	s8 =	rddreg [dreg:$0x16];
	[sflag:s18] =	ssyncadd.s32 $0xFFFFC000  }
0x37: {  	[spmem:s8] =	stream.linear.scatter [tilespmem:s17], [sflag:$0x3], $0x4000, $0x38;
	[tilespmem:$0x1D000] =	vst v63  }
0x38: {  	_ =	swait.ge [sflag:s18], $0x4000  }
0x39: {  	[sflag:s18] =	ssyncset.done $0x0  }
0x3a: {  	s9 =	rddreg [dreg:$0x17];
	[sflag:s18] =	ssyncadd.s32 $0xFFFFC000  }
0x3b: {  	[spmem:s9] =	stream.linear.scatter [tilespmem:s17], [sflag:$0x3], $0x4000, $0x38;
	[tilespmem:$0x1D000] =	vst v63  }
0x3c: {  	_ =	swait.ge [sflag:s18], $0x4000  }
0x3d: {  	[sflag:s18] =	ssyncset.done $0x0  }
0x3e: {  	[sflag:s18] =	ssyncadd.s32 $0xFFFFC000  }
0x3f: {  	[spmem:s10] =	stream.linear.scatter [tilespmem:s17], [sflag:$0x3], $0x4000, $0x38;
	[tilespmem:$0x1D000] =	vst v63  }
0x40: {  	_ =	swait.ge [sflag:s18], $0x4000  }
0x41: {  	[sflag:s18] =	ssyncset.done $0x0  }
0x42: {  	[sflag:s18] =	ssyncadd.s32 $0xFFFFC000  }
0x43: {  	[bflag:$0x0] =	sbarrier.arrive $0xFFFF  }
0x44: {  	s7 =	rddreg [dreg:$0x6]  }
0x45: {  	s8 =	sadd.s32 $0x0, s7  }
0x46: {  	[tilespmem:s4], [sflag:$0x3] =	stream.linear.gather [hbm4b:s8+s4], $0x800, $0x38;
	[tilespmem:$0x1D000] =	vst v63  }
0x47: {  	_ =	swait.ge [sflag:s18], $0x800  }
0x48: {  	s9 =	rddreg [dreg:$0x5];
	[sflag:s18] =	ssyncset.done $0x0  }
0x49: {  	[sflag:s18] =	ssyncadd.s32 $0xFFFFF800;
	s8 =	sadd.s32 $0x0, s9  }
0x4a: {  	[tilespmem:s19], [sflag:$0x3] =	stream.linear.gather [hbm4b:s8+s4], $0x800, $0x38;
	[tilespmem:$0x1D000] =	vst v63  }
0x4b: {  	_ =	swait.ge [sflag:s18], $0x800  }
0x4c: {  	[sflag:s18] =	ssyncset.done $0x0  }
0x4d: {  	[sflag:s18] =	ssyncadd.s32 $0xFFFFF800  }
0x4e: {  	[tilespmem:s17], [sflag:$0x1] =	stream.indirect.gather [hbm4b:s1+s20], $0x80, s4, s20, $0xb8;
	[tilespmem:$0x1D000] =	vst v63  }
0x4f: {  	_ =	swait.ge [sflag:s21], $0x4000  }
0x50: {  	[sflag:s21] =	ssyncset.done $0x0  }
0x51: {  	[sflag:s21] =	ssyncadd.s32 $0xFFFFC000  }
0x52: {  	[tilespmem:s22], [sflag:$0x2] =	stream.indirect.gather [hbm4b:s1+s20], $0x80, s20, s20, $0xb8;
	[tilespmem:$0x1D000] =	vst v63  }
0x53: {  	_ = 	snop  }
0x54: {  	[spmem:s2] =	stream.indirect.scatter.add.f32 [tilespmem:s17], [sflag:$0x3], $0x80, s19, s20, $0xb8;
	[tilespmem:$0x1D000] =	vst v63  }
0x55: {  	_ =	swait.ge [sflag:s18], $0x4000  }
0x56: {  	[sflag:s18] =	ssyncset.done $0x0  }
0x57: {  	[sflag:s18] =	ssyncadd.s32 $0xFFFFC000  }
0x58: {  	_ =	swait.ge [sflag:s23], $0x4000  }
0x59: {  	[sflag:s23] =	ssyncset.done $0x0  }
0x5a: {  	s10 =	rddreg [dreg:$0x7];
	[sflag:s23] =	ssyncadd.s32 $0xFFFFC000  }
0x5b: {  	[tilespmem:s17], [sflag:$0x1] =	stream.indirect.gather [hbm4b:s1+s20], $0x80, s10, s20, $0xb8;
	[tilespmem:$0x1D000] =	vst v63  }
0x5c: {  	s7 =	rddreg [dreg:$0x8]  }
0x5d: {  	[spmem:s2] =	stream.indirect.scatter.add.f32 [tilespmem:s22], [sflag:$0x3], $0x80, s7, s20, $0xb8;
	[tilespmem:$0x1D000] =	vst v63  }
0x5e: {  	_ =	swait.ge [sflag:s18], $0x4000  }
0x5f: {  	[sflag:s18] =	ssyncset.done $0x0  }
0x60: {  	[sflag:s18] =	ssyncadd.s32 $0xFFFFC000  }
0x61: {  	_ =	swait.ge [sflag:s21], $0x4000  }
0x62: {  	[sflag:s21] =	ssyncset.done $0x0  }
0x63: {  	s10 =	rddreg [dreg:$0x9];
	[sflag:s21] =	ssyncadd.s32 $0xFFFFC000  }
0x64: {  	[tilespmem:s22], [sflag:$0x2] =	stream.indirect.gather [hbm4b:s1+s20], $0x80, s10, s20, $0xb8;
	[tilespmem:$0x1D000] =	vst v63  }
0x65: {  	s7 =	rddreg [dreg:$0xa]  }
0x66: {  	[spmem:s2] =	stream.indirect.scatter.add.f32 [tilespmem:s17], [sflag:$0x3], $0x80, s7, s20, $0xb8;
	[tilespmem:$0x1D000] =	vst v63  }
0x67: {  	_ =	swait.ge [sflag:s18], $0x4000  }
0x68: {  	[sflag:s18] =	ssyncset.done $0x0  }
0x69: {  	[sflag:s18] =	ssyncadd.s32 $0xFFFFC000  }
0x6a: {  	_ =	swait.ge [sflag:s23], $0x4000  }
0x6b: {  	[sflag:s23] =	ssyncset.done $0x0  }
0x6c: {  	s10 =	rddreg [dreg:$0xb];
	[sflag:s23] =	ssyncadd.s32 $0xFFFFC000  }
0x6d: {  	[tilespmem:s17], [sflag:$0x1] =	stream.indirect.gather [hbm4b:s1+s20], $0x80, s10, s20, $0xb8;
	[tilespmem:$0x1D000] =	vst v63  }
0x6e: {  	s7 =	rddreg [dreg:$0xc]  }
0x6f: {  	[spmem:s2] =	stream.indirect.scatter.add.f32 [tilespmem:s22], [sflag:$0x3], $0x80, s7, s20, $0xb8;
	[tilespmem:$0x1D000] =	vst v63  }
0x70: {  	_ =	swait.ge [sflag:s18], $0x4000  }
0x71: {  	[sflag:s18] =	ssyncset.done $0x0  }
0x72: {  	[sflag:s18] =	ssyncadd.s32 $0xFFFFC000  }
0x73: {  	_ =	swait.ge [sflag:s21], $0x4000  }
0x74: {  	[sflag:s21] =	ssyncset.done $0x0  }
0x75: {  	s10 =	rddreg [dreg:$0xd];
	[sflag:s21] =	ssyncadd.s32 $0xFFFFC000  }
0x76: {  	[tilespmem:s22], [sflag:$0x2] =	stream.indirect.gather [hbm4b:s1+s20], $0x80, s10, s20, $0xb8;
	[tilespmem:$0x1D000] =	vst v63  }
0x77: {  	s7 =	rddreg [dreg:$0xe]  }
0x78: {  	[spmem:s2] =	stream.indirect.scatter.add.f32 [tilespmem:s17], [sflag:$0x3], $0x80, s7, s20, $0xb8;
	[tilespmem:$0x1D000] =	vst v63  }
0x79: {  	_ =	swait.ge [sflag:s18], $0x4000  }
0x7a: {  	[sflag:s18] =	ssyncset.done $0x0  }
0x7b: {  	[sflag:s18] =	ssyncadd.s32 $0xFFFFC000  }
0x7c: {  	_ =	swait.ge [sflag:s23], $0x4000  }
0x7d: {  	[sflag:s23] =	ssyncset.done $0x0  }
0x7e: {  	s10 =	rddreg [dreg:$0xf];
	[sflag:s23] =	ssyncadd.s32 $0xFFFFC000  }
0x7f: {  	[tilespmem:s17], [sflag:$0x1] =	stream.indirect.gather [hbm4b:s1+s20], $0x80, s10, s20, $0xb8;
	[tilespmem:$0x1D000] =	vst v63  }
0x80: {  	s7 =	rddreg [dreg:$0x10]  }
0x81: {  	[spmem:s2] =	stream.indirect.scatter.add.f32 [tilespmem:s22], [sflag:$0x3], $0x80, s7, s20, $0xb8;
	[tilespmem:$0x1D000] =	vst v63  }
0x82: {  	_ =	swait.ge [sflag:s18], $0x4000  }
0x83: {  	[sflag:s18] =	ssyncset.done $0x0  }
0x84: {  	[sflag:s18] =	ssyncadd.s32 $0xFFFFC000  }
0x85: {  	_ =	swait.ge [sflag:s21], $0x4000  }
0x86: {  	[sflag:s21] =	ssyncset.done $0x0  }
0x87: {  	s9 =	rddreg [dreg:$0x11];
	[sflag:s21] =	ssyncadd.s32 $0xFFFFC000  }
0x88: {  	[tilespmem:s22], [sflag:$0x2] =	stream.indirect.gather [hbm4b:s1+s20], $0x80, s9, s20, $0xb8;
	[tilespmem:$0x1D000] =	vst v63  }
0x89: {  	s10 =	rddreg [dreg:$0x12]  }
0x8a: {  	[spmem:s2] =	stream.indirect.scatter.add.f32 [tilespmem:s17], [sflag:$0x3], $0x80, s10, s20, $0xb8;
	[tilespmem:$0x1D000] =	vst v63  }
0x8b: {  	_ =	swait.ge [sflag:s18], $0x4000  }
0x8c: {  	[sflag:s18] =	ssyncset.done $0x0  }
0x8d: {  	[sflag:s18] =	ssyncadd.s32 $0xFFFFC000  }
0x8e: {  	_ =	swait.ge [sflag:s23], $0x4000  }
0x8f: {  	[sflag:s23] =	ssyncset.done $0x0  }
0x90: {  	[sflag:s23] =	ssyncadd.s32 $0xFFFFC000  }
0x91: {  	[tilespmem:s17], [sflag:$0x1] =	stream.indirect.gather [hbm4b:s1+s20], $0x80, s24, s20, $0xb8;
	[tilespmem:$0x1D000] =	vst v63  }
0x92: {  	_ = 	snop  }
0x93: {  	[spmem:s2] =	stream.indirect.scatter.add.f32 [tilespmem:s22], [sflag:$0x3], $0x80, s25, s20, $0xb8;
	[tilespmem:$0x1D000] =	vst v63  }
0x94: {  	_ =	swait.ge [sflag:s18], $0x4000  }
0x95: {  	[sflag:s18] =	ssyncset.done $0x0  }
0x96: {  	[sflag:s18] =	ssyncadd.s32 $0xFFFFC000  }
0x97: {  	_ =	swait.ge [sflag:s21], $0x4000  }
0x98: {  	[sflag:s21] =	ssyncset.done $0x0  }
0x99: {  	[sflag:s21] =	ssyncadd.s32 $0xFFFFC000  }
0x9a: {  	[tilespmem:s22], [sflag:$0x2] =	stream.indirect.gather [hbm4b:s1+s20], $0x80, s26, s20, $0xb8;
	[tilespmem:$0x1D000] =	vst v63  }
0x9b: {  	_ = 	snop  }
0x9c: {  	[spmem:s2] =	stream.indirect.scatter.add.f32 [tilespmem:s17], [sflag:$0x3], $0x80, s28, s20, $0xb8;
	[tilespmem:$0x1D000] =	vst v63  }
0x9d: {  	_ =	swait.ge [sflag:s18], $0x4000  }
0x9e: {  	[sflag:s18] =	ssyncset.done $0x0  }
0x9f: {  	[sflag:s18] =	ssyncadd.s32 $0xFFFFC000  }
0xa0: {  	_ =	swait.ge [sflag:s23], $0x4000  }
0xa1: {  	[sflag:s23] =	ssyncset.done $0x0  }
0xa2: {  	[sflag:s23] =	ssyncadd.s32 $0xFFFFC000  }
0xa3: {  	[tilespmem:s17], [sflag:$0x1] =	stream.indirect.gather [hbm4b:s1+s20], $0x80, s29, s20, $0xb8;
	[tilespmem:$0x1D000] =	vst v63  }
0xa4: {  	_ = 	snop  }
0xa5: {  	[spmem:s2] =	stream.indirect.scatter.add.f32 [tilespmem:s22], [sflag:$0x3], $0x80, s30, s20, $0xb8;
	[tilespmem:$0x1D000] =	vst v63  }
0xa6: {  	_ =	swait.ge [sflag:s18], $0x4000  }
0xa7: {  	[sflag:s18] =	ssyncset.done $0x0  }
0xa8: {  	[sflag:s18] =	ssyncadd.s32 $0xFFFFC000  }
0xa9: {  	_ =	swait.ge [sflag:s21], $0x4000  }
0xaa: {  	[sflag:s21] =	ssyncset.done $0x0  }
0xab: {  	[sflag:s21] =	ssyncadd.s32 $0xFFFFC000  }
0xac: {  	[tilespmem:s22], [sflag:$0x2] =	stream.indirect.gather [hbm4b:s1+s20], $0x80, s31, s20, $0xb8;
	[tilespmem:$0x1D000] =	vst v63  }
0xad: {  	_ = 	snop  }
0xae: {  	[spmem:s2] =	stream.indirect.scatter.add.f32 [tilespmem:s17], [sflag:$0x3], $0x80, s0, s20, $0xb8;
	[tilespmem:$0x1D000] =	vst v63  }
0xaf: {  	_ =	swait.ge [sflag:s18], $0x4000  }
0xb0: {  	[sflag:s18] =	ssyncset.done $0x0  }
0xb1: {  	[sflag:s18] =	ssyncadd.s32 $0xFFFFC000  }
0xb2: {  	_ =	swait.ge [sflag:s23], $0x4000  }
0xb3: {  	[sflag:s23] =	ssyncset.done $0x0  }
0xb4: {  	[sflag:s23] =	ssyncadd.s32 $0xFFFFC000  }
0xb5: {  	[tilespmem:s17], [sflag:$0x1] =	stream.indirect.gather [hbm4b:s1+s20], $0x80, s3, s20, $0xb8;
	[tilespmem:$0x1D000] =	vst v63  }
0xb6: {  	_ = 	snop  }
0xb7: {  	[spmem:s2] =	stream.indirect.scatter.add.f32 [tilespmem:s22], [sflag:$0x3], $0x80, s5, s20, $0xb8;
	[tilespmem:$0x1D000] =	vst v63  }
0xb8: {  	_ =	swait.ge [sflag:s18], $0x4000  }
0xb9: {  	[sflag:s18] =	ssyncset.done $0x0  }
0xba: {  	[sflag:s18] =	ssyncadd.s32 $0xFFFFC000  }
0xbb: {  	_ =	swait.ge [sflag:s21], $0x4000  }
0xbc: {  	[sflag:s21] =	ssyncset.done $0x0  }
0xbd: {  	[sflag:s21] =	ssyncadd.s32 $0xFFFFC000  }
0xbe: {  	[tilespmem:s22], [sflag:$0x2] =	stream.indirect.gather [hbm4b:s1+s20], $0x80, s11, s20, $0xb8;
	[tilespmem:$0x1D000] =	vst v63  }
0xbf: {  	_ = 	snop  }
0xc0: {  	[spmem:s2] =	stream.indirect.scatter.add.f32 [tilespmem:s17], [sflag:$0x3], $0x80, s12, s20, $0xb8;
	[tilespmem:$0x1D000] =	vst v63  }
0xc1: {  	_ =	swait.ge [sflag:s18], $0x4000  }
0xc2: {  	[sflag:s18] =	ssyncset.done $0x0  }
0xc3: {  	[sflag:s18] =	ssyncadd.s32 $0xFFFFC000  }
0xc4: {  	_ =	swait.ge [sflag:s23], $0x4000  }
0xc5: {  	[sflag:s23] =	ssyncset.done $0x0  }
0xc6: {  	[sflag:s23] =	ssyncadd.s32 $0xFFFFC000  }
0xc7: {  	[tilespmem:s17], [sflag:$0x1] =	stream.indirect.gather [hbm4b:s1+s20], $0x80, s13, s20, $0xb8;
	[tilespmem:$0x1D000] =	vst v63  }
0xc8: {  	_ = 	snop  }
0xc9: {  	[spmem:s2] =	stream.indirect.scatter.add.f32 [tilespmem:s22], [sflag:$0x3], $0x80, s14, s20, $0xb8;
	[tilespmem:$0x1D000] =	vst v63  }
0xca: {  	_ =	swait.ge [sflag:s18], $0x4000  }
0xcb: {  	[sflag:s18] =	ssyncset.done $0x0  }
0xcc: {  	[sflag:s18] =	ssyncadd.s32 $0xFFFFC000  }
0xcd: {  	_ =	swait.ge [sflag:s21], $0x4000  }
0xce: {  	[sflag:s21] =	ssyncset.done $0x0  }
0xcf: {  	[sflag:s21] =	ssyncadd.s32 $0xFFFFC000  }
0xd0: {  	[tilespmem:s22], [sflag:$0x2] =	stream.indirect.gather [hbm4b:s1+s20], $0x80, s15, s20, $0xb8;
	[tilespmem:$0x1D000] =	vst v63  }
0xd1: {  	_ = 	snop  }
0xd2: {  	[spmem:s2] =	stream.indirect.scatter.add.f32 [tilespmem:s17], [sflag:$0x3], $0x80, s16, s20, $0xb8;
	[tilespmem:$0x1D000] =	vst v63  }
0xd3: {  	_ =	swait.ge [sflag:s18], $0x4000  }
0xd4: {  	[sflag:s18] =	ssyncset.done $0x0  }
0xd5: {  	[sflag:s18] =	ssyncadd.s32 $0xFFFFC000  }
0xd6: {  	_ =	swait.ge [sflag:s23], $0x4000  }
0xd7: {  	[sflag:s23] =	ssyncset.done $0x0  }
0xd8: {  	[sflag:s23] =	ssyncadd.s32 $0xFFFFC000  }
0xd9: {  	[spmem:s2] =	stream.indirect.scatter.add.f32 [tilespmem:s22], [sflag:$0x3], $0x80, s6, s20, $0xb8;
	[tilespmem:$0x1D000] =	vst v63  }
0xda: {  	s8 =	simm.s32 $0x100;
	_ =	swait.ge [sflag:s18], $0x4000  }
0xdb: {  	s9 =	simm.s32 $0x200;
	s10 =	rddreg [dreg:$0x6];
	[sflag:s18] =	ssyncset.done $0x0  }
.LBB2_2:
0xdc: {  	[sflag:s18] =	ssyncadd.s32 $0xFFFFC000;
	s10 =	sadd.s32 s8, s10  }
0xdd: {  	[tilespmem:s4], [sflag:$0x3] =	stream.linear.gather [hbm4b:s10+s4], $0x800, $0x38;
	[tilespmem:$0x1D000] =	vst v63  }
0xde: {  	_ =	swait.ge [sflag:s18], $0x800  }
0xdf: {  	s10 =	rddreg [dreg:$0x5];
	[sflag:s18] =	ssyncset.done $0x0  }
0xe0: {  	[sflag:s18] =	ssyncadd.s32 $0xFFFFF800;
	s10 =	sadd.s32 s8, s10  }
0xe1: {  	[tilespmem:s19], [sflag:$0x3] =	stream.linear.gather [hbm4b:s10+s4], $0x800, $0x38;
	[tilespmem:$0x1D000] =	vst v63  }
0xe2: {  	_ =	swait.ge [sflag:s18], $0x800  }
0xe3: {  	[sflag:s18] =	ssyncset.done $0x0  }
0xe4: {  	[sflag:s18] =	ssyncadd.s32 $0xFFFFF800  }
0xe5: {  	[tilespmem:s17], [sflag:$0x1] =	stream.indirect.gather [hbm4b:s1+s20], $0x80, s4, s20, $0xb8;
	[tilespmem:$0x1D000] =	vst v63  }
0xe6: {  	_ =	swait.ge [sflag:s21], $0x4000  }
0xe7: {  	[sflag:s21] =	ssyncset.done $0x0  }
0xe8: {  	[sflag:s21] =	ssyncadd.s32 $0xFFFFC000  }
0xe9: {  	[tilespmem:s22], [sflag:$0x2] =	stream.indirect.gather [hbm4b:s1+s20], $0x80, s20, s20, $0xb8;
	[tilespmem:$0x1D000] =	vst v63  }
0xea: {  	_ = 	snop  }
0xeb: {  	[spmem:s2] =	stream.indirect.scatter.add.f32 [tilespmem:s17], [sflag:$0x3], $0x80, s19, s20, $0xb8;
	[tilespmem:$0x1D000] =	vst v63  }
0xec: {  	_ =	swait.ge [sflag:s18], $0x4000  }
0xed: {  	[sflag:s18] =	ssyncset.done $0x0  }
0xee: {  	[sflag:s18] =	ssyncadd.s32 $0xFFFFC000  }
0xef: {  	_ =	swait.ge [sflag:s23], $0x4000  }
0xf0: {  	s7 =	smov.u32 s9;
	[sflag:s23] =	ssyncset.done $0x0  }
0xf1: {  	s8 =	smov.u32 s7;
	s7 =	rddreg [dreg:$0x7];
	[sflag:s23] =	ssyncadd.s32 $0xFFFFC000  }
0xf2: {  	[tilespmem:s17], [sflag:$0x1] =	stream.indirect.gather [hbm4b:s1+s20], $0x80, s7, s20, $0xb8;
	[tilespmem:$0x1D000] =	vst v63  }
0xf3: {  	s10 =	rddreg [dreg:$0x8]  }
0xf4: {  	[spmem:s2] =	stream.indirect.scatter.add.f32 [tilespmem:s22], [sflag:$0x3], $0x80, s10, s20, $0xb8;
	[tilespmem:$0x1D000] =	vst v63  }
0xf5: {  	_ =	swait.ge [sflag:s18], $0x4000  }
0xf6: {  	[sflag:s18] =	ssyncset.done $0x0  }
0xf7: {  	[sflag:s18] =	ssyncadd.s32 $0xFFFFC000  }
0xf8: {  	_ =	swait.ge [sflag:s21], $0x4000  }
0xf9: {  	[sflag:s21] =	ssyncset.done $0x0  }
0xfa: {  	s7 =	rddreg [dreg:$0x9];
	[sflag:s21] =	ssyncadd.s32 $0xFFFFC000  }
0xfb: {  	[tilespmem:s22], [sflag:$0x2] =	stream.indirect.gather [hbm4b:s1+s20], $0x80, s7, s20, $0xb8;
	[tilespmem:$0x1D000] =	vst v63  }
0xfc: {  	s10 =	rddreg [dreg:$0xa]  }
0xfd: {  	[spmem:s2] =	stream.indirect.scatter.add.f32 [tilespmem:s17], [sflag:$0x3], $0x80, s10, s20, $0xb8;
	[tilespmem:$0x1D000] =	vst v63  }
0xfe: {  	_ =	swait.ge [sflag:s18], $0x4000  }
0xff: {  	[sflag:s18] =	ssyncset.done $0x0  }
0x100: {  	[sflag:s18] =	ssyncadd.s32 $0xFFFFC000  }
0x101: {  	_ =	swait.ge [sflag:s23], $0x4000  }
0x102: {  	[sflag:s23] =	ssyncset.done $0x0  }
0x103: {  	s7 =	rddreg [dreg:$0xb];
	[sflag:s23] =	ssyncadd.s32 $0xFFFFC000  }
0x104: {  	[tilespmem:s17], [sflag:$0x1] =	stream.indirect.gather [hbm4b:s1+s20], $0x80, s7, s20, $0xb8;
	[tilespmem:$0x1D000] =	vst v63  }
0x105: {  	s10 =	rddreg [dreg:$0xc]  }
0x106: {  	[spmem:s2] =	stream.indirect.scatter.add.f32 [tilespmem:s22], [sflag:$0x3], $0x80, s10, s20, $0xb8;
	[tilespmem:$0x1D000] =	vst v63  }
0x107: {  	_ =	swait.ge [sflag:s18], $0x4000  }
0x108: {  	[sflag:s18] =	ssyncset.done $0x0  }
0x109: {  	[sflag:s18] =	ssyncadd.s32 $0xFFFFC000  }
0x10a: {  	_ =	swait.ge [sflag:s21], $0x4000  }
0x10b: {  	[sflag:s21] =	ssyncset.done $0x0  }
0x10c: {  	s7 =	rddreg [dreg:$0xd];
	[sflag:s21] =	ssyncadd.s32 $0xFFFFC000  }
0x10d: {  	[tilespmem:s22], [sflag:$0x2] =	stream.indirect.gather [hbm4b:s1+s20], $0x80, s7, s20, $0xb8;
	[tilespmem:$0x1D000] =	vst v63  }
0x10e: {  	s10 =	rddreg [dreg:$0xe]  }
0x10f: {  	[spmem:s2] =	stream.indirect.scatter.add.f32 [tilespmem:s17], [sflag:$0x3], $0x80, s10, s20, $0xb8;
	[tilespmem:$0x1D000] =	vst v63  }
0x110: {  	_ =	swait.ge [sflag:s18], $0x4000  }
0x111: {  	[sflag:s18] =	ssyncset.done $0x0  }
0x112: {  	[sflag:s18] =	ssyncadd.s32 $0xFFFFC000  }
0x113: {  	_ =	swait.ge [sflag:s23], $0x4000  }
0x114: {  	[sflag:s23] =	ssyncset.done $0x0  }
0x115: {  	s7 =	rddreg [dreg:$0xf];
	[sflag:s23] =	ssyncadd.s32 $0xFFFFC000  }
0x116: {  	[tilespmem:s17], [sflag:$0x1] =	stream.indirect.gather [hbm4b:s1+s20], $0x80, s7, s20, $0xb8;
	[tilespmem:$0x1D000] =	vst v63  }
0x117: {  	s10 =	rddreg [dreg:$0x10]  }
0x118: {  	[spmem:s2] =	stream.indirect.scatter.add.f32 [tilespmem:s22], [sflag:$0x3], $0x80, s10, s20, $0xb8;
	[tilespmem:$0x1D000] =	vst v63  }
0x119: {  	_ =	swait.ge [sflag:s18], $0x4000  }
0x11a: {  	[sflag:s18] =	ssyncset.done $0x0  }
0x11b: {  	[sflag:s18] =	ssyncadd.s32 $0xFFFFC000  }
0x11c: {  	_ =	swait.ge [sflag:s21], $0x4000  }
0x11d: {  	[sflag:s21] =	ssyncset.done $0x0  }
0x11e: {  	s7 =	rddreg [dreg:$0x11];
	[sflag:s21] =	ssyncadd.s32 $0xFFFFC000  }
0x11f: {  	[tilespmem:s22], [sflag:$0x2] =	stream.indirect.gather [hbm4b:s1+s20], $0x80, s7, s20, $0xb8;
	[tilespmem:$0x1D000] =	vst v63  }
0x120: {  	s10 =	rddreg [dreg:$0x12]  }
0x121: {  	[spmem:s2] =	stream.indirect.scatter.add.f32 [tilespmem:s17], [sflag:$0x3], $0x80, s10, s20, $0xb8;
	[tilespmem:$0x1D000] =	vst v63  }
0x122: {  	_ =	swait.ge [sflag:s18], $0x4000  }
0x123: {  	[sflag:s18] =	ssyncset.done $0x0  }
0x124: {  	[sflag:s18] =	ssyncadd.s32 $0xFFFFC000  }
0x125: {  	_ =	swait.ge [sflag:s23], $0x4000  }
0x126: {  	[sflag:s23] =	ssyncset.done $0x0  }
0x127: {  	[sflag:s23] =	ssyncadd.s32 $0xFFFFC000  }
0x128: {  	[tilespmem:s17], [sflag:$0x1] =	stream.indirect.gather [hbm4b:s1+s20], $0x80, s24, s20, $0xb8;
	[tilespmem:$0x1D000] =	vst v63  }
0x129: {  	_ = 	snop  }
0x12a: {  	[spmem:s2] =	stream.indirect.scatter.add.f32 [tilespmem:s22], [sflag:$0x3], $0x80, s25, s20, $0xb8;
	[tilespmem:$0x1D000] =	vst v63  }
0x12b: {  	_ =	swait.ge [sflag:s18], $0x4000  }
0x12c: {  	[sflag:s18] =	ssyncset.done $0x0  }
0x12d: {  	[sflag:s18] =	ssyncadd.s32 $0xFFFFC000  }
0x12e: {  	_ =	swait.ge [sflag:s21], $0x4000  }
0x12f: {  	[sflag:s21] =	ssyncset.done $0x0  }
0x130: {  	[sflag:s21] =	ssyncadd.s32 $0xFFFFC000  }
0x131: {  	[tilespmem:s22], [sflag:$0x2] =	stream.indirect.gather [hbm4b:s1+s20], $0x80, s26, s20, $0xb8;
	[tilespmem:$0x1D000] =	vst v63  }
0x132: {  	_ = 	snop  }
0x133: {  	[spmem:s2] =	stream.indirect.scatter.add.f32 [tilespmem:s17], [sflag:$0x3], $0x80, s28, s20, $0xb8;
	[tilespmem:$0x1D000] =	vst v63  }
0x134: {  	_ =	swait.ge [sflag:s18], $0x4000  }
0x135: {  	[sflag:s18] =	ssyncset.done $0x0  }
0x136: {  	[sflag:s18] =	ssyncadd.s32 $0xFFFFC000  }
0x137: {  	_ =	swait.ge [sflag:s23], $0x4000  }
0x138: {  	[sflag:s23] =	ssyncset.done $0x0  }
0x139: {  	[sflag:s23] =	ssyncadd.s32 $0xFFFFC000  }
0x13a: {  	[tilespmem:s17], [sflag:$0x1] =	stream.indirect.gather [hbm4b:s1+s20], $0x80, s29, s20, $0xb8;
	[tilespmem:$0x1D000] =	vst v63  }
0x13b: {  	_ = 	snop  }
0x13c: {  	[spmem:s2] =	stream.indirect.scatter.add.f32 [tilespmem:s22], [sflag:$0x3], $0x80, s30, s20, $0xb8;
	[tilespmem:$0x1D000] =	vst v63  }
0x13d: {  	_ =	swait.ge [sflag:s18], $0x4000  }
0x13e: {  	[sflag:s18] =	ssyncset.done $0x0  }
0x13f: {  	[sflag:s18] =	ssyncadd.s32 $0xFFFFC000  }
0x140: {  	_ =	swait.ge [sflag:s21], $0x4000  }
0x141: {  	[sflag:s21] =	ssyncset.done $0x0  }
0x142: {  	[sflag:s21] =	ssyncadd.s32 $0xFFFFC000  }
0x143: {  	[tilespmem:s22], [sflag:$0x2] =	stream.indirect.gather [hbm4b:s1+s20], $0x80, s31, s20, $0xb8;
	[tilespmem:$0x1D000] =	vst v63  }
0x144: {  	_ = 	snop  }
0x145: {  	[spmem:s2] =	stream.indirect.scatter.add.f32 [tilespmem:s17], [sflag:$0x3], $0x80, s0, s20, $0xb8;
	[tilespmem:$0x1D000] =	vst v63  }
0x146: {  	_ =	swait.ge [sflag:s18], $0x4000  }
0x147: {  	[sflag:s18] =	ssyncset.done $0x0  }
0x148: {  	[sflag:s18] =	ssyncadd.s32 $0xFFFFC000  }
0x149: {  	_ =	swait.ge [sflag:s23], $0x4000  }
0x14a: {  	[sflag:s23] =	ssyncset.done $0x0  }
0x14b: {  	[sflag:s23] =	ssyncadd.s32 $0xFFFFC000  }
0x14c: {  	[tilespmem:s17], [sflag:$0x1] =	stream.indirect.gather [hbm4b:s1+s20], $0x80, s3, s20, $0xb8;
	[tilespmem:$0x1D000] =	vst v63  }
0x14d: {  	_ = 	snop  }
0x14e: {  	[spmem:s2] =	stream.indirect.scatter.add.f32 [tilespmem:s22], [sflag:$0x3], $0x80, s5, s20, $0xb8;
	[tilespmem:$0x1D000] =	vst v63  }
0x14f: {  	_ =	swait.ge [sflag:s18], $0x4000  }
0x150: {  	[sflag:s18] =	ssyncset.done $0x0  }
0x151: {  	[sflag:s18] =	ssyncadd.s32 $0xFFFFC000  }
0x152: {  	_ =	swait.ge [sflag:s21], $0x4000  }
0x153: {  	[sflag:s21] =	ssyncset.done $0x0  }
0x154: {  	[sflag:s21] =	ssyncadd.s32 $0xFFFFC000  }
0x155: {  	[tilespmem:s22], [sflag:$0x2] =	stream.indirect.gather [hbm4b:s1+s20], $0x80, s11, s20, $0xb8;
	[tilespmem:$0x1D000] =	vst v63  }
0x156: {  	_ = 	snop  }
0x157: {  	[spmem:s2] =	stream.indirect.scatter.add.f32 [tilespmem:s17], [sflag:$0x3], $0x80, s12, s20, $0xb8;
	[tilespmem:$0x1D000] =	vst v63  }
0x158: {  	_ =	swait.ge [sflag:s18], $0x4000  }
0x159: {  	[sflag:s18] =	ssyncset.done $0x0  }
0x15a: {  	[sflag:s18] =	ssyncadd.s32 $0xFFFFC000  }
0x15b: {  	_ =	swait.ge [sflag:s23], $0x4000  }
0x15c: {  	[sflag:s23] =	ssyncset.done $0x0  }
0x15d: {  	[sflag:s23] =	ssyncadd.s32 $0xFFFFC000  }
0x15e: {  	[tilespmem:s17], [sflag:$0x1] =	stream.indirect.gather [hbm4b:s1+s20], $0x80, s13, s20, $0xb8;
	[tilespmem:$0x1D000] =	vst v63  }
0x15f: {  	_ = 	snop  }
0x160: {  	[spmem:s2] =	stream.indirect.scatter.add.f32 [tilespmem:s22], [sflag:$0x3], $0x80, s14, s20, $0xb8;
	[tilespmem:$0x1D000] =	vst v63  }
0x161: {  	_ =	swait.ge [sflag:s18], $0x4000  }
0x162: {  	[sflag:s18] =	ssyncset.done $0x0  }
0x163: {  	[sflag:s18] =	ssyncadd.s32 $0xFFFFC000  }
0x164: {  	_ =	swait.ge [sflag:s21], $0x4000  }
0x165: {  	[sflag:s21] =	ssyncset.done $0x0  }
0x166: {  	[sflag:s21] =	ssyncadd.s32 $0xFFFFC000  }
0x167: {  	[tilespmem:s22], [sflag:$0x2] =	stream.indirect.gather [hbm4b:s1+s20], $0x80, s15, s20, $0xb8;
	[tilespmem:$0x1D000] =	vst v63  }
0x168: {  	_ = 	snop  }
0x169: {  	[spmem:s2] =	stream.indirect.scatter.add.f32 [tilespmem:s17], [sflag:$0x3], $0x80, s16, s20, $0xb8;
	[tilespmem:$0x1D000] =	vst v63  }
0x16a: {  	_ =	swait.ge [sflag:s18], $0x4000  }
0x16b: {  	[sflag:s18] =	ssyncset.done $0x0  }
0x16c: {  	[sflag:s18] =	ssyncadd.s32 $0xFFFFC000  }
0x16d: {  	p0 =	sne.s32 s9, $0x400;
	_ =	swait.ge [sflag:s23], $0x4000  }
.Ltmp0:
0x16e: {  	[sflag:s23] =	ssyncset.done $0x0;
	(pc) =	sbr.rel @p0 .LBB2_2-.Ltmp0, $4  }
0x16f: {  	[sflag:s23] =	ssyncadd.s32 $0xFFFFC000  }
0x170: {  	[spmem:s2] =	stream.indirect.scatter.add.f32 [tilespmem:s22], [sflag:$0x3], $0x80, s6, s20, $0xb8;
	[tilespmem:$0x1D000] =	vst v63  }
0x171: {  	_ =	swait.ge [sflag:s18], $0x4000  }
0x172: {  	s9 =	sadd.s32 $0x100, s9;
	s10 =	rddreg [dreg:$0x6];
	[sflag:s18] =	ssyncset.done $0x0  }
0x173: {  	[sflag:s18] =	ssyncadd.s32 $0xFFFFC000;
	s7 =	sadd.s32 s8, s10  }
0x174: {  	[tilespmem:s4], [sflag:$0x3] =	stream.linear.gather [hbm4b:s7+s4], $0x800, $0x38;
	[tilespmem:$0x1D000] =	vst v63  }
0x175: {  	_ =	swait.ge [sflag:s18], $0x800  }
0x176: {  	s10 =	rddreg [dreg:$0x5];
	[sflag:s18] =	ssyncset.done $0x0  }
0x177: {  	[sflag:s18] =	ssyncadd.s32 $0xFFFFF800;
	s7 =	sadd.s32 s8, s10  }
0x178: {  	[tilespmem:s19], [sflag:$0x3] =	stream.linear.gather [hbm4b:s7+s4], $0x800, $0x38;
	[tilespmem:$0x1D000] =	vst v63  }
0x179: {  	_ =	swait.ge [sflag:s18], $0x800  }
0x17a: {  	[sflag:s18] =	ssyncset.done $0x0  }
0x17b: {  	[sflag:s18] =	ssyncadd.s32 $0xFFFFF800  }
0x17c: {  	[tilespmem:s17], [sflag:$0x1] =	stream.indirect.gather [hbm4b:s1+s20], $0x80, s4, s20, $0xb8;
	[tilespmem:$0x1D000] =	vst v63  }
0x17d: {  	_ =	swait.ge [sflag:s21], $0x4000  }
0x17e: {  	[sflag:s21] =	ssyncset.done $0x0  }
0x17f: {  	[sflag:s21] =	ssyncadd.s32 $0xFFFFC000  }
0x180: {  	[tilespmem:s22], [sflag:$0x2] =	stream.indirect.gather [hbm4b:s1+s20], $0x80, s20, s20, $0xb8;
	[tilespmem:$0x1D000] =	vst v63  }
0x181: {  	_ = 	snop  }
0x182: {  	[spmem:s2] =	stream.indirect.scatter.add.f32 [tilespmem:s17], [sflag:$0x3], $0x80, s19, s20, $0xb8;
	[tilespmem:$0x1D000] =	vst v63  }
0x183: {  	_ =	swait.ge [sflag:s18], $0x4000  }
0x184: {  	[sflag:s18] =	ssyncset.done $0x0  }
0x185: {  	[sflag:s18] =	ssyncadd.s32 $0xFFFFC000  }
0x186: {  	_ =	swait.ge [sflag:s23], $0x4000  }
0x187: {  	[sflag:s23] =	ssyncset.done $0x0  }
0x188: {  	s9 =	rddreg [dreg:$0x7];
	[sflag:s23] =	ssyncadd.s32 $0xFFFFC000  }
0x189: {  	[tilespmem:s17], [sflag:$0x1] =	stream.indirect.gather [hbm4b:s1+s20], $0x80, s9, s20, $0xb8;
	[tilespmem:$0x1D000] =	vst v63  }
0x18a: {  	s10 =	rddreg [dreg:$0x8]  }
0x18b: {  	[spmem:s2] =	stream.indirect.scatter.add.f32 [tilespmem:s22], [sflag:$0x3], $0x80, s10, s20, $0xb8;
	[tilespmem:$0x1D000] =	vst v63  }
0x18c: {  	_ =	swait.ge [sflag:s18], $0x4000  }
0x18d: {  	[sflag:s18] =	ssyncset.done $0x0  }
0x18e: {  	[sflag:s18] =	ssyncadd.s32 $0xFFFFC000  }
0x18f: {  	_ =	swait.ge [sflag:s21], $0x4000  }
0x190: {  	[sflag:s21] =	ssyncset.done $0x0  }
0x191: {  	s9 =	rddreg [dreg:$0x9];
	[sflag:s21] =	ssyncadd.s32 $0xFFFFC000  }
0x192: {  	[tilespmem:s22], [sflag:$0x2] =	stream.indirect.gather [hbm4b:s1+s20], $0x80, s9, s20, $0xb8;
	[tilespmem:$0x1D000] =	vst v63  }
0x193: {  	s10 =	rddreg [dreg:$0xa]  }
0x194: {  	[spmem:s2] =	stream.indirect.scatter.add.f32 [tilespmem:s17], [sflag:$0x3], $0x80, s10, s20, $0xb8;
	[tilespmem:$0x1D000] =	vst v63  }
0x195: {  	_ =	swait.ge [sflag:s18], $0x4000  }
0x196: {  	[sflag:s18] =	ssyncset.done $0x0  }
0x197: {  	[sflag:s18] =	ssyncadd.s32 $0xFFFFC000  }
0x198: {  	_ =	swait.ge [sflag:s23], $0x4000  }
0x199: {  	[sflag:s23] =	ssyncset.done $0x0  }
0x19a: {  	s9 =	rddreg [dreg:$0xb];
	[sflag:s23] =	ssyncadd.s32 $0xFFFFC000  }
0x19b: {  	[tilespmem:s17], [sflag:$0x1] =	stream.indirect.gather [hbm4b:s1+s20], $0x80, s9, s20, $0xb8;
	[tilespmem:$0x1D000] =	vst v63  }
0x19c: {  	s10 =	rddreg [dreg:$0xc]  }
0x19d: {  	[spmem:s2] =	stream.indirect.scatter.add.f32 [tilespmem:s22], [sflag:$0x3], $0x80, s10, s20, $0xb8;
	[tilespmem:$0x1D000] =	vst v63  }
0x19e: {  	_ =	swait.ge [sflag:s18], $0x4000  }
0x19f: {  	[sflag:s18] =	ssyncset.done $0x0  }
0x1a0: {  	[sflag:s18] =	ssyncadd.s32 $0xFFFFC000  }
0x1a1: {  	_ =	swait.ge [sflag:s21], $0x4000  }
0x1a2: {  	[sflag:s21] =	ssyncset.done $0x0  }
0x1a3: {  	s9 =	rddreg [dreg:$0xd];
	[sflag:s21] =	ssyncadd.s32 $0xFFFFC000  }
0x1a4: {  	[tilespmem:s22], [sflag:$0x2] =	stream.indirect.gather [hbm4b:s1+s20], $0x80, s9, s20, $0xb8;
	[tilespmem:$0x1D000] =	vst v63  }
0x1a5: {  	s10 =	rddreg [dreg:$0xe]  }
0x1a6: {  	[spmem:s2] =	stream.indirect.scatter.add.f32 [tilespmem:s17], [sflag:$0x3], $0x80, s10, s20, $0xb8;
	[tilespmem:$0x1D000] =	vst v63  }
0x1a7: {  	_ =	swait.ge [sflag:s18], $0x4000  }
0x1a8: {  	[sflag:s18] =	ssyncset.done $0x0  }
0x1a9: {  	[sflag:s18] =	ssyncadd.s32 $0xFFFFC000  }
0x1aa: {  	_ =	swait.ge [sflag:s23], $0x4000  }
0x1ab: {  	[sflag:s23] =	ssyncset.done $0x0  }
0x1ac: {  	s9 =	rddreg [dreg:$0xf];
	[sflag:s23] =	ssyncadd.s32 $0xFFFFC000  }
0x1ad: {  	[tilespmem:s17], [sflag:$0x1] =	stream.indirect.gather [hbm4b:s1+s20], $0x80, s9, s20, $0xb8;
	[tilespmem:$0x1D000] =	vst v63  }
0x1ae: {  	s10 =	rddreg [dreg:$0x10]  }
0x1af: {  	[spmem:s2] =	stream.indirect.scatter.add.f32 [tilespmem:s22], [sflag:$0x3], $0x80, s10, s20, $0xb8;
	[tilespmem:$0x1D000] =	vst v63  }
0x1b0: {  	_ =	swait.ge [sflag:s18], $0x4000  }
0x1b1: {  	[sflag:s18] =	ssyncset.done $0x0  }
0x1b2: {  	[sflag:s18] =	ssyncadd.s32 $0xFFFFC000  }
0x1b3: {  	_ =	swait.ge [sflag:s21], $0x4000  }
0x1b4: {  	[sflag:s21] =	ssyncset.done $0x0  }
0x1b5: {  	s9 =	rddreg [dreg:$0x11];
	[sflag:s21] =	ssyncadd.s32 $0xFFFFC000  }
0x1b6: {  	[tilespmem:s22], [sflag:$0x2] =	stream.indirect.gather [hbm4b:s1+s20], $0x80, s9, s20, $0xb8;
	[tilespmem:$0x1D000] =	vst v63  }
0x1b7: {  	s10 =	rddreg [dreg:$0x12]  }
0x1b8: {  	[spmem:s2] =	stream.indirect.scatter.add.f32 [tilespmem:s17], [sflag:$0x3], $0x80, s10, s20, $0xb8;
	[tilespmem:$0x1D000] =	vst v63  }
0x1b9: {  	_ =	swait.ge [sflag:s18], $0x4000  }
0x1ba: {  	[sflag:s18] =	ssyncset.done $0x0  }
0x1bb: {  	[sflag:s18] =	ssyncadd.s32 $0xFFFFC000  }
0x1bc: {  	_ =	swait.ge [sflag:s23], $0x4000  }
0x1bd: {  	[sflag:s23] =	ssyncset.done $0x0  }
0x1be: {  	[sflag:s23] =	ssyncadd.s32 $0xFFFFC000  }
0x1bf: {  	[tilespmem:s17], [sflag:$0x1] =	stream.indirect.gather [hbm4b:s1+s20], $0x80, s24, s20, $0xb8;
	[tilespmem:$0x1D000] =	vst v63  }
0x1c0: {  	_ = 	snop  }
0x1c1: {  	[spmem:s2] =	stream.indirect.scatter.add.f32 [tilespmem:s22], [sflag:$0x3], $0x80, s25, s20, $0xb8;
	[tilespmem:$0x1D000] =	vst v63  }
0x1c2: {  	_ =	swait.ge [sflag:s18], $0x4000  }
0x1c3: {  	[sflag:s18] =	ssyncset.done $0x0  }
0x1c4: {  	[sflag:s18] =	ssyncadd.s32 $0xFFFFC000  }
0x1c5: {  	_ =	swait.ge [sflag:s21], $0x4000  }
0x1c6: {  	[sflag:s21] =	ssyncset.done $0x0  }
0x1c7: {  	[sflag:s21] =	ssyncadd.s32 $0xFFFFC000  }
0x1c8: {  	[tilespmem:s22], [sflag:$0x2] =	stream.indirect.gather [hbm4b:s1+s20], $0x80, s26, s20, $0xb8;
	[tilespmem:$0x1D000] =	vst v63  }
0x1c9: {  	_ = 	snop  }
0x1ca: {  	[spmem:s2] =	stream.indirect.scatter.add.f32 [tilespmem:s17], [sflag:$0x3], $0x80, s28, s20, $0xb8;
	[tilespmem:$0x1D000] =	vst v63  }
0x1cb: {  	_ =	swait.ge [sflag:s18], $0x4000  }
0x1cc: {  	[sflag:s18] =	ssyncset.done $0x0  }
0x1cd: {  	[sflag:s18] =	ssyncadd.s32 $0xFFFFC000  }
0x1ce: {  	_ =	swait.ge [sflag:s23], $0x4000  }
0x1cf: {  	[sflag:s23] =	ssyncset.done $0x0  }
0x1d0: {  	[sflag:s23] =	ssyncadd.s32 $0xFFFFC000  }
0x1d1: {  	[tilespmem:s17], [sflag:$0x1] =	stream.indirect.gather [hbm4b:s1+s20], $0x80, s29, s20, $0xb8;
	[tilespmem:$0x1D000] =	vst v63  }
0x1d2: {  	_ = 	snop  }
0x1d3: {  	[spmem:s2] =	stream.indirect.scatter.add.f32 [tilespmem:s22], [sflag:$0x3], $0x80, s30, s20, $0xb8;
	[tilespmem:$0x1D000] =	vst v63  }
0x1d4: {  	_ =	swait.ge [sflag:s18], $0x4000  }
0x1d5: {  	[sflag:s18] =	ssyncset.done $0x0  }
0x1d6: {  	[sflag:s18] =	ssyncadd.s32 $0xFFFFC000  }
0x1d7: {  	_ =	swait.ge [sflag:s21], $0x4000  }
0x1d8: {  	[sflag:s21] =	ssyncset.done $0x0  }
0x1d9: {  	[sflag:s21] =	ssyncadd.s32 $0xFFFFC000  }
0x1da: {  	[tilespmem:s22], [sflag:$0x2] =	stream.indirect.gather [hbm4b:s1+s20], $0x80, s31, s20, $0xb8;
	[tilespmem:$0x1D000] =	vst v63  }
0x1db: {  	_ = 	snop  }
0x1dc: {  	[spmem:s2] =	stream.indirect.scatter.add.f32 [tilespmem:s17], [sflag:$0x3], $0x80, s0, s20, $0xb8;
	[tilespmem:$0x1D000] =	vst v63  }
0x1dd: {  	_ =	swait.ge [sflag:s18], $0x4000  }
0x1de: {  	[sflag:s18] =	ssyncset.done $0x0  }
0x1df: {  	[sflag:s18] =	ssyncadd.s32 $0xFFFFC000  }
0x1e0: {  	_ =	swait.ge [sflag:s23], $0x4000  }
0x1e1: {  	[sflag:s23] =	ssyncset.done $0x0  }
0x1e2: {  	[sflag:s23] =	ssyncadd.s32 $0xFFFFC000  }
0x1e3: {  	[tilespmem:s17], [sflag:$0x1] =	stream.indirect.gather [hbm4b:s1+s20], $0x80, s3, s20, $0xb8;
	[tilespmem:$0x1D000] =	vst v63  }
0x1e4: {  	_ = 	snop  }
0x1e5: {  	[spmem:s2] =	stream.indirect.scatter.add.f32 [tilespmem:s22], [sflag:$0x3], $0x80, s5, s20, $0xb8;
	[tilespmem:$0x1D000] =	vst v63  }
0x1e6: {  	_ =	swait.ge [sflag:s18], $0x4000  }
0x1e7: {  	[sflag:s18] =	ssyncset.done $0x0  }
0x1e8: {  	[sflag:s18] =	ssyncadd.s32 $0xFFFFC000  }
0x1e9: {  	_ =	swait.ge [sflag:s21], $0x4000  }
0x1ea: {  	[sflag:s21] =	ssyncset.done $0x0  }
0x1eb: {  	[sflag:s21] =	ssyncadd.s32 $0xFFFFC000  }
0x1ec: {  	[tilespmem:s22], [sflag:$0x2] =	stream.indirect.gather [hbm4b:s1+s20], $0x80, s11, s20, $0xb8;
	[tilespmem:$0x1D000] =	vst v63  }
0x1ed: {  	_ = 	snop  }
0x1ee: {  	[spmem:s2] =	stream.indirect.scatter.add.f32 [tilespmem:s17], [sflag:$0x3], $0x80, s12, s20, $0xb8;
	[tilespmem:$0x1D000] =	vst v63  }
0x1ef: {  	_ =	swait.ge [sflag:s18], $0x4000  }
0x1f0: {  	[sflag:s18] =	ssyncset.done $0x0  }
0x1f1: {  	[sflag:s18] =	ssyncadd.s32 $0xFFFFC000  }
0x1f2: {  	_ =	swait.ge [sflag:s23], $0x4000  }
0x1f3: {  	[sflag:s23] =	ssyncset.done $0x0  }
0x1f4: {  	[sflag:s23] =	ssyncadd.s32 $0xFFFFC000  }
0x1f5: {  	[tilespmem:s17], [sflag:$0x1] =	stream.indirect.gather [hbm4b:s1+s20], $0x80, s13, s20, $0xb8;
	[tilespmem:$0x1D000] =	vst v63  }
0x1f6: {  	_ = 	snop  }
0x1f7: {  	[spmem:s2] =	stream.indirect.scatter.add.f32 [tilespmem:s22], [sflag:$0x3], $0x80, s14, s20, $0xb8;
	[tilespmem:$0x1D000] =	vst v63  }
0x1f8: {  	_ =	swait.ge [sflag:s18], $0x4000  }
0x1f9: {  	[sflag:s18] =	ssyncset.done $0x0  }
0x1fa: {  	[sflag:s18] =	ssyncadd.s32 $0xFFFFC000  }
0x1fb: {  	_ =	swait.ge [sflag:s21], $0x4000  }
0x1fc: {  	[sflag:s21] =	ssyncset.done $0x0  }
0x1fd: {  	[sflag:s21] =	ssyncadd.s32 $0xFFFFC000  }
0x1fe: {  	[tilespmem:s22], [sflag:$0x2] =	stream.indirect.gather [hbm4b:s1+s20], $0x80, s15, s20, $0xb8;
	[tilespmem:$0x1D000] =	vst v63  }
0x1ff: {  	_ = 	snop  }
0x200: {  	[spmem:s2] =	stream.indirect.scatter.add.f32 [tilespmem:s17], [sflag:$0x3], $0x80, s16, s20, $0xb8;
	[tilespmem:$0x1D000] =	vst v63  }
0x201: {  	_ =	swait.ge [sflag:s18], $0x4000  }
0x202: {  	[sflag:s18] =	ssyncset.done $0x0  }
0x203: {  	[sflag:s18] =	ssyncadd.s32 $0xFFFFC000  }
0x204: {  	_ =	swait.ge [sflag:s23], $0x4000  }
0x205: {  	[sflag:s23] =	ssyncset.done $0x0  }
0x206: {  	[sflag:s23] =	ssyncadd.s32 $0xFFFFC000  }
0x207: {  	[spmem:s2] =	stream.indirect.scatter.add.f32 [tilespmem:s22], [sflag:$0x3], $0x80, s6, s20, $0xb8;
	[tilespmem:$0x1D000] =	vst v63  }
0x208: {  	_ =	swait.ge [sflag:s18], $0x4000  }
0x209: {  	[sflag:s18] =	ssyncset.done $0x0  }
0x20a: {  	[sflag:s18] =	ssyncadd.s32 $0xFFFFC000  }
0x20b: {  	[bflag:$0x0] =	sbarrier.arrive $0xFFFF  }
0x20c: {  	s8 =	rddreg [dreg:$0x14]  }
0x20d: {  	[tilespmem:s17], [sflag:$0x3] =	stream.linear.gather [spmem:s8], $0x4000, $0x38;
	[tilespmem:$0x1D000] =	vst v63  }
0x20e: {  	_ =	swait.ge [sflag:s18], $0x4000  }
0x20f: {  	[sflag:s18] =	ssyncset.done $0x0  }
0x210: {  	s9 =	rddreg [dreg:$0x19];
	[sflag:s18] =	ssyncadd.s32 $0xFFFFC000  }
0x211: {  	[hbm4b:s9+s4] =	stream.linear.scatter [tilespmem:s17], [sflag:$0x3], $0x4000, $0x38;
	[tilespmem:$0x1D000] =	vst v63  }
0x212: {  	_ =	swait.ge [sflag:s18], $0x4000  }
0x213: {  	[sflag:s18] =	ssyncset.done $0x0  }
0x214: {  	s9 =	rddreg [dreg:$0x15];
	[sflag:s18] =	ssyncadd.s32 $0xFFFFC000  }
0x215: {  	[tilespmem:s17], [sflag:$0x3] =	stream.linear.gather [spmem:s9], $0x4000, $0x38;
	[tilespmem:$0x1D000] =	vst v63  }
0x216: {  	_ =	swait.ge [sflag:s18], $0x4000  }
0x217: {  	[sflag:s18] =	ssyncset.done $0x0  }
0x218: {  	s10 =	rddreg [dreg:$0x1a];
	[sflag:s18] =	ssyncadd.s32 $0xFFFFC000  }
0x219: {  	[hbm4b:s10+s4] =	stream.linear.scatter [tilespmem:s17], [sflag:$0x3], $0x4000, $0x38;
	[tilespmem:$0x1D000] =	vst v63  }
0x21a: {  	_ =	swait.ge [sflag:s18], $0x4000  }
0x21b: {  	[sflag:s18] =	ssyncset.done $0x0  }
0x21c: {  	s8 =	rddreg [dreg:$0x16];
	[sflag:s18] =	ssyncadd.s32 $0xFFFFC000  }
0x21d: {  	[tilespmem:s17], [sflag:$0x3] =	stream.linear.gather [spmem:s8], $0x4000, $0x38;
	[tilespmem:$0x1D000] =	vst v63  }
0x21e: {  	_ =	swait.ge [sflag:s18], $0x4000  }
0x21f: {  	[sflag:s18] =	ssyncset.done $0x0  }
0x220: {  	s10 =	rddreg [dreg:$0x1b];
	[sflag:s18] =	ssyncadd.s32 $0xFFFFC000  }
0x221: {  	[hbm4b:s10+s4] =	stream.linear.scatter [tilespmem:s17], [sflag:$0x3], $0x4000, $0x38;
	[tilespmem:$0x1D000] =	vst v63  }
0x222: {  	_ =	swait.ge [sflag:s18], $0x4000  }
0x223: {  	[sflag:s18] =	ssyncset.done $0x0  }
0x224: {  	s8 =	rddreg [dreg:$0x17];
	[sflag:s18] =	ssyncadd.s32 $0xFFFFC000  }
0x225: {  	[tilespmem:s17], [sflag:$0x3] =	stream.linear.gather [spmem:s8], $0x4000, $0x38;
	[tilespmem:$0x1D000] =	vst v63  }
0x226: {  	_ =	swait.ge [sflag:s18], $0x4000  }
0x227: {  	[sflag:s18] =	ssyncset.done $0x0  }
0x228: {  	s10 =	rddreg [dreg:$0x1c];
	[sflag:s18] =	ssyncadd.s32 $0xFFFFC000  }
0x229: {  	[hbm4b:s10+s4] =	stream.linear.scatter [tilespmem:s17], [sflag:$0x3], $0x4000, $0x38;
	[tilespmem:$0x1D000] =	vst v63  }
0x22a: {  	_ =	swait.ge [sflag:s18], $0x4000  }
0x22b: {  	[sflag:s18] =	ssyncset.done $0x0  }
0x22c: {  	s10 =	rddreg [dreg:$0x18];
	[sflag:s18] =	ssyncadd.s32 $0xFFFFC000  }
0x22d: {  	[tilespmem:s17], [sflag:$0x3] =	stream.linear.gather [spmem:s10], $0x4000, $0x38;
	[tilespmem:$0x1D000] =	vst v63  }
0x22e: {  	_ =	swait.ge [sflag:s18], $0x4000  }
0x22f: {  	[sflag:s18] =	ssyncset.done $0x0  }
0x230: {  	s8 =	rddreg [dreg:$0x1d];
	[sflag:s18] =	ssyncadd.s32 $0xFFFFC000  }
0x231: {  	[hbm4b:s8+s4] =	stream.linear.scatter [tilespmem:s17], [sflag:$0x3], $0x4000, $0x38;
	[tilespmem:$0x1D000] =	vst v63  }
0x232: {  	_ =	swait.ge [sflag:s18], $0x4000  }
0x233: {  	s7 =	rddreg [dreg:$0x1f]  }
0x234: {  	s8 =	sadd.s32 $0x1, s7;
	s7 =	rddreg [dreg:$0x1e]  }
0x235: {  	p0 =	sne.s32 s8, s7  }
.Ltmp1:
0x236: {  	_ = 	snop;
	(pc) =	sbr.rel @p0 .LBB2_1-.Ltmp1, $3  }
0x237: {  	_ =	sdelay $0x1  }
0x238: {  	[sflag:s18] =	ssyncset.done $0x0;
	[dreg:$0x1f] =	wrdreg s8  }
0x239: {  	[sflag:s18] =	ssyncadd.s32 $0xFFFFC000;
	s8 =	rddreg [dreg:$0x14]  }
0x23a: {  	_ =	sfence.sel $0x180000  }
0x23b: {  	[bflag:$0x0] =	sbarrier.arrive $0xFFFF  }
0x23c: {  	_ =	strace $0x90000047  }
0x23d: {  	s0 =	stileid.u32;
	[bflag:$0x2] =	sbarrier.arrive $0xFFFF  }
0x23e: {  	p0 =	sne.s32 s0, $0x0;
	s0 =	rddreg [dreg:$0x4]  }
0x23f: {  	s0 =	sadd.s32 @!p0 $0x100000, s0  }
0x240: {  	[sflag:s0] =	ssyncadd.tile.s32 @!p0 $0x1;
	_ =	shalt  }
.Lfunc_end2:
_tile_overlayer_lowered:
.L_overlay_start_2:
0x241: {  	(tag) =	ssettag $0x2  }
0x242: {  	s0 =	rddreg [dreg:$0x0];
	s2 =	stileid.u32  }
0x243: {  	s1 =	rddreg [dreg:$0x1];
	p0 =	sne.s32 s2, $0x0  }
0x244: {  	s3 =	rddreg [dreg:$0x2];
	[bflag:$0x3] =	sbarrier.arrive $0xFFFF;
	s2 =	simm.s32 @!p0 $0x1C03  }
0x245: {  	[timem:s3], [sflag:s2] =	dma.local @!p0 [hbm:s0], s1  }
0x246: {  	s0 =	simm.s32 @!p0 $0x3  }
0x247: {  	_ =	swait.ge @!p0 [sflag:s0], s1  }
0x248: {  	s1 =	ssub.s32 @!p0 $0x0, s1;
	[sflag:s0] =	ssyncset.done @!p0 $0x0  }
0x249: {  	[sflag:s0] =	ssyncadd.s32 @!p0 s1  }
0x24a: {  	[bflag:$0x3] =	sbarrier.arrive $0xFFFF  }
0x24b: {  	_ =	shalt  }

</sc_bundles>
